<compile_context>
chip_gen: v7x
topology: tpu7x:2x2x1
jax: 0.10.2.dev20260603
libtpu: 0.0.44.dev20260713+nightly
codegen_flags: <defaults>
</compile_context>

<pallas_src>
import functools

import jax
import jax.numpy as jnp
from jax import lax
from jax.experimental import pallas as pl
from jax.experimental.pallas import tpu as pltpu
from jax.experimental.pallas import tpu_sc as plsc

F = 26
V = 100000
E = 32
OUT = 128
B = 16384
EPS = 1e-5

NW = 32
ROWS = B * F
IDX_MINOR = 128
TILE_ROWS = 8
CHUNK = TILE_ROWS * IDX_MINOR
PER_W_TILES = ROWS // IDX_MINOR // NW
STEPS = PER_W_TILES // TILE_ROWS

VB = 1024
NB = 98
VTAIL_B = V - (NB - 1) * VB
G = F * NB
GPW = (G + NW - 1) // NW


def _sc_transpose(src_hbm_arr):
    mesh = plsc.VectorSubcoreMesh(core_axis_name="c", subcore_axis_name="s")

    @functools.partial(
        pl.kernel,
        mesh=mesh,
        out_type=jax.ShapeDtypeStruct((F * V * E,), jnp.float32),
        scratch_types=[
            pltpu.VMEM((E * VB,), jnp.float32),
            pltpu.VMEM((E * VB,), jnp.float32),
        ],
        compiler_params=pltpu.CompilerParams(
            use_tc_tiling_on_sc=False, needs_layout_passes=False),
    )
    def k(src_hbm, scr, src_v, dst_v):
        wid = lax.axis_index("s") * 2 + lax.axis_index("c")
        lanes = lax.iota(jnp.int32, 16)
        pat_lo = lanes * VB
        pat_hi = pat_lo + 16 * VB

        def body(i, carry):
            gid = wid + NW * i

            @pl.when(gid < G)
            def _():
                cb = gid % NB
                f = gid // NB
                v0 = cb * VB
                nv = jnp.where(cb == NB - 1, VTAIL_B, VB)

                @pl.when(cb < NB - 1)
                def _rd_full():
                    for e32 in range(E):
                        pltpu.sync_copy(
                            src_hbm.at[pl.ds((f * E + e32) * V + v0, VB)],
                            src_v.at[pl.ds(e32 * VB, VB)])

                @pl.when(cb == NB - 1)
                def _rd_tail():
                    for e32 in range(E):
                        pltpu.sync_copy(
                            src_hbm.at[pl.ds((f * E + e32) * V + v0, VTAIL_B)],
                            src_v.at[pl.ds(e32 * VB, VTAIL_B)])

                @plsc.parallel_loop(0, nv, unroll=8)
                def vloop(v):
                    lo = plsc.load_gather(src_v, [pat_lo + v])
                    hi = plsc.load_gather(src_v, [pat_hi + v])
                    dst_v[pl.ds(v * E, 16)] = lo
                    dst_v[pl.ds(v * E + 16, 16)] = hi
                o0 = (f * V + v0) * E

                @pl.when(cb < NB - 1)
                def _wf():
                    pltpu.sync_copy(dst_v, scr.at[pl.ds(o0, E * VB)])

                @pl.when(cb == NB - 1)
                def _wt():
                    pltpu.sync_copy(dst_v.at[pl.ds(0, E * VTAIL_B)],
                                    scr.at[pl.ds(o0, E * VTAIL_B)])

            return carry

        lax.fori_loop(0, GPW, body, 0)

    return k(src_hbm_arr)


def _sc_gather(table_flat, idx2):
    mesh = plsc.VectorSubcoreMesh(core_axis_name="c", subcore_axis_name="s")

    @functools.partial(
        pl.kernel,
        mesh=mesh,
        out_type=jax.ShapeDtypeStruct((ROWS, E), jnp.float32),
        scratch_types=[
            pltpu.VMEM((TILE_ROWS, IDX_MINOR), jnp.int32),
            pltpu.VMEM((CHUNK, E), jnp.float32),
            pltpu.SemaphoreType.DMA,
        ],
        compiler_params=pltpu.CompilerParams(use_tc_tiling_on_sc=False),
    )
    def k(tbl, idx_hbm, out_hbm, idx_v, rows_v, sem):
        wid = lax.axis_index("s") * 2 + lax.axis_index("c")
        tile_base = wid * PER_W_TILES

        def body(i, carry):
            t0 = tile_base + i * TILE_ROWS
            pltpu.sync_copy(idx_hbm.at[pl.ds(t0, TILE_ROWS)], idx_v)
            cps = [
                pltpu.async_copy(
                    tbl.at[idx_v.at[j]],
                    rows_v.at[pl.ds(j * IDX_MINOR, IDX_MINOR)],
                    sem,
                )
                for j in range(TILE_ROWS)
            ]
            for cp in cps:
                cp.wait()
            pltpu.sync_copy(rows_v, out_hbm.at[pl.ds(t0 * IDX_MINOR, CHUNK)])
            return carry

        lax.fori_loop(0, STEPS, body, 0)

    return k(table_flat, idx2)


def _tc_proj(emb, W, b, gamma, beta):
    BB = 512

    def body(e_ref, w_ref, b_ref, g_ref, bt_ref, o_ref):
        h = jnp.dot(e_ref[...], w_ref[...], preferred_element_type=jnp.float32)
        h = jnp.maximum(h + b_ref[...], 0.0)
        m = jnp.mean(h, axis=-1, keepdims=True)
        c = h - m
        v = jnp.mean(c * c, axis=-1, keepdims=True)
        o_ref[...] = c * lax.rsqrt(v + EPS) * g_ref[...] + bt_ref[...]

    return pl.pallas_call(
        body,
        grid=(B // BB,),
        in_specs=[
            pl.BlockSpec((BB, F * E), lambda i: (i, 0)),
            pl.BlockSpec((F * E, OUT), lambda i: (0, 0)),
            pl.BlockSpec((1, OUT), lambda i: (0, 0)),
            pl.BlockSpec((1, OUT), lambda i: (0, 0)),
            pl.BlockSpec((1, OUT), lambda i: (0, 0)),
        ],
        out_specs=pl.BlockSpec((BB, OUT), lambda i: (i, 0)),
        out_shape=jax.ShapeDtypeStruct((B, OUT), jnp.float32),
    )(emb, W, b.reshape(1, OUT), gamma.reshape(1, OUT), beta.reshape(1, OUT))


def kernel(x, tables, W, b, gamma, beta):
    t2flat = jnp.swapaxes(tables, 1, 2).reshape(F * E * V)
    scr = _sc_transpose(t2flat)
    table_flat = scr.reshape(F * V, E)

    offs = (jnp.arange(F, dtype=jnp.int32) * V)[None, :]
    idx2 = (x.astype(jnp.int32) + offs).reshape(ROWS // IDX_MINOR, IDX_MINOR)

    emb = _sc_gather(table_flat, idx2)
    return _tc_proj(emb.reshape(B, F * E), W, b, gamma, beta)

# --- scband reference (transcript-rebuilt; emitter-appended) ---
"""Pipeline reference for scband-categorical-encoder-12292196401219 (READ-ONLY COPY).

The authoritative reference and input builder live on the scoring server;
editing this copy changes nothing except your own understanding.
"""

import jax, jax.numpy as jnp
import numpy as np

NUM_FIELDS = 26
VOCAB = 100000
EMB_DIM = 32
OUT_DIM = 128
BATCH = 16384
EPS = 1e-5


def setup_inputs(seed: int = 0) -> dict:
    key = jax.random.key(seed)
    k1, k2, k3, k4, k5, k6 = jax.random.split(key, 6)
    x = jax.random.randint(k1, (BATCH, NUM_FIELDS), 0, VOCAB, dtype=jnp.int64 if jax.config.jax_enable_x64 else jnp.int32)
    # stacked embedding tables: [num_fields, vocab, emb_dim]
    tables = jax.random.normal(k2, (NUM_FIELDS, VOCAB, EMB_DIM), dtype=jnp.float32) * 0.02
    concat_dim = NUM_FIELDS * EMB_DIM
    W = jax.random.normal(k3, (concat_dim, OUT_DIM), dtype=jnp.float32) * (1.0 / np.sqrt(concat_dim))
    b = jax.random.normal(k4, (OUT_DIM,), dtype=jnp.float32) * 0.01
    gamma = jnp.ones((OUT_DIM,), dtype=jnp.float32)
    beta = jnp.zeros((OUT_DIM,), dtype=jnp.float32)
    return {"x": x, "tables": tables, "W": W, "b": b, "gamma": gamma, "beta": beta}


def reference(x, tables, W, b, gamma, beta):
    # per-field embedding lookup: tables[i][x[:, i]] for each field i
    field_ids = jnp.arange(NUM_FIELDS)[None, :]  # [1, F]
    embedded = tables[field_ids, x]              # [B, F, EMB_DIM]
    concat = embedded.reshape(x.shape[0], NUM_FIELDS * EMB_DIM)
    h = concat @ W + b
    h = jax.nn.relu(h)
    # LayerNorm over last dim
    mean = jnp.mean(h, axis=-1, keepdims=True)
    var = jnp.var(h, axis=-1, keepdims=True)
    out = (h - mean) / jnp.sqrt(var + EPS) * gamma + beta
    return out

if __name__ == "__main__":
    import jax
    _d = setup_inputs()
    print(jax.jit(kernel)(*tuple(_d.values())))

</pallas_src>

<mosaic_0001>
#map = affine_map<(d0, d1) -> (0)>
module attributes {stable_mosaic.version = 14 : i64} {
  func.func @k(%arg0: i32, %arg1: i32, %arg2: memref<83200000xf32, #tpu.memory_space<hbm>>, %arg3: memref<83200000xf32, #tpu.memory_space<hbm>>, %arg4: memref<32768xf32, #tpu.memory_space<vmem>>, %arg5: memref<32768xf32, #tpu.memory_space<vmem>>) attributes {dimension_semantics = [#tpu.dimension_semantics<core_parallel>, #tpu.dimension_semantics<subcore_parallel>], iteration_bounds = array<i64: 2, 16>, scalar_prefetch = 0 : i64, scratch_operands = 2 : i64, tpu.core_type = #tpu.core_type<sc_vector_subcore>, window_params = [{transform_indices = #map}, {transform_indices = #map}]} {
    %mul3A = arith.constant 2 : i32
    %mul3A_0 = arith.muli %arg1, %mul3A : i32
    %add3A = arith.addi %mul3A_0, %arg0 : i32
    %iota3A = tpu.iota {dimensions = array<i32: 0>} : vector<16xi32>
    %mul3A_1 = arith.constant 1024 : i32
    %mul3A_2 = vector.broadcast %mul3A_1 : i32 to vector<16xi32>
    %mul3A_3 = arith.muli %iota3A, %mul3A_2 : vector<16xi32>
    %add3A_4 = arith.constant 16384 : i32
    %add3A_5 = vector.broadcast %add3A_4 : i32 to vector<16xi32>
    %add3A_6 = arith.addi %mul3A_3, %add3A_5 : vector<16xi32>
    %scan3A = arith.constant 0 : i32
    %scan3A_7 = arith.constant 0 : i32
    %scan3A_8 = arith.constant 80 : i32
    %scan3A_9 = arith.addi %scan3A_7, %scan3A_8 : i32
    %scan3A_10 = arith.constant 1 : i32
    scf.for %scan3A_12 = %scan3A_7 to %scan3A_9 step %scan3A_10  : i32 {
      %mul3A_13 = arith.constant 32 : i32
      %mul3A_14 = arith.muli %mul3A_13, %scan3A_12 : i32
      %add3A_15 = arith.addi %add3A, %mul3A_14 : i32
      %lt3A = arith.constant 2548 : i32
      %lt3A_16 = arith.cmpi slt, %add3A_15, %lt3A : i32
      %convert_element_type3A = arith.extui %lt3A_16 : i1 to i32
      %cond3A = arith.constant 0 : i32
      %cond3A_17 = arith.cmpi ne, %convert_element_type3A, %cond3A : i32
      scf.if %cond3A_17 {
        %jit3A = arith.constant 98 : i32
        %eq3A = arith.constant 0 : i32
        %eq3A_18 = arith.cmpi eq, %jit3A, %eq3A : i32
        %jit3A_19 = arith.constant 1 : i32
        %select_n3A = arith.select %eq3A_18, %jit3A_19, %jit3A : i32
        %rem3A = arith.remsi %add3A_15, %select_n3A : i32
        %ne3A = arith.constant 0 : i32
        %ne3A_20 = arith.cmpi ne, %rem3A, %ne3A : i32
        %lt3A_21 = arith.constant 0 : i32
        %lt3A_22 = arith.cmpi slt, %rem3A, %lt3A_21 : i32
        %lt3A_23 = arith.constant 0 : i32
        %lt3A_24 = arith.cmpi slt, %select_n3A, %lt3A_23 : i32
        %ne3A_25 = arith.xori %lt3A_22, %lt3A_24 : i1
        %and3A = arith.andi %ne3A_25, %ne3A_20 : i1
        %add3A_26 = arith.addi %rem3A, %select_n3A : i32
        %select_n3A_27 = arith.select %and3A, %add3A_26, %rem3A : i32
        %jit3A_28 = arith.constant 98 : i32
        %div3A = arith.divsi %add3A_15, %jit3A_28 : i32
        %sign3A = arith.constant 0 : i32
        %sign3A_29 = arith.cmpi sgt, %add3A_15, %sign3A : i32
        %sign3A_30 = arith.extui %sign3A_29 : i1 to i32
        %sign3A_31 = arith.constant 0 : i32
        %sign3A_32 = arith.cmpi slt, %add3A_15, %sign3A_31 : i32
        %sign3A_33 = arith.extui %sign3A_32 : i1 to i32
        %sign3A_34 = arith.subi %sign3A_30, %sign3A_33 : i32
        %sign3A_35 = arith.constant 0 : i32
        %sign3A_36 = arith.cmpi sgt, %jit3A_28, %sign3A_35 : i32
        %sign3A_37 = arith.extui %sign3A_36 : i1 to i32
        %sign3A_38 = arith.constant 0 : i32
        %sign3A_39 = arith.cmpi slt, %jit3A_28, %sign3A_38 : i32
        %sign3A_40 = arith.extui %sign3A_39 : i1 to i32
        %sign3A_41 = arith.subi %sign3A_37, %sign3A_40 : i32
        %ne3A_42 = arith.cmpi ne, %sign3A_34, %sign3A_41 : i32
        %rem3A_43 = arith.remsi %add3A_15, %jit3A_28 : i32
        %ne3A_44 = arith.constant 0 : i32
        %ne3A_45 = arith.cmpi ne, %rem3A_43, %ne3A_44 : i32
        %and3A_46 = arith.andi %ne3A_42, %ne3A_45 : i1
        %sub3A = arith.constant 1 : i32
        %sub3A_47 = arith.subi %div3A, %sub3A : i32
        %select_n3A_48 = arith.select %and3A_46, %sub3A_47, %div3A : i32
        %mul3A_49 = arith.constant 1024 : i32
        %mul3A_50 = arith.muli %select_n3A_27, %mul3A_49 : i32
        %eq3A_51 = arith.constant 97 : i32
        %eq3A_52 = arith.cmpi eq, %select_n3A_27, %eq3A_51 : i32
        %jit3A_53 = arith.constant 672 : i32
        %jit3A_54 = arith.constant 1024 : i32
        %select_n3A_55 = arith.select %eq3A_52, %jit3A_53, %jit3A_54 : i32
        %lt3A_56 = arith.constant 97 : i32
        %lt3A_57 = arith.cmpi slt, %select_n3A_27, %lt3A_56 : i32
        %convert_element_type3A_58 = arith.extui %lt3A_57 : i1 to i32
        %cond3A_59 = arith.constant 0 : i32
        %cond3A_60 = arith.cmpi ne, %convert_element_type3A_58, %cond3A_59 : i32
        scf.if %cond3A_60 {
          %mul3A_82 = arith.constant 32 : i32
          %mul3A_83 = arith.muli %select_n3A_48, %mul3A_82 : i32
          %add3A_84 = arith.constant 0 : i32
          %add3A_85 = arith.addi %mul3A_83, %add3A_84 : i32
          %mul3A_86 = arith.constant 100000 : i32
          %mul3A_87 = arith.muli %add3A_85, %mul3A_86 : i32
          %add3A_88 = arith.addi %mul3A_87, %mul3A_50 : i32
          "tpu.region"() ({
            %run_scoped3A = tpu.sem_alloc : memref<!tpu.dma_semaphore, #tpu.memory_space<semaphore_mem>>
            %dma_start3A = arith.constant 0 : i32
            %dma_start3A_306 = tpu.memref_slice %arg4[%dma_start3A] : memref<32768xf32, #tpu.memory_space<vmem>> -> memref<1024xf32, #tpu.memory_space<vmem>>
            %dma_start3A_307 = tpu.memref_slice %arg2[%add3A_88] : memref<83200000xf32, #tpu.memory_space<hbm>> -> memref<1024xf32, #tpu.memory_space<hbm>>
            %dma_start3A_308 = arith.constant 0 : i32
            %dma_start3A_309 = tpu.memref_slice %arg4[%dma_start3A_308] : memref<32768xf32, #tpu.memory_space<vmem>> -> memref<1024xf32, #tpu.memory_space<vmem>>
            %dma_start3A_310 = tpu.memref_slice %arg2[%add3A_88] : memref<83200000xf32, #tpu.memory_space<hbm>> -> memref<1024xf32, #tpu.memory_space<hbm>>
            tpu.enqueue_dma source(%dma_start3A_310 : memref<1024xf32, #tpu.memory_space<hbm>>) target(%dma_start3A_309 : memref<1024xf32, #tpu.memory_space<vmem>>) target_semaphore(%run_scoped3A : memref<!tpu.dma_semaphore, #tpu.memory_space<semaphore_mem>>)
            %dma_wait3A = arith.constant 0 : i32
            %dma_wait3A_311 = tpu.memref_slice %arg4[%dma_wait3A] : memref<32768xf32, #tpu.memory_space<vmem>> -> memref<1024xf32, #tpu.memory_space<vmem>>
            %dma_wait3A_312 = tpu.memref_slice %arg2[%add3A_88] : memref<83200000xf32, #tpu.memory_space<hbm>> -> memref<1024xf32, #tpu.memory_space<hbm>>
            %dma_wait3A_313 = arith.constant 0 : i32
            %dma_wait3A_314 = tpu.memref_slice %arg4[%dma_wait3A_313] : memref<32768xf32, #tpu.memory_space<vmem>> -> memref<1024xf32, #tpu.memory_space<vmem>>
            %dma_wait3A_315 = tpu.memref_slice %arg2[%add3A_88] : memref<83200000xf32, #tpu.memory_space<hbm>> -> memref<1024xf32, #tpu.memory_space<hbm>>
            tpu.wait_dma2 semaphore(%run_scoped3A : memref<!tpu.dma_semaphore, #tpu.memory_space<semaphore_mem>>) src(%dma_wait3A_315 : memref<1024xf32, #tpu.memory_space<hbm>>) dst(%dma_wait3A_314 : memref<1024xf32, #tpu.memory_space<vmem>>)
            tpu.yield
          }) : () -> ()
          %mul3A_89 = arith.constant 32 : i32
          %mul3A_90 = arith.muli %select_n3A_48, %mul3A_89 : i32
          %add3A_91 = arith.constant 1 : i32
          %add3A_92 = arith.addi %mul3A_90, %add3A_91 : i32
          %mul3A_93 = arith.constant 100000 : i32
          %mul3A_94 = arith.muli %add3A_92, %mul3A_93 : i32
          %add3A_95 = arith.addi %mul3A_94, %mul3A_50 : i32
          "tpu.region"() ({
            %run_scoped3A = tpu.sem_alloc : memref<!tpu.dma_semaphore, #tpu.memory_space<semaphore_mem>>
            %dma_start3A = arith.constant 1024 : i32
            %dma_start3A_306 = tpu.memref_slice %arg4[%dma_start3A] : memref<32768xf32, #tpu.memory_space<vmem>> -> memref<1024xf32, #tpu.memory_space<vmem>>
            %dma_start3A_307 = tpu.memref_slice %arg2[%add3A_95] : memref<83200000xf32, #tpu.memory_space<hbm>> -> memref<1024xf32, #tpu.memory_space<hbm>>
            %dma_start3A_308 = arith.constant 1024 : i32
            %dma_start3A_309 = tpu.memref_slice %arg4[%dma_start3A_308] : memref<32768xf32, #tpu.memory_space<vmem>> -> memref<1024xf32, #tpu.memory_space<vmem>>
            %dma_start3A_310 = tpu.memref_slice %arg2[%add3A_95] : memref<83200000xf32, #tpu.memory_space<hbm>> -> memref<1024xf32, #tpu.memory_space<hbm>>
            tpu.enqueue_dma source(%dma_start3A_310 : memref<1024xf32, #tpu.memory_space<hbm>>) target(%dma_start3A_309 : memref<1024xf32, #tpu.memory_space<vmem>>) target_semaphore(%run_scoped3A : memref<!tpu.dma_semaphore, #tpu.memory_space<semaphore_mem>>)
            %dma_wait3A = arith.constant 1024 : i32
            %dma_wait3A_311 = tpu.memref_slice %arg4[%dma_wait3A] : memref<32768xf32, #tpu.memory_space<vmem>> -> memref<1024xf32, #tpu.memory_space<vmem>>
            %dma_wait3A_312 = tpu.memref_slice %arg2[%add3A_95] : memref<83200000xf32, #tpu.memory_space<hbm>> -> memref<1024xf32, #tpu.memory_space<hbm>>
            %dma_wait3A_313 = arith.constant 1024 : i32
            %dma_wait3A_314 = tpu.memref_slice %arg4[%dma_wait3A_313] : memref<32768xf32, #tpu.memory_space<vmem>> -> memref<1024xf32, #tpu.memory_space<vmem>>
            %dma_wait3A_315 = tpu.memref_slice %arg2[%add3A_95] : memref<83200000xf32, #tpu.memory_space<hbm>> -> memref<1024xf32, #tpu.memory_space<hbm>>
            tpu.wait_dma2 semaphore(%run_scoped3A : memref<!tpu.dma_semaphore, #tpu.memory_space<semaphore_mem>>) src(%dma_wait3A_315 : memref<1024xf32, #tpu.memory_space<hbm>>) dst(%dma_wait3A_314 : memref<1024xf32, #tpu.memory_space<vmem>>)
            tpu.yield
          }) : () -> ()
          %mul3A_96 = arith.constant 32 : i32
          %mul3A_97 = arith.muli %select_n3A_48, %mul3A_96 : i32
          %add3A_98 = arith.constant 2 : i32
          %add3A_99 = arith.addi %mul3A_97, %add3A_98 : i32
          %mul3A_100 = arith.constant 100000 : i32
          %mul3A_101 = arith.muli %add3A_99, %mul3A_100 : i32
          %add3A_102 = arith.addi %mul3A_101, %mul3A_50 : i32
          "tpu.region"() ({
            %run_scoped3A = tpu.sem_alloc : memref<!tpu.dma_semaphore, #tpu.memory_space<semaphore_mem>>
            %dma_start3A = arith.constant 2048 : i32
            %dma_start3A_306 = tpu.memref_slice %arg4[%dma_start3A] : memref<32768xf32, #tpu.memory_space<vmem>> -> memref<1024xf32, #tpu.memory_space<vmem>>
            %dma_start3A_307 = tpu.memref_slice %arg2[%add3A_102] : memref<83200000xf32, #tpu.memory_space<hbm>> -> memref<1024xf32, #tpu.memory_space<hbm>>
            %dma_start3A_308 = arith.constant 2048 : i32
            %dma_start3A_309 = tpu.memref_slice %arg4[%dma_start3A_308] : memref<32768xf32, #tpu.memory_space<vmem>> -> memref<1024xf32, #tpu.memory_space<vmem>>
            %dma_start3A_310 = tpu.memref_slice %arg2[%add3A_102] : memref<83200000xf32, #tpu.memory_space<hbm>> -> memref<1024xf32, #tpu.memory_space<hbm>>
            tpu.enqueue_dma source(%dma_start3A_310 : memref<1024xf32, #tpu.memory_space<hbm>>) target(%dma_start3A_309 : memref<1024xf32, #tpu.memory_space<vmem>>) target_semaphore(%run_scoped3A : memref<!tpu.dma_semaphore, #tpu.memory_space<semaphore_mem>>)
            %dma_wait3A = arith.constant 2048 : i32
            %dma_wait3A_311 = tpu.memref_slice %arg4[%dma_wait3A] : memref<32768xf32, #tpu.memory_space<vmem>> -> memref<1024xf32, #tpu.memory_space<vmem>>
            %dma_wait3A_312 = tpu.memref_slice %arg2[%add3A_102] : memref<83200000xf32, #tpu.memory_space<hbm>> -> memref<1024xf32, #tpu.memory_space<hbm>>
            %dma_wait3A_313 = arith.constant 2048 : i32
            %dma_wait3A_314 = tpu.memref_slice %arg4[%dma_wait3A_313] : memref<32768xf32, #tpu.memory_space<vmem>> -> memref<1024xf32, #tpu.memory_space<vmem>>
            %dma_wait3A_315 = tpu.memref_slice %arg2[%add3A_102] : memref<83200000xf32, #tpu.memory_space<hbm>> -> memref<1024xf32, #tpu.memory_space<hbm>>
            tpu.wait_dma2 semaphore(%run_scoped3A : memref<!tpu.dma_semaphore, #tpu.memory_space<semaphore_mem>>) src(%dma_wait3A_315 : memref<1024xf32, #tpu.memory_space<hbm>>) dst(%dma_wait3A_314 : memref<1024xf32, #tpu.memory_space<vmem>>)
            tpu.yield
          }) : () -> ()
          %mul3A_103 = arith.constant 32 : i32
          %mul3A_104 = arith.muli %select_n3A_48, %mul3A_103 : i32
          %add3A_105 = arith.constant 3 : i32
          %add3A_106 = arith.addi %mul3A_104, %add3A_105 : i32
          %mul3A_107 = arith.constant 100000 : i32
          %mul3A_108 = arith.muli %add3A_106, %mul3A_107 : i32
          %add3A_109 = arith.addi %mul3A_108, %mul3A_50 : i32
          "tpu.region"() ({
            %run_scoped3A = tpu.sem_alloc : memref<!tpu.dma_semaphore, #tpu.memory_space<semaphore_mem>>
            %dma_start3A = arith.constant 3072 : i32
            %dma_start3A_306 = tpu.memref_slice %arg4[%dma_start3A] : memref<32768xf32, #tpu.memory_space<vmem>> -> memref<1024xf32, #tpu.memory_space<vmem>>
            %dma_start3A_307 = tpu.memref_slice %arg2[%add3A_109] : memref<83200000xf32, #tpu.memory_space<hbm>> -> memref<1024xf32, #tpu.memory_space<hbm>>
            %dma_start3A_308 = arith.constant 3072 : i32
            %dma_start3A_309 = tpu.memref_slice %arg4[%dma_start3A_308] : memref<32768xf32, #tpu.memory_space<vmem>> -> memref<1024xf32, #tpu.memory_space<vmem>>
            %dma_start3A_310 = tpu.memref_slice %arg2[%add3A_109] : memref<83200000xf32, #tpu.memory_space<hbm>> -> memref<1024xf32, #tpu.memory_space<hbm>>
            tpu.enqueue_dma source(%dma_start3A_310 : memref<1024xf32, #tpu.memory_space<hbm>>) target(%dma_start3A_309 : memref<1024xf32, #tpu.memory_space<vmem>>) target_semaphore(%run_scoped3A : memref<!tpu.dma_semaphore, #tpu.memory_space<semaphore_mem>>)
            %dma_wait3A = arith.constant 3072 : i32
            %dma_wait3A_311 = tpu.memref_slice %arg4[%dma_wait3A] : memref<32768xf32, #tpu.memory_space<vmem>> -> memref<1024xf32, #tpu.memory_space<vmem>>
            %dma_wait3A_312 = tpu.memref_slice %arg2[%add3A_109] : memref<83200000xf32, #tpu.memory_space<hbm>> -> memref<1024xf32, #tpu.memory_space<hbm>>
            %dma_wait3A_313 = arith.constant 3072 : i32
            %dma_wait3A_314 = tpu.memref_slice %arg4[%dma_wait3A_313] : memref<32768xf32, #tpu.memory_space<vmem>> -> memref<1024xf32, #tpu.memory_space<vmem>>
            %dma_wait3A_315 = tpu.memref_slice %arg2[%add3A_109] : memref<83200000xf32, #tpu.memory_space<hbm>> -> memref<1024xf32, #tpu.memory_space<hbm>>
            tpu.wait_dma2 semaphore(%run_scoped3A : memref<!tpu.dma_semaphore, #tpu.memory_space<semaphore_mem>>) src(%dma_wait3A_315 : memref<1024xf32, #tpu.memory_space<hbm>>) dst(%dma_wait3A_314 : memref<1024xf32, #tpu.memory_space<vmem>>)
            tpu.yield
          }) : () -> ()
          %mul3A_110 = arith.constant 32 : i32
          %mul3A_111 = arith.muli %select_n3A_48, %mul3A_110 : i32
          %add3A_112 = arith.constant 4 : i32
          %add3A_113 = arith.addi %mul3A_111, %add3A_112 : i32
          %mul3A_114 = arith.constant 100000 : i32
          %mul3A_115 = arith.muli %add3A_113, %mul3A_114 : i32
          %add3A_116 = arith.addi %mul3A_115, %mul3A_50 : i32
          "tpu.region"() ({
            %run_scoped3A = tpu.sem_alloc : memref<!tpu.dma_semaphore, #tpu.memory_space<semaphore_mem>>
            %dma_start3A = arith.constant 4096 : i32
            %dma_start3A_306 = tpu.memref_slice %arg4[%dma_start3A] : memref<32768xf32, #tpu.memory_space<vmem>> -> memref<1024xf32, #tpu.memory_space<vmem>>
            %dma_start3A_307 = tpu.memref_slice %arg2[%add3A_116] : memref<83200000xf32, #tpu.memory_space<hbm>> -> memref<1024xf32, #tpu.memory_space<hbm>>
            %dma_start3A_308 = arith.constant 4096 : i32
            %dma_start3A_309 = tpu.memref_slice %arg4[%dma_start3A_308] : memref<32768xf32, #tpu.memory_space<vmem>> -> memref<1024xf32, #tpu.memory_space<vmem>>
            %dma_start3A_310 = tpu.memref_slice %arg2[%add3A_116] : memref<83200000xf32, #tpu.memory_space<hbm>> -> memref<1024xf32, #tpu.memory_space<hbm>>
            tpu.enqueue_dma source(%dma_start3A_310 : memref<1024xf32, #tpu.memory_space<hbm>>) target(%dma_start3A_309 : memref<1024xf32, #tpu.memory_space<vmem>>) target_semaphore(%run_scoped3A : memref<!tpu.dma_semaphore, #tpu.memory_space<semaphore_mem>>)
            %dma_wait3A = arith.constant 4096 : i32
            %dma_wait3A_311 = tpu.memref_slice %arg4[%dma_wait3A] : memref<32768xf32, #tpu.memory_space<vmem>> -> memref<1024xf32, #tpu.memory_space<vmem>>
            %dma_wait3A_312 = tpu.memref_slice %arg2[%add3A_116] : memref<83200000xf32, #tpu.memory_space<hbm>> -> memref<1024xf32, #tpu.memory_space<hbm>>
            %dma_wait3A_313 = arith.constant 4096 : i32
            %dma_wait3A_314 = tpu.memref_slice %arg4[%dma_wait3A_313] : memref<32768xf32, #tpu.memory_space<vmem>> -> memref<1024xf32, #tpu.memory_space<vmem>>
            %dma_wait3A_315 = tpu.memref_slice %arg2[%add3A_116] : memref<83200000xf32, #tpu.memory_space<hbm>> -> memref<1024xf32, #tpu.memory_space<hbm>>
            tpu.wait_dma2 semaphore(%run_scoped3A : memref<!tpu.dma_semaphore, #tpu.memory_space<semaphore_mem>>) src(%dma_wait3A_315 : memref<1024xf32, #tpu.memory_space<hbm>>) dst(%dma_wait3A_314 : memref<1024xf32, #tpu.memory_space<vmem>>)
            tpu.yield
          }) : () -> ()
          %mul3A_117 = arith.constant 32 : i32
          %mul3A_118 = arith.muli %select_n3A_48, %mul3A_117 : i32
          %add3A_119 = arith.constant 5 : i32
          %add3A_120 = arith.addi %mul3A_118, %add3A_119 : i32
          %mul3A_121 = arith.constant 100000 : i32
          %mul3A_122 = arith.muli %add3A_120, %mul3A_121 : i32
          %add3A_123 = arith.addi %mul3A_122, %mul3A_50 : i32
          "tpu.region"() ({
            %run_scoped3A = tpu.sem_alloc : memref<!tpu.dma_semaphore, #tpu.memory_space<semaphore_mem>>
            %dma_start3A = arith.constant 5120 : i32
            %dma_start3A_306 = tpu.memref_slice %arg4[%dma_start3A] : memref<32768xf32, #tpu.memory_space<vmem>> -> memref<1024xf32, #tpu.memory_space<vmem>>
            %dma_start3A_307 = tpu.memref_slice %arg2[%add3A_123] : memref<83200000xf32, #tpu.memory_space<hbm>> -> memref<1024xf32, #tpu.memory_space<hbm>>
            %dma_start3A_308 = arith.constant 5120 : i32
            %dma_start3A_309 = tpu.memref_slice %arg4[%dma_start3A_308] : memref<32768xf32, #tpu.memory_space<vmem>> -> memref<1024xf32, #tpu.memory_space<vmem>>
            %dma_start3A_310 = tpu.memref_slice %arg2[%add3A_123] : memref<83200000xf32, #tpu.memory_space<hbm>> -> memref<1024xf32, #tpu.memory_space<hbm>>
            tpu.enqueue_dma source(%dma_start3A_310 : memref<1024xf32, #tpu.memory_space<hbm>>) target(%dma_start3A_309 : memref<1024xf32, #tpu.memory_space<vmem>>) target_semaphore(%run_scoped3A : memref<!tpu.dma_semaphore, #tpu.memory_space<semaphore_mem>>)
            %dma_wait3A = arith.constant 5120 : i32
            %dma_wait3A_311 = tpu.memref_slice %arg4[%dma_wait3A] : memref<32768xf32, #tpu.memory_space<vmem>> -> memref<1024xf32, #tpu.memory_space<vmem>>
            %dma_wait3A_312 = tpu.memref_slice %arg2[%add3A_123] : memref<83200000xf32, #tpu.memory_space<hbm>> -> memref<1024xf32, #tpu.memory_space<hbm>>
            %dma_wait3A_313 = arith.constant 5120 : i32
            %dma_wait3A_314 = tpu.memref_slice %arg4[%dma_wait3A_313] : memref<32768xf32, #tpu.memory_space<vmem>> -> memref<1024xf32, #tpu.memory_space<vmem>>
            %dma_wait3A_315 = tpu.memref_slice %arg2[%add3A_123] : memref<83200000xf32, #tpu.memory_space<hbm>> -> memref<1024xf32, #tpu.memory_space<hbm>>
            tpu.wait_dma2 semaphore(%run_scoped3A : memref<!tpu.dma_semaphore, #tpu.memory_space<semaphore_mem>>) src(%dma_wait3A_315 : memref<1024xf32, #tpu.memory_space<hbm>>) dst(%dma_wait3A_314 : memref<1024xf32, #tpu.memory_space<vmem>>)
            tpu.yield
          }) : () -> ()
          %mul3A_124 = arith.constant 32 : i32
          %mul3A_125 = arith.muli %select_n3A_48, %mul3A_124 : i32
          %add3A_126 = arith.constant 6 : i32
          %add3A_127 = arith.addi %mul3A_125, %add3A_126 : i32
          %mul3A_128 = arith.constant 100000 : i32
          %mul3A_129 = arith.muli %add3A_127, %mul3A_128 : i32
          %add3A_130 = arith.addi %mul3A_129, %mul3A_50 : i32
          "tpu.region"() ({
            %run_scoped3A = tpu.sem_alloc : memref<!tpu.dma_semaphore, #tpu.memory_space<semaphore_mem>>
            %dma_start3A = arith.constant 6144 : i32
            %dma_start3A_306 = tpu.memref_slice %arg4[%dma_start3A] : memref<32768xf32, #tpu.memory_space<vmem>> -> memref<1024xf32, #tpu.memory_space<vmem>>
            %dma_start3A_307 = tpu.memref_slice %arg2[%add3A_130] : memref<83200000xf32, #tpu.memory_space<hbm>> -> memref<1024xf32, #tpu.memory_space<hbm>>
            %dma_start3A_308 = arith.constant 6144 : i32
            %dma_start3A_309 = tpu.memref_slice %arg4[%dma_start3A_308] : memref<32768xf32, #tpu.memory_space<vmem>> -> memref<1024xf32, #tpu.memory_space<vmem>>
            %dma_start3A_310 = tpu.memref_slice %arg2[%add3A_130] : memref<83200000xf32, #tpu.memory_space<hbm>> -> memref<1024xf32, #tpu.memory_space<hbm>>
            tpu.enqueue_dma source(%dma_start3A_310 : memref<1024xf32, #tpu.memory_space<hbm>>) target(%dma_start3A_309 : memref<1024xf32, #tpu.memory_space<vmem>>) target_semaphore(%run_scoped3A : memref<!tpu.dma_semaphore, #tpu.memory_space<semaphore_mem>>)
            %dma_wait3A = arith.constant 6144 : i32
            %dma_wait3A_311 = tpu.memref_slice %arg4[%dma_wait3A] : memref<32768xf32, #tpu.memory_space<vmem>> -> memref<1024xf32, #tpu.memory_space<vmem>>
            %dma_wait3A_312 = tpu.memref_slice %arg2[%add3A_130] : memref<83200000xf32, #tpu.memory_space<hbm>> -> memref<1024xf32, #tpu.memory_space<hbm>>
            %dma_wait3A_313 = arith.constant 6144 : i32
            %dma_wait3A_314 = tpu.memref_slice %arg4[%dma_wait3A_313] : memref<32768xf32, #tpu.memory_space<vmem>> -> memref<1024xf32, #tpu.memory_space<vmem>>
            %dma_wait3A_315 = tpu.memref_slice %arg2[%add3A_130] : memref<83200000xf32, #tpu.memory_space<hbm>> -> memref<1024xf32, #tpu.memory_space<hbm>>
            tpu.wait_dma2 semaphore(%run_scoped3A : memref<!tpu.dma_semaphore, #tpu.memory_space<semaphore_mem>>) src(%dma_wait3A_315 : memref<1024xf32, #tpu.memory_space<hbm>>) dst(%dma_wait3A_314 : memref<1024xf32, #tpu.memory_space<vmem>>)
            tpu.yield
          }) : () -> ()
          %mul3A_131 = arith.constant 32 : i32
          %mul3A_132 = arith.muli %select_n3A_48, %mul3A_131 : i32
          %add3A_133 = arith.constant 7 : i32
          %add3A_134 = arith.addi %mul3A_132, %add3A_133 : i32
          %mul3A_135 = arith.constant 100000 : i32
          %mul3A_136 = arith.muli %add3A_134, %mul3A_135 : i32
          %add3A_137 = arith.addi %mul3A_136, %mul3A_50 : i32
          "tpu.region"() ({
            %run_scoped3A = tpu.sem_alloc : memref<!tpu.dma_semaphore, #tpu.memory_space<semaphore_mem>>
            %dma_start3A = arith.constant 7168 : i32
            %dma_start3A_306 = tpu.memref_slice %arg4[%dma_start3A] : memref<32768xf32, #tpu.memory_space<vmem>> -> memref<1024xf32, #tpu.memory_space<vmem>>
            %dma_start3A_307 = tpu.memref_slice %arg2[%add3A_137] : memref<83200000xf32, #tpu.memory_space<hbm>> -> memref<1024xf32, #tpu.memory_space<hbm>>
            %dma_start3A_308 = arith.constant 7168 : i32
            %dma_start3A_309 = tpu.memref_slice %arg4[%dma_start3A_308] : memref<32768xf32, #tpu.memory_space<vmem>> -> memref<1024xf32, #tpu.memory_space<vmem>>
            %dma_start3A_310 = tpu.memref_slice %arg2[%add3A_137] : memref<83200000xf32, #tpu.memory_space<hbm>> -> memref<1024xf32, #tpu.memory_space<hbm>>
            tpu.enqueue_dma source(%dma_start3A_310 : memref<1024xf32, #tpu.memory_space<hbm>>) target(%dma_start3A_309 : memref<1024xf32, #tpu.memory_space<vmem>>) target_semaphore(%run_scoped3A : memref<!tpu.dma_semaphore, #tpu.memory_space<semaphore_mem>>)
            %dma_wait3A = arith.constant 7168 : i32
            %dma_wait3A_311 = tpu.memref_slice %arg4[%dma_wait3A] : memref<32768xf32, #tpu.memory_space<vmem>> -> memref<1024xf32, #tpu.memory_space<vmem>>
            %dma_wait3A_312 = tpu.memref_slice %arg2[%add3A_137] : memref<83200000xf32, #tpu.memory_space<hbm>> -> memref<1024xf32, #tpu.memory_space<hbm>>
            %dma_wait3A_313 = arith.constant 7168 : i32
            %dma_wait3A_314 = tpu.memref_slice %arg4[%dma_wait3A_313] : memref<32768xf32, #tpu.memory_space<vmem>> -> memref<1024xf32, #tpu.memory_space<vmem>>
            %dma_wait3A_315 = tpu.memref_slice %arg2[%add3A_137] : memref<83200000xf32, #tpu.memory_space<hbm>> -> memref<1024xf32, #tpu.memory_space<hbm>>
            tpu.wait_dma2 semaphore(%run_scoped3A : memref<!tpu.dma_semaphore, #tpu.memory_space<semaphore_mem>>) src(%dma_wait3A_315 : memref<1024xf32, #tpu.memory_space<hbm>>) dst(%dma_wait3A_314 : memref<1024xf32, #tpu.memory_space<vmem>>)
            tpu.yield
          }) : () -> ()
          %mul3A_138 = arith.constant 32 : i32
          %mul3A_139 = arith.muli %select_n3A_48, %mul3A_138 : i32
          %add3A_140 = arith.constant 8 : i32
          %add3A_141 = arith.addi %mul3A_139, %add3A_140 : i32
          %mul3A_142 = arith.constant 100000 : i32
          %mul3A_143 = arith.muli %add3A_141, %mul3A_142 : i32
          %add3A_144 = arith.addi %mul3A_143, %mul3A_50 : i32
          "tpu.region"() ({
            %run_scoped3A = tpu.sem_alloc : memref<!tpu.dma_semaphore, #tpu.memory_space<semaphore_mem>>
            %dma_start3A = arith.constant 8192 : i32
            %dma_start3A_306 = tpu.memref_slice %arg4[%dma_start3A] : memref<32768xf32, #tpu.memory_space<vmem>> -> memref<1024xf32, #tpu.memory_space<vmem>>
            %dma_start3A_307 = tpu.memref_slice %arg2[%add3A_144] : memref<83200000xf32, #tpu.memory_space<hbm>> -> memref<1024xf32, #tpu.memory_space<hbm>>
            %dma_start3A_308 = arith.constant 8192 : i32
            %dma_start3A_309 = tpu.memref_slice %arg4[%dma_start3A_308] : memref<32768xf32, #tpu.memory_space<vmem>> -> memref<1024xf32, #tpu.memory_space<vmem>>
            %dma_start3A_310 = tpu.memref_slice %arg2[%add3A_144] : memref<83200000xf32, #tpu.memory_space<hbm>> -> memref<1024xf32, #tpu.memory_space<hbm>>
            tpu.enqueue_dma source(%dma_start3A_310 : memref<1024xf32, #tpu.memory_space<hbm>>) target(%dma_start3A_309 : memref<1024xf32, #tpu.memory_space<vmem>>) target_semaphore(%run_scoped3A : memref<!tpu.dma_semaphore, #tpu.memory_space<semaphore_mem>>)
            %dma_wait3A = arith.constant 8192 : i32
            %dma_wait3A_311 = tpu.memref_slice %arg4[%dma_wait3A] : memref<32768xf32, #tpu.memory_space<vmem>> -> memref<1024xf32, #tpu.memory_space<vmem>>
            %dma_wait3A_312 = tpu.memref_slice %arg2[%add3A_144] : memref<83200000xf32, #tpu.memory_space<hbm>> -> memref<1024xf32, #tpu.memory_space<hbm>>
            %dma_wait3A_313 = arith.constant 8192 : i32
            %dma_wait3A_314 = tpu.memref_slice %arg4[%dma_wait3A_313] : memref<32768xf32, #tpu.memory_space<vmem>> -> memref<1024xf32, #tpu.memory_space<vmem>>
            %dma_wait3A_315 = tpu.memref_slice %arg2[%add3A_144] : memref<83200000xf32, #tpu.memory_space<hbm>> -> memref<1024xf32, #tpu.memory_space<hbm>>
            tpu.wait_dma2 semaphore(%run_scoped3A : memref<!tpu.dma_semaphore, #tpu.memory_space<semaphore_mem>>) src(%dma_wait3A_315 : memref<1024xf32, #tpu.memory_space<hbm>>) dst(%dma_wait3A_314 : memref<1024xf32, #tpu.memory_space<vmem>>)
            tpu.yield
          }) : () -> ()
          %mul3A_145 = arith.constant 32 : i32
          %mul3A_146 = arith.muli %select_n3A_48, %mul3A_145 : i32
          %add3A_147 = arith.constant 9 : i32
          %add3A_148 = arith.addi %mul3A_146, %add3A_147 : i32
          %mul3A_149 = arith.constant 100000 : i32
          %mul3A_150 = arith.muli %add3A_148, %mul3A_149 : i32
          %add3A_151 = arith.addi %mul3A_150, %mul3A_50 : i32
          "tpu.region"() ({
            %run_scoped3A = tpu.sem_alloc : memref<!tpu.dma_semaphore, #tpu.memory_space<semaphore_mem>>
            %dma_start3A = arith.constant 9216 : i32
            %dma_start3A_306 = tpu.memref_slice %arg4[%dma_start3A] : memref<32768xf32, #tpu.memory_space<vmem>> -> memref<1024xf32, #tpu.memory_space<vmem>>
            %dma_start3A_307 = tpu.memref_slice %arg2[%add3A_151] : memref<83200000xf32, #tpu.memory_space<hbm>> -> memref<1024xf32, #tpu.memory_space<hbm>>
            %dma_start3A_308 = arith.constant 9216 : i32
            %dma_start3A_309 = tpu.memref_slice %arg4[%dma_start3A_308] : memref<32768xf32, #tpu.memory_space<vmem>> -> memref<1024xf32, #tpu.memory_space<vmem>>
            %dma_start3A_310 = tpu.memref_slice %arg2[%add3A_151] : memref<83200000xf32, #tpu.memory_space<hbm>> -> memref<1024xf32, #tpu.memory_space<hbm>>
            tpu.enqueue_dma source(%dma_start3A_310 : memref<1024xf32, #tpu.memory_space<hbm>>) target(%dma_start3A_309 : memref<1024xf32, #tpu.memory_space<vmem>>) target_semaphore(%run_scoped3A : memref<!tpu.dma_semaphore, #tpu.memory_space<semaphore_mem>>)
            %dma_wait3A = arith.constant 9216 : i32
            %dma_wait3A_311 = tpu.memref_slice %arg4[%dma_wait3A] : memref<32768xf32, #tpu.memory_space<vmem>> -> memref<1024xf32, #tpu.memory_space<vmem>>
            %dma_wait3A_312 = tpu.memref_slice %arg2[%add3A_151] : memref<83200000xf32, #tpu.memory_space<hbm>> -> memref<1024xf32, #tpu.memory_space<hbm>>
            %dma_wait3A_313 = arith.constant 9216 : i32
            %dma_wait3A_314 = tpu.memref_slice %arg4[%dma_wait3A_313] : memref<32768xf32, #tpu.memory_space<vmem>> -> memref<1024xf32, #tpu.memory_space<vmem>>
            %dma_wait3A_315 = tpu.memref_slice %arg2[%add3A_151] : memref<83200000xf32, #tpu.memory_space<hbm>> -> memref<1024xf32, #tpu.memory_space<hbm>>
            tpu.wait_dma2 semaphore(%run_scoped3A : memref<!tpu.dma_semaphore, #tpu.memory_space<semaphore_mem>>) src(%dma_wait3A_315 : memref<1024xf32, #tpu.memory_space<hbm>>) dst(%dma_wait3A_314 : memref<1024xf32, #tpu.memory_space<vmem>>)
            tpu.yield
          }) : () -> ()
          %mul3A_152 = arith.constant 32 : i32
          %mul3A_153 = arith.muli %select_n3A_48, %mul3A_152 : i32
          %add3A_154 = arith.constant 10 : i32
          %add3A_155 = arith.addi %mul3A_153, %add3A_154 : i32
          %mul3A_156 = arith.constant 100000 : i32
          %mul3A_157 = arith.muli %add3A_155, %mul3A_156 : i32
          %add3A_158 = arith.addi %mul3A_157, %mul3A_50 : i32
          "tpu.region"() ({
            %run_scoped3A = tpu.sem_alloc : memref<!tpu.dma_semaphore, #tpu.memory_space<semaphore_mem>>
            %dma_start3A = arith.constant 10240 : i32
            %dma_start3A_306 = tpu.memref_slice %arg4[%dma_start3A] : memref<32768xf32, #tpu.memory_space<vmem>> -> memref<1024xf32, #tpu.memory_space<vmem>>
            %dma_start3A_307 = tpu.memref_slice %arg2[%add3A_158] : memref<83200000xf32, #tpu.memory_space<hbm>> -> memref<1024xf32, #tpu.memory_space<hbm>>
            %dma_start3A_308 = arith.constant 10240 : i32
            %dma_start3A_309 = tpu.memref_slice %arg4[%dma_start3A_308] : memref<32768xf32, #tpu.memory_space<vmem>> -> memref<1024xf32, #tpu.memory_space<vmem>>
            %dma_start3A_310 = tpu.memref_slice %arg2[%add3A_158] : memref<83200000xf32, #tpu.memory_space<hbm>> -> memref<1024xf32, #tpu.memory_space<hbm>>
            tpu.enqueue_dma source(%dma_start3A_310 : memref<1024xf32, #tpu.memory_space<hbm>>) target(%dma_start3A_309 : memref<1024xf32, #tpu.memory_space<vmem>>) target_semaphore(%run_scoped3A : memref<!tpu.dma_semaphore, #tpu.memory_space<semaphore_mem>>)
            %dma_wait3A = arith.constant 10240 : i32
            %dma_wait3A_311 = tpu.memref_slice %arg4[%dma_wait3A] : memref<32768xf32, #tpu.memory_space<vmem>> -> memref<1024xf32, #tpu.memory_space<vmem>>
            %dma_wait3A_312 = tpu.memref_slice %arg2[%add3A_158] : memref<83200000xf32, #tpu.memory_space<hbm>> -> memref<1024xf32, #tpu.memory_space<hbm>>
            %dma_wait3A_313 = arith.constant 10240 : i32
            %dma_wait3A_314 = tpu.memref_slice %arg4[%dma_wait3A_313] : memref<32768xf32, #tpu.memory_space<vmem>> -> memref<1024xf32, #tpu.memory_space<vmem>>
            %dma_wait3A_315 = tpu.memref_slice %arg2[%add3A_158] : memref<83200000xf32, #tpu.memory_space<hbm>> -> memref<1024xf32, #tpu.memory_space<hbm>>
            tpu.wait_dma2 semaphore(%run_scoped3A : memref<!tpu.dma_semaphore, #tpu.memory_space<semaphore_mem>>) src(%dma_wait3A_315 : memref<1024xf32, #tpu.memory_space<hbm>>) dst(%dma_wait3A_314 : memref<1024xf32, #tpu.memory_space<vmem>>)
            tpu.yield
          }) : () -> ()
          %mul3A_159 = arith.constant 32 : i32
          %mul3A_160 = arith.muli %select_n3A_48, %mul3A_159 : i32
          %add3A_161 = arith.constant 11 : i32
          %add3A_162 = arith.addi %mul3A_160, %add3A_161 : i32
          %mul3A_163 = arith.constant 100000 : i32
          %mul3A_164 = arith.muli %add3A_162, %mul3A_163 : i32
          %add3A_165 = arith.addi %mul3A_164, %mul3A_50 : i32
          "tpu.region"() ({
            %run_scoped3A = tpu.sem_alloc : memref<!tpu.dma_semaphore, #tpu.memory_space<semaphore_mem>>
            %dma_start3A = arith.constant 11264 : i32
            %dma_start3A_306 = tpu.memref_slice %arg4[%dma_start3A] : memref<32768xf32, #tpu.memory_space<vmem>> -> memref<1024xf32, #tpu.memory_space<vmem>>
            %dma_start3A_307 = tpu.memref_slice %arg2[%add3A_165] : memref<83200000xf32, #tpu.memory_space<hbm>> -> memref<1024xf32, #tpu.memory_space<hbm>>
            %dma_start3A_308 = arith.constant 11264 : i32
            %dma_start3A_309 = tpu.memref_slice %arg4[%dma_start3A_308] : memref<32768xf32, #tpu.memory_space<vmem>> -> memref<1024xf32, #tpu.memory_space<vmem>>
            %dma_start3A_310 = tpu.memref_slice %arg2[%add3A_165] : memref<83200000xf32, #tpu.memory_space<hbm>> -> memref<1024xf32, #tpu.memory_space<hbm>>
            tpu.enqueue_dma source(%dma_start3A_310 : memref<1024xf32, #tpu.memory_space<hbm>>) target(%dma_start3A_309 : memref<1024xf32, #tpu.memory_space<vmem>>) target_semaphore(%run_scoped3A : memref<!tpu.dma_semaphore, #tpu.memory_space<semaphore_mem>>)
            %dma_wait3A = arith.constant 11264 : i32
            %dma_wait3A_311 = tpu.memref_slice %arg4[%dma_wait3A] : memref<32768xf32, #tpu.memory_space<vmem>> -> memref<1024xf32, #tpu.memory_space<vmem>>
            %dma_wait3A_312 = tpu.memref_slice %arg2[%add3A_165] : memref<83200000xf32, #tpu.memory_space<hbm>> -> memref<1024xf32, #tpu.memory_space<hbm>>
            %dma_wait3A_313 = arith.constant 11264 : i32
            %dma_wait3A_314 = tpu.memref_slice %arg4[%dma_wait3A_313] : memref<32768xf32, #tpu.memory_space<vmem>> -> memref<1024xf32, #tpu.memory_space<vmem>>
            %dma_wait3A_315 = tpu.memref_slice %arg2[%add3A_165] : memref<83200000xf32, #tpu.memory_space<hbm>> -> memref<1024xf32, #tpu.memory_space<hbm>>
            tpu.wait_dma2 semaphore(%run_scoped3A : memref<!tpu.dma_semaphore, #tpu.memory_space<semaphore_mem>>) src(%dma_wait3A_315 : memref<1024xf32, #tpu.memory_space<hbm>>) dst(%dma_wait3A_314 : memref<1024xf32, #tpu.memory_space<vmem>>)
            tpu.yield
          }) : () -> ()
          %mul3A_166 = arith.constant 32 : i32
          %mul3A_167 = arith.muli %select_n3A_48, %mul3A_166 : i32
          %add3A_168 = arith.constant 12 : i32
          %add3A_169 = arith.addi %mul3A_167, %add3A_168 : i32
          %mul3A_170 = arith.constant 100000 : i32
          %mul3A_171 = arith.muli %add3A_169, %mul3A_170 : i32
          %add3A_172 = arith.addi %mul3A_171, %mul3A_50 : i32
          "tpu.region"() ({
            %run_scoped3A = tpu.sem_alloc : memref<!tpu.dma_semaphore, #tpu.memory_space<semaphore_mem>>
            %dma_start3A = arith.constant 12288 : i32
            %dma_start3A_306 = tpu.memref_slice %arg4[%dma_start3A] : memref<32768xf32, #tpu.memory_space<vmem>> -> memref<1024xf32, #tpu.memory_space<vmem>>
            %dma_start3A_307 = tpu.memref_slice %arg2[%add3A_172] : memref<83200000xf32, #tpu.memory_space<hbm>> -> memref<1024xf32, #tpu.memory_space<hbm>>
            %dma_start3A_308 = arith.constant 12288 : i32
            %dma_start3A_309 = tpu.memref_slice %arg4[%dma_start3A_308] : memref<32768xf32, #tpu.memory_space<vmem>> -> memref<1024xf32, #tpu.memory_space<vmem>>
            %dma_start3A_310 = tpu.memref_slice %arg2[%add3A_172] : memref<83200000xf32, #tpu.memory_space<hbm>> -> memref<1024xf32, #tpu.memory_space<hbm>>
            tpu.enqueue_dma source(%dma_start3A_310 : memref<1024xf32, #tpu.memory_space<hbm>>) target(%dma_start3A_309 : memref<1024xf32, #tpu.memory_space<vmem>>) target_semaphore(%run_scoped3A : memref<!tpu.dma_semaphore, #tpu.memory_space<semaphore_mem>>)
            %dma_wait3A = arith.constant 12288 : i32
            %dma_wait3A_311 = tpu.memref_slice %arg4[%dma_wait3A] : memref<32768xf32, #tpu.memory_space<vmem>> -> memref<1024xf32, #tpu.memory_space<vmem>>
            %dma_wait3A_312 = tpu.memref_slice %arg2[%add3A_172] : memref<83200000xf32, #tpu.memory_space<hbm>> -> memref<1024xf32, #tpu.memory_space<hbm>>
            %dma_wait3A_313 = arith.constant 12288 : i32
            %dma_wait3A_314 = tpu.memref_slice %arg4[%dma_wait3A_313] : memref<32768xf32, #tpu.memory_space<vmem>> -> memref<1024xf32, #tpu.memory_space<vmem>>
            %dma_wait3A_315 = tpu.memref_slice %arg2[%add3A_172] : memref<83200000xf32, #tpu.memory_space<hbm>> -> memref<1024xf32, #tpu.memory_space<hbm>>
            tpu.wait_dma2 semaphore(%run_scoped3A : memref<!tpu.dma_semaphore, #tpu.memory_space<semaphore_mem>>) src(%dma_wait3A_315 : memref<1024xf32, #tpu.memory_space<hbm>>) dst(%dma_wait3A_314 : memref<1024xf32, #tpu.memory_space<vmem>>)
            tpu.yield
          }) : () -> ()
          %mul3A_173 = arith.constant 32 : i32
          %mul3A_174 = arith.muli %select_n3A_48, %mul3A_173 : i32
          %add3A_175 = arith.constant 13 : i32
          %add3A_176 = arith.addi %mul3A_174, %add3A_175 : i32
          %mul3A_177 = arith.constant 100000 : i32
          %mul3A_178 = arith.muli %add3A_176, %mul3A_177 : i32
          %add3A_179 = arith.addi %mul3A_178, %mul3A_50 : i32
          "tpu.region"() ({
            %run_scoped3A = tpu.sem_alloc : memref<!tpu.dma_semaphore, #tpu.memory_space<semaphore_mem>>
            %dma_start3A = arith.constant 13312 : i32
            %dma_start3A_306 = tpu.memref_slice %arg4[%dma_start3A] : memref<32768xf32, #tpu.memory_space<vmem>> -> memref<1024xf32, #tpu.memory_space<vmem>>
            %dma_start3A_307 = tpu.memref_slice %arg2[%add3A_179] : memref<83200000xf32, #tpu.memory_space<hbm>> -> memref<1024xf32, #tpu.memory_space<hbm>>
            %dma_start3A_308 = arith.constant 13312 : i32
            %dma_start3A_309 = tpu.memref_slice %arg4[%dma_start3A_308] : memref<32768xf32, #tpu.memory_space<vmem>> -> memref<1024xf32, #tpu.memory_space<vmem>>
            %dma_start3A_310 = tpu.memref_slice %arg2[%add3A_179] : memref<83200000xf32, #tpu.memory_space<hbm>> -> memref<1024xf32, #tpu.memory_space<hbm>>
            tpu.enqueue_dma source(%dma_start3A_310 : memref<1024xf32, #tpu.memory_space<hbm>>) target(%dma_start3A_309 : memref<1024xf32, #tpu.memory_space<vmem>>) target_semaphore(%run_scoped3A : memref<!tpu.dma_semaphore, #tpu.memory_space<semaphore_mem>>)
            %dma_wait3A = arith.constant 13312 : i32
            %dma_wait3A_311 = tpu.memref_slice %arg4[%dma_wait3A] : memref<32768xf32, #tpu.memory_space<vmem>> -> memref<1024xf32, #tpu.memory_space<vmem>>
            %dma_wait3A_312 = tpu.memref_slice %arg2[%add3A_179] : memref<83200000xf32, #tpu.memory_space<hbm>> -> memref<1024xf32, #tpu.memory_space<hbm>>
            %dma_wait3A_313 = arith.constant 13312 : i32
            %dma_wait3A_314 = tpu.memref_slice %arg4[%dma_wait3A_313] : memref<32768xf32, #tpu.memory_space<vmem>> -> memref<1024xf32, #tpu.memory_space<vmem>>
            %dma_wait3A_315 = tpu.memref_slice %arg2[%add3A_179] : memref<83200000xf32, #tpu.memory_space<hbm>> -> memref<1024xf32, #tpu.memory_space<hbm>>
            tpu.wait_dma2 semaphore(%run_scoped3A : memref<!tpu.dma_semaphore, #tpu.memory_space<semaphore_mem>>) src(%dma_wait3A_315 : memref<1024xf32, #tpu.memory_space<hbm>>) dst(%dma_wait3A_314 : memref<1024xf32, #tpu.memory_space<vmem>>)
            tpu.yield
          }) : () -> ()
          %mul3A_180 = arith.constant 32 : i32
          %mul3A_181 = arith.muli %select_n3A_48, %mul3A_180 : i32
          %add3A_182 = arith.constant 14 : i32
          %add3A_183 = arith.addi %mul3A_181, %add3A_182 : i32
          %mul3A_184 = arith.constant 100000 : i32
          %mul3A_185 = arith.muli %add3A_183, %mul3A_184 : i32
          %add3A_186 = arith.addi %mul3A_185, %mul3A_50 : i32
          "tpu.region"() ({
            %run_scoped3A = tpu.sem_alloc : memref<!tpu.dma_semaphore, #tpu.memory_space<semaphore_mem>>
            %dma_start3A = arith.constant 14336 : i32
            %dma_start3A_306 = tpu.memref_slice %arg4[%dma_start3A] : memref<32768xf32, #tpu.memory_space<vmem>> -> memref<1024xf32, #tpu.memory_space<vmem>>
            %dma_start3A_307 = tpu.memref_slice %arg2[%add3A_186] : memref<83200000xf32, #tpu.memory_space<hbm>> -> memref<1024xf32, #tpu.memory_space<hbm>>
            %dma_start3A_308 = arith.constant 14336 : i32
            %dma_start3A_309 = tpu.memref_slice %arg4[%dma_start3A_308] : memref<32768xf32, #tpu.memory_space<vmem>> -> memref<1024xf32, #tpu.memory_space<vmem>>
            %dma_start3A_310 = tpu.memref_slice %arg2[%add3A_186] : memref<83200000xf32, #tpu.memory_space<hbm>> -> memref<1024xf32, #tpu.memory_space<hbm>>
            tpu.enqueue_dma source(%dma_start3A_310 : memref<1024xf32, #tpu.memory_space<hbm>>) target(%dma_start3A_309 : memref<1024xf32, #tpu.memory_space<vmem>>) target_semaphore(%run_scoped3A : memref<!tpu.dma_semaphore, #tpu.memory_space<semaphore_mem>>)
            %dma_wait3A = arith.constant 14336 : i32
            %dma_wait3A_311 = tpu.memref_slice %arg4[%dma_wait3A] : memref<32768xf32, #tpu.memory_space<vmem>> -> memref<1024xf32, #tpu.memory_space<vmem>>
            %dma_wait3A_312 = tpu.memref_slice %arg2[%add3A_186] : memref<83200000xf32, #tpu.memory_space<hbm>> -> memref<1024xf32, #tpu.memory_space<hbm>>
            %dma_wait3A_313 = arith.constant 14336 : i32
            %dma_wait3A_314 = tpu.memref_slice %arg4[%dma_wait3A_313] : memref<32768xf32, #tpu.memory_space<vmem>> -> memref<1024xf32, #tpu.memory_space<vmem>>
            %dma_wait3A_315 = tpu.memref_slice %arg2[%add3A_186] : memref<83200000xf32, #tpu.memory_space<hbm>> -> memref<1024xf32, #tpu.memory_space<hbm>>
            tpu.wait_dma2 semaphore(%run_scoped3A : memref<!tpu.dma_semaphore, #tpu.memory_space<semaphore_mem>>) src(%dma_wait3A_315 : memref<1024xf32, #tpu.memory_space<hbm>>) dst(%dma_wait3A_314 : memref<1024xf32, #tpu.memory_space<vmem>>)
            tpu.yield
          }) : () -> ()
          %mul3A_187 = arith.constant 32 : i32
          %mul3A_188 = arith.muli %select_n3A_48, %mul3A_187 : i32
          %add3A_189 = arith.constant 15 : i32
          %add3A_190 = arith.addi %mul3A_188, %add3A_189 : i32
          %mul3A_191 = arith.constant 100000 : i32
          %mul3A_192 = arith.muli %add3A_190, %mul3A_191 : i32
          %add3A_193 = arith.addi %mul3A_192, %mul3A_50 : i32
          "tpu.region"() ({
            %run_scoped3A = tpu.sem_alloc : memref<!tpu.dma_semaphore, #tpu.memory_space<semaphore_mem>>
            %dma_start3A = arith.constant 15360 : i32
            %dma_start3A_306 = tpu.memref_slice %arg4[%dma_start3A] : memref<32768xf32, #tpu.memory_space<vmem>> -> memref<1024xf32, #tpu.memory_space<vmem>>
            %dma_start3A_307 = tpu.memref_slice %arg2[%add3A_193] : memref<83200000xf32, #tpu.memory_space<hbm>> -> memref<1024xf32, #tpu.memory_space<hbm>>
            %dma_start3A_308 = arith.constant 15360 : i32
            %dma_start3A_309 = tpu.memref_slice %arg4[%dma_start3A_308] : memref<32768xf32, #tpu.memory_space<vmem>> -> memref<1024xf32, #tpu.memory_space<vmem>>
            %dma_start3A_310 = tpu.memref_slice %arg2[%add3A_193] : memref<83200000xf32, #tpu.memory_space<hbm>> -> memref<1024xf32, #tpu.memory_space<hbm>>
            tpu.enqueue_dma source(%dma_start3A_310 : memref<1024xf32, #tpu.memory_space<hbm>>) target(%dma_start3A_309 : memref<1024xf32, #tpu.memory_space<vmem>>) target_semaphore(%run_scoped3A : memref<!tpu.dma_semaphore, #tpu.memory_space<semaphore_mem>>)
            %dma_wait3A = arith.constant 15360 : i32
            %dma_wait3A_311 = tpu.memref_slice %arg4[%dma_wait3A] : memref<32768xf32, #tpu.memory_space<vmem>> -> memref<1024xf32, #tpu.memory_space<vmem>>
            %dma_wait3A_312 = tpu.memref_slice %arg2[%add3A_193] : memref<83200000xf32, #tpu.memory_space<hbm>> -> memref<1024xf32, #tpu.memory_space<hbm>>
            %dma_wait3A_313 = arith.constant 15360 : i32
            %dma_wait3A_314 = tpu.memref_slice %arg4[%dma_wait3A_313] : memref<32768xf32, #tpu.memory_space<vmem>> -> memref<1024xf32, #tpu.memory_space<vmem>>
            %dma_wait3A_315 = tpu.memref_slice %arg2[%add3A_193] : memref<83200000xf32, #tpu.memory_space<hbm>> -> memref<1024xf32, #tpu.memory_space<hbm>>
            tpu.wait_dma2 semaphore(%run_scoped3A : memref<!tpu.dma_semaphore, #tpu.memory_space<semaphore_mem>>) src(%dma_wait3A_315 : memref<1024xf32, #tpu.memory_space<hbm>>) dst(%dma_wait3A_314 : memref<1024xf32, #tpu.memory_space<vmem>>)
            tpu.yield
          }) : () -> ()
          %mul3A_194 = arith.constant 32 : i32
          %mul3A_195 = arith.muli %select_n3A_48, %mul3A_194 : i32
          %add3A_196 = arith.constant 16 : i32
          %add3A_197 = arith.addi %mul3A_195, %add3A_196 : i32
          %mul3A_198 = arith.constant 100000 : i32
          %mul3A_199 = arith.muli %add3A_197, %mul3A_198 : i32
          %add3A_200 = arith.addi %mul3A_199, %mul3A_50 : i32
          "tpu.region"() ({
            %run_scoped3A = tpu.sem_alloc : memref<!tpu.dma_semaphore, #tpu.memory_space<semaphore_mem>>
            %dma_start3A = arith.constant 16384 : i32
            %dma_start3A_306 = tpu.memref_slice %arg4[%dma_start3A] : memref<32768xf32, #tpu.memory_space<vmem>> -> memref<1024xf32, #tpu.memory_space<vmem>>
            %dma_start3A_307 = tpu.memref_slice %arg2[%add3A_200] : memref<83200000xf32, #tpu.memory_space<hbm>> -> memref<1024xf32, #tpu.memory_space<hbm>>
            %dma_start3A_308 = arith.constant 16384 : i32
            %dma_start3A_309 = tpu.memref_slice %arg4[%dma_start3A_308] : memref<32768xf32, #tpu.memory_space<vmem>> -> memref<1024xf32, #tpu.memory_space<vmem>>
            %dma_start3A_310 = tpu.memref_slice %arg2[%add3A_200] : memref<83200000xf32, #tpu.memory_space<hbm>> -> memref<1024xf32, #tpu.memory_space<hbm>>
            tpu.enqueue_dma source(%dma_start3A_310 : memref<1024xf32, #tpu.memory_space<hbm>>) target(%dma_start3A_309 : memref<1024xf32, #tpu.memory_space<vmem>>) target_semaphore(%run_scoped3A : memref<!tpu.dma_semaphore, #tpu.memory_space<semaphore_mem>>)
            %dma_wait3A = arith.constant 16384 : i32
            %dma_wait3A_311 = tpu.memref_slice %arg4[%dma_wait3A] : memref<32768xf32, #tpu.memory_space<vmem>> -> memref<1024xf32, #tpu.memory_space<vmem>>
            %dma_wait3A_312 = tpu.memref_slice %arg2[%add3A_200] : memref<83200000xf32, #tpu.memory_space<hbm>> -> memref<1024xf32, #tpu.memory_space<hbm>>
            %dma_wait3A_313 = arith.constant 16384 : i32
            %dma_wait3A_314 = tpu.memref_slice %arg4[%dma_wait3A_313] : memref<32768xf32, #tpu.memory_space<vmem>> -> memref<1024xf32, #tpu.memory_space<vmem>>
            %dma_wait3A_315 = tpu.memref_slice %arg2[%add3A_200] : memref<83200000xf32, #tpu.memory_space<hbm>> -> memref<1024xf32, #tpu.memory_space<hbm>>
            tpu.wait_dma2 semaphore(%run_scoped3A : memref<!tpu.dma_semaphore, #tpu.memory_space<semaphore_mem>>) src(%dma_wait3A_315 : memref<1024xf32, #tpu.memory_space<hbm>>) dst(%dma_wait3A_314 : memref<1024xf32, #tpu.memory_space<vmem>>)
            tpu.yield
          }) : () -> ()
          %mul3A_201 = arith.constant 32 : i32
          %mul3A_202 = arith.muli %select_n3A_48, %mul3A_201 : i32
          %add3A_203 = arith.constant 17 : i32
          %add3A_204 = arith.addi %mul3A_202, %add3A_203 : i32
          %mul3A_205 = arith.constant 100000 : i32
          %mul3A_206 = arith.muli %add3A_204, %mul3A_205 : i32
          %add3A_207 = arith.addi %mul3A_206, %mul3A_50 : i32
          "tpu.region"() ({
            %run_scoped3A = tpu.sem_alloc : memref<!tpu.dma_semaphore, #tpu.memory_space<semaphore_mem>>
            %dma_start3A = arith.constant 17408 : i32
            %dma_start3A_306 = tpu.memref_slice %arg4[%dma_start3A] : memref<32768xf32, #tpu.memory_space<vmem>> -> memref<1024xf32, #tpu.memory_space<vmem>>
            %dma_start3A_307 = tpu.memref_slice %arg2[%add3A_207] : memref<83200000xf32, #tpu.memory_space<hbm>> -> memref<1024xf32, #tpu.memory_space<hbm>>
            %dma_start3A_308 = arith.constant 17408 : i32
            %dma_start3A_309 = tpu.memref_slice %arg4[%dma_start3A_308] : memref<32768xf32, #tpu.memory_space<vmem>> -> memref<1024xf32, #tpu.memory_space<vmem>>
            %dma_start3A_310 = tpu.memref_slice %arg2[%add3A_207] : memref<83200000xf32, #tpu.memory_space<hbm>> -> memref<1024xf32, #tpu.memory_space<hbm>>
            tpu.enqueue_dma source(%dma_start3A_310 : memref<1024xf32, #tpu.memory_space<hbm>>) target(%dma_start3A_309 : memref<1024xf32, #tpu.memory_space<vmem>>) target_semaphore(%run_scoped3A : memref<!tpu.dma_semaphore, #tpu.memory_space<semaphore_mem>>)
            %dma_wait3A = arith.constant 17408 : i32
            %dma_wait3A_311 = tpu.memref_slice %arg4[%dma_wait3A] : memref<32768xf32, #tpu.memory_space<vmem>> -> memref<1024xf32, #tpu.memory_space<vmem>>
            %dma_wait3A_312 = tpu.memref_slice %arg2[%add3A_207] : memref<83200000xf32, #tpu.memory_space<hbm>> -> memref<1024xf32, #tpu.memory_space<hbm>>
            %dma_wait3A_313 = arith.constant 17408 : i32
            %dma_wait3A_314 = tpu.memref_slice %arg4[%dma_wait3A_313] : memref<32768xf32, #tpu.memory_space<vmem>> -> memref<1024xf32, #tpu.memory_space<vmem>>
            %dma_wait3A_315 = tpu.memref_slice %arg2[%add3A_207] : memref<83200000xf32, #tpu.memory_space<hbm>> -> memref<1024xf32, #tpu.memory_space<hbm>>
            tpu.wait_dma2 semaphore(%run_scoped3A : memref<!tpu.dma_semaphore, #tpu.memory_space<semaphore_mem>>) src(%dma_wait3A_315 : memref<1024xf32, #tpu.memory_space<hbm>>) dst(%dma_wait3A_314 : memref<1024xf32, #tpu.memory_space<vmem>>)
            tpu.yield
          }) : () -> ()
          %mul3A_208 = arith.constant 32 : i32
          %mul3A_209 = arith.muli %select_n3A_48, %mul3A_208 : i32
          %add3A_210 = arith.constant 18 : i32
          %add3A_211 = arith.addi %mul3A_209, %add3A_210 : i32
          %mul3A_212 = arith.constant 100000 : i32
          %mul3A_213 = arith.muli %add3A_211, %mul3A_212 : i32
          %add3A_214 = arith.addi %mul3A_213, %mul3A_50 : i32
          "tpu.region"() ({
            %run_scoped3A = tpu.sem_alloc : memref<!tpu.dma_semaphore, #tpu.memory_space<semaphore_mem>>
            %dma_start3A = arith.constant 18432 : i32
            %dma_start3A_306 = tpu.memref_slice %arg4[%dma_start3A] : memref<32768xf32, #tpu.memory_space<vmem>> -> memref<1024xf32, #tpu.memory_space<vmem>>
            %dma_start3A_307 = tpu.memref_slice %arg2[%add3A_214] : memref<83200000xf32, #tpu.memory_space<hbm>> -> memref<1024xf32, #tpu.memory_space<hbm>>
            %dma_start3A_308 = arith.constant 18432 : i32
            %dma_start3A_309 = tpu.memref_slice %arg4[%dma_start3A_308] : memref<32768xf32, #tpu.memory_space<vmem>> -> memref<1024xf32, #tpu.memory_space<vmem>>
            %dma_start3A_310 = tpu.memref_slice %arg2[%add3A_214] : memref<83200000xf32, #tpu.memory_space<hbm>> -> memref<1024xf32, #tpu.memory_space<hbm>>
            tpu.enqueue_dma source(%dma_start3A_310 : memref<1024xf32, #tpu.memory_space<hbm>>) target(%dma_start3A_309 : memref<1024xf32, #tpu.memory_space<vmem>>) target_semaphore(%run_scoped3A : memref<!tpu.dma_semaphore, #tpu.memory_space<semaphore_mem>>)
            %dma_wait3A = arith.constant 18432 : i32
            %dma_wait3A_311 = tpu.memref_slice %arg4[%dma_wait3A] : memref<32768xf32, #tpu.memory_space<vmem>> -> memref<1024xf32, #tpu.memory_space<vmem>>
            %dma_wait3A_312 = tpu.memref_slice %arg2[%add3A_214] : memref<83200000xf32, #tpu.memory_space<hbm>> -> memref<1024xf32, #tpu.memory_space<hbm>>
            %dma_wait3A_313 = arith.constant 18432 : i32
            %dma_wait3A_314 = tpu.memref_slice %arg4[%dma_wait3A_313] : memref<32768xf32, #tpu.memory_space<vmem>> -> memref<1024xf32, #tpu.memory_space<vmem>>
            %dma_wait3A_315 = tpu.memref_slice %arg2[%add3A_214] : memref<83200000xf32, #tpu.memory_space<hbm>> -> memref<1024xf32, #tpu.memory_space<hbm>>
            tpu.wait_dma2 semaphore(%run_scoped3A : memref<!tpu.dma_semaphore, #tpu.memory_space<semaphore_mem>>) src(%dma_wait3A_315 : memref<1024xf32, #tpu.memory_space<hbm>>) dst(%dma_wait3A_314 : memref<1024xf32, #tpu.memory_space<vmem>>)
            tpu.yield
          }) : () -> ()
          %mul3A_215 = arith.constant 32 : i32
          %mul3A_216 = arith.muli %select_n3A_48, %mul3A_215 : i32
          %add3A_217 = arith.constant 19 : i32
          %add3A_218 = arith.addi %mul3A_216, %add3A_217 : i32
          %mul3A_219 = arith.constant 100000 : i32
          %mul3A_220 = arith.muli %add3A_218, %mul3A_219 : i32
          %add3A_221 = arith.addi %mul3A_220, %mul3A_50 : i32
          "tpu.region"() ({
            %run_scoped3A = tpu.sem_alloc : memref<!tpu.dma_semaphore, #tpu.memory_space<semaphore_mem>>
            %dma_start3A = arith.constant 19456 : i32
            %dma_start3A_306 = tpu.memref_slice %arg4[%dma_start3A] : memref<32768xf32, #tpu.memory_space<vmem>> -> memref<1024xf32, #tpu.memory_space<vmem>>
            %dma_start3A_307 = tpu.memref_slice %arg2[%add3A_221] : memref<83200000xf32, #tpu.memory_space<hbm>> -> memref<1024xf32, #tpu.memory_space<hbm>>
            %dma_start3A_308 = arith.constant 19456 : i32
            %dma_start3A_309 = tpu.memref_slice %arg4[%dma_start3A_308] : memref<32768xf32, #tpu.memory_space<vmem>> -> memref<1024xf32, #tpu.memory_space<vmem>>
            %dma_start3A_310 = tpu.memref_slice %arg2[%add3A_221] : memref<83200000xf32, #tpu.memory_space<hbm>> -> memref<1024xf32, #tpu.memory_space<hbm>>
            tpu.enqueue_dma source(%dma_start3A_310 : memref<1024xf32, #tpu.memory_space<hbm>>) target(%dma_start3A_309 : memref<1024xf32, #tpu.memory_space<vmem>>) target_semaphore(%run_scoped3A : memref<!tpu.dma_semaphore, #tpu.memory_space<semaphore_mem>>)
            %dma_wait3A = arith.constant 19456 : i32
            %dma_wait3A_311 = tpu.memref_slice %arg4[%dma_wait3A] : memref<32768xf32, #tpu.memory_space<vmem>> -> memref<1024xf32, #tpu.memory_space<vmem>>
            %dma_wait3A_312 = tpu.memref_slice %arg2[%add3A_221] : memref<83200000xf32, #tpu.memory_space<hbm>> -> memref<1024xf32, #tpu.memory_space<hbm>>
            %dma_wait3A_313 = arith.constant 19456 : i32
            %dma_wait3A_314 = tpu.memref_slice %arg4[%dma_wait3A_313] : memref<32768xf32, #tpu.memory_space<vmem>> -> memref<1024xf32, #tpu.memory_space<vmem>>
            %dma_wait3A_315 = tpu.memref_slice %arg2[%add3A_221] : memref<83200000xf32, #tpu.memory_space<hbm>> -> memref<1024xf32, #tpu.memory_space<hbm>>
            tpu.wait_dma2 semaphore(%run_scoped3A : memref<!tpu.dma_semaphore, #tpu.memory_space<semaphore_mem>>) src(%dma_wait3A_315 : memref<1024xf32, #tpu.memory_space<hbm>>) dst(%dma_wait3A_314 : memref<1024xf32, #tpu.memory_space<vmem>>)
            tpu.yield
          }) : () -> ()
          %mul3A_222 = arith.constant 32 : i32
          %mul3A_223 = arith.muli %select_n3A_48, %mul3A_222 : i32
          %add3A_224 = arith.constant 20 : i32
          %add3A_225 = arith.addi %mul3A_223, %add3A_224 : i32
          %mul3A_226 = arith.constant 100000 : i32
          %mul3A_227 = arith.muli %add3A_225, %mul3A_226 : i32
          %add3A_228 = arith.addi %mul3A_227, %mul3A_50 : i32
          "tpu.region"() ({
            %run_scoped3A = tpu.sem_alloc : memref<!tpu.dma_semaphore, #tpu.memory_space<semaphore_mem>>
            %dma_start3A = arith.constant 20480 : i32
            %dma_start3A_306 = tpu.memref_slice %arg4[%dma_start3A] : memref<32768xf32, #tpu.memory_space<vmem>> -> memref<1024xf32, #tpu.memory_space<vmem>>
            %dma_start3A_307 = tpu.memref_slice %arg2[%add3A_228] : memref<83200000xf32, #tpu.memory_space<hbm>> -> memref<1024xf32, #tpu.memory_space<hbm>>
            %dma_start3A_308 = arith.constant 20480 : i32
            %dma_start3A_309 = tpu.memref_slice %arg4[%dma_start3A_308] : memref<32768xf32, #tpu.memory_space<vmem>> -> memref<1024xf32, #tpu.memory_space<vmem>>
            %dma_start3A_310 = tpu.memref_slice %arg2[%add3A_228] : memref<83200000xf32, #tpu.memory_space<hbm>> -> memref<1024xf32, #tpu.memory_space<hbm>>
            tpu.enqueue_dma source(%dma_start3A_310 : memref<1024xf32, #tpu.memory_space<hbm>>) target(%dma_start3A_309 : memref<1024xf32, #tpu.memory_space<vmem>>) target_semaphore(%run_scoped3A : memref<!tpu.dma_semaphore, #tpu.memory_space<semaphore_mem>>)
            %dma_wait3A = arith.constant 20480 : i32
            %dma_wait3A_311 = tpu.memref_slice %arg4[%dma_wait3A] : memref<32768xf32, #tpu.memory_space<vmem>> -> memref<1024xf32, #tpu.memory_space<vmem>>
            %dma_wait3A_312 = tpu.memref_slice %arg2[%add3A_228] : memref<83200000xf32, #tpu.memory_space<hbm>> -> memref<1024xf32, #tpu.memory_space<hbm>>
            %dma_wait3A_313 = arith.constant 20480 : i32
            %dma_wait3A_314 = tpu.memref_slice %arg4[%dma_wait3A_313] : memref<32768xf32, #tpu.memory_space<vmem>> -> memref<1024xf32, #tpu.memory_space<vmem>>
            %dma_wait3A_315 = tpu.memref_slice %arg2[%add3A_228] : memref<83200000xf32, #tpu.memory_space<hbm>> -> memref<1024xf32, #tpu.memory_space<hbm>>
            tpu.wait_dma2 semaphore(%run_scoped3A : memref<!tpu.dma_semaphore, #tpu.memory_space<semaphore_mem>>) src(%dma_wait3A_315 : memref<1024xf32, #tpu.memory_space<hbm>>) dst(%dma_wait3A_314 : memref<1024xf32, #tpu.memory_space<vmem>>)
            tpu.yield
          }) : () -> ()
          %mul3A_229 = arith.constant 32 : i32
          %mul3A_230 = arith.muli %select_n3A_48, %mul3A_229 : i32
          %add3A_231 = arith.constant 21 : i32
          %add3A_232 = arith.addi %mul3A_230, %add3A_231 : i32
          %mul3A_233 = arith.constant 100000 : i32
          %mul3A_234 = arith.muli %add3A_232, %mul3A_233 : i32
          %add3A_235 = arith.addi %mul3A_234, %mul3A_50 : i32
          "tpu.region"() ({
            %run_scoped3A = tpu.sem_alloc : memref<!tpu.dma_semaphore, #tpu.memory_space<semaphore_mem>>
            %dma_start3A = arith.constant 21504 : i32
            %dma_start3A_306 = tpu.memref_slice %arg4[%dma_start3A] : memref<32768xf32, #tpu.memory_space<vmem>> -> memref<1024xf32, #tpu.memory_space<vmem>>
            %dma_start3A_307 = tpu.memref_slice %arg2[%add3A_235] : memref<83200000xf32, #tpu.memory_space<hbm>> -> memref<1024xf32, #tpu.memory_space<hbm>>
            %dma_start3A_308 = arith.constant 21504 : i32
            %dma_start3A_309 = tpu.memref_slice %arg4[%dma_start3A_308] : memref<32768xf32, #tpu.memory_space<vmem>> -> memref<1024xf32, #tpu.memory_space<vmem>>
            %dma_start3A_310 = tpu.memref_slice %arg2[%add3A_235] : memref<83200000xf32, #tpu.memory_space<hbm>> -> memref<1024xf32, #tpu.memory_space<hbm>>
            tpu.enqueue_dma source(%dma_start3A_310 : memref<1024xf32, #tpu.memory_space<hbm>>) target(%dma_start3A_309 : memref<1024xf32, #tpu.memory_space<vmem>>) target_semaphore(%run_scoped3A : memref<!tpu.dma_semaphore, #tpu.memory_space<semaphore_mem>>)
            %dma_wait3A = arith.constant 21504 : i32
            %dma_wait3A_311 = tpu.memref_slice %arg4[%dma_wait3A] : memref<32768xf32, #tpu.memory_space<vmem>> -> memref<1024xf32, #tpu.memory_space<vmem>>
            %dma_wait3A_312 = tpu.memref_slice %arg2[%add3A_235] : memref<83200000xf32, #tpu.memory_space<hbm>> -> memref<1024xf32, #tpu.memory_space<hbm>>
            %dma_wait3A_313 = arith.constant 21504 : i32
            %dma_wait3A_314 = tpu.memref_slice %arg4[%dma_wait3A_313] : memref<32768xf32, #tpu.memory_space<vmem>> -> memref<1024xf32, #tpu.memory_space<vmem>>
            %dma_wait3A_315 = tpu.memref_slice %arg2[%add3A_235] : memref<83200000xf32, #tpu.memory_space<hbm>> -> memref<1024xf32, #tpu.memory_space<hbm>>
            tpu.wait_dma2 semaphore(%run_scoped3A : memref<!tpu.dma_semaphore, #tpu.memory_space<semaphore_mem>>) src(%dma_wait3A_315 : memref<1024xf32, #tpu.memory_space<hbm>>) dst(%dma_wait3A_314 : memref<1024xf32, #tpu.memory_space<vmem>>)
            tpu.yield
          }) : () -> ()
          %mul3A_236 = arith.constant 32 : i32
          %mul3A_237 = arith.muli %select_n3A_48, %mul3A_236 : i32
          %add3A_238 = arith.constant 22 : i32
          %add3A_239 = arith.addi %mul3A_237, %add3A_238 : i32
          %mul3A_240 = arith.constant 100000 : i32
          %mul3A_241 = arith.muli %add3A_239, %mul3A_240 : i32
          %add3A_242 = arith.addi %mul3A_241, %mul3A_50 : i32
          "tpu.region"() ({
            %run_scoped3A = tpu.sem_alloc : memref<!tpu.dma_semaphore, #tpu.memory_space<semaphore_mem>>
            %dma_start3A = arith.constant 22528 : i32
            %dma_start3A_306 = tpu.memref_slice %arg4[%dma_start3A] : memref<32768xf32, #tpu.memory_space<vmem>> -> memref<1024xf32, #tpu.memory_space<vmem>>
            %dma_start3A_307 = tpu.memref_slice %arg2[%add3A_242] : memref<83200000xf32, #tpu.memory_space<hbm>> -> memref<1024xf32, #tpu.memory_space<hbm>>
            %dma_start3A_308 = arith.constant 22528 : i32
            %dma_start3A_309 = tpu.memref_slice %arg4[%dma_start3A_308] : memref<32768xf32, #tpu.memory_space<vmem>> -> memref<1024xf32, #tpu.memory_space<vmem>>
            %dma_start3A_310 = tpu.memref_slice %arg2[%add3A_242] : memref<83200000xf32, #tpu.memory_space<hbm>> -> memref<1024xf32, #tpu.memory_space<hbm>>
            tpu.enqueue_dma source(%dma_start3A_310 : memref<1024xf32, #tpu.memory_space<hbm>>) target(%dma_start3A_309 : memref<1024xf32, #tpu.memory_space<vmem>>) target_semaphore(%run_scoped3A : memref<!tpu.dma_semaphore, #tpu.memory_space<semaphore_mem>>)
            %dma_wait3A = arith.constant 22528 : i32
            %dma_wait3A_311 = tpu.memref_slice %arg4[%dma_wait3A] : memref<32768xf32, #tpu.memory_space<vmem>> -> memref<1024xf32, #tpu.memory_space<vmem>>
            %dma_wait3A_312 = tpu.memref_slice %arg2[%add3A_242] : memref<83200000xf32, #tpu.memory_space<hbm>> -> memref<1024xf32, #tpu.memory_space<hbm>>
            %dma_wait3A_313 = arith.constant 22528 : i32
            %dma_wait3A_314 = tpu.memref_slice %arg4[%dma_wait3A_313] : memref<32768xf32, #tpu.memory_space<vmem>> -> memref<1024xf32, #tpu.memory_space<vmem>>
            %dma_wait3A_315 = tpu.memref_slice %arg2[%add3A_242] : memref<83200000xf32, #tpu.memory_space<hbm>> -> memref<1024xf32, #tpu.memory_space<hbm>>
            tpu.wait_dma2 semaphore(%run_scoped3A : memref<!tpu.dma_semaphore, #tpu.memory_space<semaphore_mem>>) src(%dma_wait3A_315 : memref<1024xf32, #tpu.memory_space<hbm>>) dst(%dma_wait3A_314 : memref<1024xf32, #tpu.memory_space<vmem>>)
            tpu.yield
          }) : () -> ()
          %mul3A_243 = arith.constant 32 : i32
          %mul3A_244 = arith.muli %select_n3A_48, %mul3A_243 : i32
          %add3A_245 = arith.constant 23 : i32
          %add3A_246 = arith.addi %mul3A_244, %add3A_245 : i32
          %mul3A_247 = arith.constant 100000 : i32
          %mul3A_248 = arith.muli %add3A_246, %mul3A_247 : i32
          %add3A_249 = arith.addi %mul3A_248, %mul3A_50 : i32
          "tpu.region"() ({
            %run_scoped3A = tpu.sem_alloc : memref<!tpu.dma_semaphore, #tpu.memory_space<semaphore_mem>>
            %dma_start3A = arith.constant 23552 : i32
            %dma_start3A_306 = tpu.memref_slice %arg4[%dma_start3A] : memref<32768xf32, #tpu.memory_space<vmem>> -> memref<1024xf32, #tpu.memory_space<vmem>>
            %dma_start3A_307 = tpu.memref_slice %arg2[%add3A_249] : memref<83200000xf32, #tpu.memory_space<hbm>> -> memref<1024xf32, #tpu.memory_space<hbm>>
            %dma_start3A_308 = arith.constant 23552 : i32
            %dma_start3A_309 = tpu.memref_slice %arg4[%dma_start3A_308] : memref<32768xf32, #tpu.memory_space<vmem>> -> memref<1024xf32, #tpu.memory_space<vmem>>
            %dma_start3A_310 = tpu.memref_slice %arg2[%add3A_249] : memref<83200000xf32, #tpu.memory_space<hbm>> -> memref<1024xf32, #tpu.memory_space<hbm>>
            tpu.enqueue_dma source(%dma_start3A_310 : memref<1024xf32, #tpu.memory_space<hbm>>) target(%dma_start3A_309 : memref<1024xf32, #tpu.memory_space<vmem>>) target_semaphore(%run_scoped3A : memref<!tpu.dma_semaphore, #tpu.memory_space<semaphore_mem>>)
            %dma_wait3A = arith.constant 23552 : i32
            %dma_wait3A_311 = tpu.memref_slice %arg4[%dma_wait3A] : memref<32768xf32, #tpu.memory_space<vmem>> -> memref<1024xf32, #tpu.memory_space<vmem>>
            %dma_wait3A_312 = tpu.memref_slice %arg2[%add3A_249] : memref<83200000xf32, #tpu.memory_space<hbm>> -> memref<1024xf32, #tpu.memory_space<hbm>>
            %dma_wait3A_313 = arith.constant 23552 : i32
            %dma_wait3A_314 = tpu.memref_slice %arg4[%dma_wait3A_313] : memref<32768xf32, #tpu.memory_space<vmem>> -> memref<1024xf32, #tpu.memory_space<vmem>>
            %dma_wait3A_315 = tpu.memref_slice %arg2[%add3A_249] : memref<83200000xf32, #tpu.memory_space<hbm>> -> memref<1024xf32, #tpu.memory_space<hbm>>
            tpu.wait_dma2 semaphore(%run_scoped3A : memref<!tpu.dma_semaphore, #tpu.memory_space<semaphore_mem>>) src(%dma_wait3A_315 : memref<1024xf32, #tpu.memory_space<hbm>>) dst(%dma_wait3A_314 : memref<1024xf32, #tpu.memory_space<vmem>>)
            tpu.yield
          }) : () -> ()
          %mul3A_250 = arith.constant 32 : i32
          %mul3A_251 = arith.muli %select_n3A_48, %mul3A_250 : i32
          %add3A_252 = arith.constant 24 : i32
          %add3A_253 = arith.addi %mul3A_251, %add3A_252 : i32
          %mul3A_254 = arith.constant 100000 : i32
          %mul3A_255 = arith.muli %add3A_253, %mul3A_254 : i32
          %add3A_256 = arith.addi %mul3A_255, %mul3A_50 : i32
          "tpu.region"() ({
            %run_scoped3A = tpu.sem_alloc : memref<!tpu.dma_semaphore, #tpu.memory_space<semaphore_mem>>
            %dma_start3A = arith.constant 24576 : i32
            %dma_start3A_306 = tpu.memref_slice %arg4[%dma_start3A] : memref<32768xf32, #tpu.memory_space<vmem>> -> memref<1024xf32, #tpu.memory_space<vmem>>
            %dma_start3A_307 = tpu.memref_slice %arg2[%add3A_256] : memref<83200000xf32, #tpu.memory_space<hbm>> -> memref<1024xf32, #tpu.memory_space<hbm>>
            %dma_start3A_308 = arith.constant 24576 : i32
            %dma_start3A_309 = tpu.memref_slice %arg4[%dma_start3A_308] : memref<32768xf32, #tpu.memory_space<vmem>> -> memref<1024xf32, #tpu.memory_space<vmem>>
            %dma_start3A_310 = tpu.memref_slice %arg2[%add3A_256] : memref<83200000xf32, #tpu.memory_space<hbm>> -> memref<1024xf32, #tpu.memory_space<hbm>>
            tpu.enqueue_dma source(%dma_start3A_310 : memref<1024xf32, #tpu.memory_space<hbm>>) target(%dma_start3A_309 : memref<1024xf32, #tpu.memory_space<vmem>>) target_semaphore(%run_scoped3A : memref<!tpu.dma_semaphore, #tpu.memory_space<semaphore_mem>>)
            %dma_wait3A = arith.constant 24576 : i32
            %dma_wait3A_311 = tpu.memref_slice %arg4[%dma_wait3A] : memref<32768xf32, #tpu.memory_space<vmem>> -> memref<1024xf32, #tpu.memory_space<vmem>>
            %dma_wait3A_312 = tpu.memref_slice %arg2[%add3A_256] : memref<83200000xf32, #tpu.memory_space<hbm>> -> memref<1024xf32, #tpu.memory_space<hbm>>
            %dma_wait3A_313 = arith.constant 24576 : i32
            %dma_wait3A_314 = tpu.memref_slice %arg4[%dma_wait3A_313] : memref<32768xf32, #tpu.memory_space<vmem>> -> memref<1024xf32, #tpu.memory_space<vmem>>
            %dma_wait3A_315 = tpu.memref_slice %arg2[%add3A_256] : memref<83200000xf32, #tpu.memory_space<hbm>> -> memref<1024xf32, #tpu.memory_space<hbm>>
            tpu.wait_dma2 semaphore(%run_scoped3A : memref<!tpu.dma_semaphore, #tpu.memory_space<semaphore_mem>>) src(%dma_wait3A_315 : memref<1024xf32, #tpu.memory_space<hbm>>) dst(%dma_wait3A_314 : memref<1024xf32, #tpu.memory_space<vmem>>)
            tpu.yield
          }) : () -> ()
          %mul3A_257 = arith.constant 32 : i32
          %mul3A_258 = arith.muli %select_n3A_48, %mul3A_257 : i32
          %add3A_259 = arith.constant 25 : i32
          %add3A_260 = arith.addi %mul3A_258, %add3A_259 : i32
          %mul3A_261 = arith.constant 100000 : i32
          %mul3A_262 = arith.muli %add3A_260, %mul3A_261 : i32
          %add3A_263 = arith.addi %mul3A_262, %mul3A_50 : i32
          "tpu.region"() ({
            %run_scoped3A = tpu.sem_alloc : memref<!tpu.dma_semaphore, #tpu.memory_space<semaphore_mem>>
            %dma_start3A = arith.constant 25600 : i32
            %dma_start3A_306 = tpu.memref_slice %arg4[%dma_start3A] : memref<32768xf32, #tpu.memory_space<vmem>> -> memref<1024xf32, #tpu.memory_space<vmem>>
            %dma_start3A_307 = tpu.memref_slice %arg2[%add3A_263] : memref<83200000xf32, #tpu.memory_space<hbm>> -> memref<1024xf32, #tpu.memory_space<hbm>>
            %dma_start3A_308 = arith.constant 25600 : i32
            %dma_start3A_309 = tpu.memref_slice %arg4[%dma_start3A_308] : memref<32768xf32, #tpu.memory_space<vmem>> -> memref<1024xf32, #tpu.memory_space<vmem>>
            %dma_start3A_310 = tpu.memref_slice %arg2[%add3A_263] : memref<83200000xf32, #tpu.memory_space<hbm>> -> memref<1024xf32, #tpu.memory_space<hbm>>
            tpu.enqueue_dma source(%dma_start3A_310 : memref<1024xf32, #tpu.memory_space<hbm>>) target(%dma_start3A_309 : memref<1024xf32, #tpu.memory_space<vmem>>) target_semaphore(%run_scoped3A : memref<!tpu.dma_semaphore, #tpu.memory_space<semaphore_mem>>)
            %dma_wait3A = arith.constant 25600 : i32
            %dma_wait3A_311 = tpu.memref_slice %arg4[%dma_wait3A] : memref<32768xf32, #tpu.memory_space<vmem>> -> memref<1024xf32, #tpu.memory_space<vmem>>
            %dma_wait3A_312 = tpu.memref_slice %arg2[%add3A_263] : memref<83200000xf32, #tpu.memory_space<hbm>> -> memref<1024xf32, #tpu.memory_space<hbm>>
            %dma_wait3A_313 = arith.constant 25600 : i32
            %dma_wait3A_314 = tpu.memref_slice %arg4[%dma_wait3A_313] : memref<32768xf32, #tpu.memory_space<vmem>> -> memref<1024xf32, #tpu.memory_space<vmem>>
            %dma_wait3A_315 = tpu.memref_slice %arg2[%add3A_263] : memref<83200000xf32, #tpu.memory_space<hbm>> -> memref<1024xf32, #tpu.memory_space<hbm>>
            tpu.wait_dma2 semaphore(%run_scoped3A : memref<!tpu.dma_semaphore, #tpu.memory_space<semaphore_mem>>) src(%dma_wait3A_315 : memref<1024xf32, #tpu.memory_space<hbm>>) dst(%dma_wait3A_314 : memref<1024xf32, #tpu.memory_space<vmem>>)
            tpu.yield
          }) : () -> ()
          %mul3A_264 = arith.constant 32 : i32
          %mul3A_265 = arith.muli %select_n3A_48, %mul3A_264 : i32
          %add3A_266 = arith.constant 26 : i32
          %add3A_267 = arith.addi %mul3A_265, %add3A_266 : i32
          %mul3A_268 = arith.constant 100000 : i32
          %mul3A_269 = arith.muli %add3A_267, %mul3A_268 : i32
          %add3A_270 = arith.addi %mul3A_269, %mul3A_50 : i32
          "tpu.region"() ({
            %run_scoped3A = tpu.sem_alloc : memref<!tpu.dma_semaphore, #tpu.memory_space<semaphore_mem>>
            %dma_start3A = arith.constant 26624 : i32
            %dma_start3A_306 = tpu.memref_slice %arg4[%dma_start3A] : memref<32768xf32, #tpu.memory_space<vmem>> -> memref<1024xf32, #tpu.memory_space<vmem>>
            %dma_start3A_307 = tpu.memref_slice %arg2[%add3A_270] : memref<83200000xf32, #tpu.memory_space<hbm>> -> memref<1024xf32, #tpu.memory_space<hbm>>
            %dma_start3A_308 = arith.constant 26624 : i32
            %dma_start3A_309 = tpu.memref_slice %arg4[%dma_start3A_308] : memref<32768xf32, #tpu.memory_space<vmem>> -> memref<1024xf32, #tpu.memory_space<vmem>>
            %dma_start3A_310 = tpu.memref_slice %arg2[%add3A_270] : memref<83200000xf32, #tpu.memory_space<hbm>> -> memref<1024xf32, #tpu.memory_space<hbm>>
            tpu.enqueue_dma source(%dma_start3A_310 : memref<1024xf32, #tpu.memory_space<hbm>>) target(%dma_start3A_309 : memref<1024xf32, #tpu.memory_space<vmem>>) target_semaphore(%run_scoped3A : memref<!tpu.dma_semaphore, #tpu.memory_space<semaphore_mem>>)
            %dma_wait3A = arith.constant 26624 : i32
            %dma_wait3A_311 = tpu.memref_slice %arg4[%dma_wait3A] : memref<32768xf32, #tpu.memory_space<vmem>> -> memref<1024xf32, #tpu.memory_space<vmem>>
            %dma_wait3A_312 = tpu.memref_slice %arg2[%add3A_270] : memref<83200000xf32, #tpu.memory_space<hbm>> -> memref<1024xf32, #tpu.memory_space<hbm>>
            %dma_wait3A_313 = arith.constant 26624 : i32
            %dma_wait3A_314 = tpu.memref_slice %arg4[%dma_wait3A_313] : memref<32768xf32, #tpu.memory_space<vmem>> -> memref<1024xf32, #tpu.memory_space<vmem>>
            %dma_wait3A_315 = tpu.memref_slice %arg2[%add3A_270] : memref<83200000xf32, #tpu.memory_space<hbm>> -> memref<1024xf32, #tpu.memory_space<hbm>>
            tpu.wait_dma2 semaphore(%run_scoped3A : memref<!tpu.dma_semaphore, #tpu.memory_space<semaphore_mem>>) src(%dma_wait3A_315 : memref<1024xf32, #tpu.memory_space<hbm>>) dst(%dma_wait3A_314 : memref<1024xf32, #tpu.memory_space<vmem>>)
            tpu.yield
          }) : () -> ()
          %mul3A_271 = arith.constant 32 : i32
          %mul3A_272 = arith.muli %select_n3A_48, %mul3A_271 : i32
          %add3A_273 = arith.constant 27 : i32
          %add3A_274 = arith.addi %mul3A_272, %add3A_273 : i32
          %mul3A_275 = arith.constant 100000 : i32
          %mul3A_276 = arith.muli %add3A_274, %mul3A_275 : i32
          %add3A_277 = arith.addi %mul3A_276, %mul3A_50 : i32
          "tpu.region"() ({
            %run_scoped3A = tpu.sem_alloc : memref<!tpu.dma_semaphore, #tpu.memory_space<semaphore_mem>>
            %dma_start3A = arith.constant 27648 : i32
            %dma_start3A_306 = tpu.memref_slice %arg4[%dma_start3A] : memref<32768xf32, #tpu.memory_space<vmem>> -> memref<1024xf32, #tpu.memory_space<vmem>>
            %dma_start3A_307 = tpu.memref_slice %arg2[%add3A_277] : memref<83200000xf32, #tpu.memory_space<hbm>> -> memref<1024xf32, #tpu.memory_space<hbm>>
            %dma_start3A_308 = arith.constant 27648 : i32
            %dma_start3A_309 = tpu.memref_slice %arg4[%dma_start3A_308] : memref<32768xf32, #tpu.memory_space<vmem>> -> memref<1024xf32, #tpu.memory_space<vmem>>
            %dma_start3A_310 = tpu.memref_slice %arg2[%add3A_277] : memref<83200000xf32, #tpu.memory_space<hbm>> -> memref<1024xf32, #tpu.memory_space<hbm>>
            tpu.enqueue_dma source(%dma_start3A_310 : memref<1024xf32, #tpu.memory_space<hbm>>) target(%dma_start3A_309 : memref<1024xf32, #tpu.memory_space<vmem>>) target_semaphore(%run_scoped3A : memref<!tpu.dma_semaphore, #tpu.memory_space<semaphore_mem>>)
            %dma_wait3A = arith.constant 27648 : i32
            %dma_wait3A_311 = tpu.memref_slice %arg4[%dma_wait3A] : memref<32768xf32, #tpu.memory_space<vmem>> -> memref<1024xf32, #tpu.memory_space<vmem>>
            %dma_wait3A_312 = tpu.memref_slice %arg2[%add3A_277] : memref<83200000xf32, #tpu.memory_space<hbm>> -> memref<1024xf32, #tpu.memory_space<hbm>>
            %dma_wait3A_313 = arith.constant 27648 : i32
            %dma_wait3A_314 = tpu.memref_slice %arg4[%dma_wait3A_313] : memref<32768xf32, #tpu.memory_space<vmem>> -> memref<1024xf32, #tpu.memory_space<vmem>>
            %dma_wait3A_315 = tpu.memref_slice %arg2[%add3A_277] : memref<83200000xf32, #tpu.memory_space<hbm>> -> memref<1024xf32, #tpu.memory_space<hbm>>
            tpu.wait_dma2 semaphore(%run_scoped3A : memref<!tpu.dma_semaphore, #tpu.memory_space<semaphore_mem>>) src(%dma_wait3A_315 : memref<1024xf32, #tpu.memory_space<hbm>>) dst(%dma_wait3A_314 : memref<1024xf32, #tpu.memory_space<vmem>>)
            tpu.yield
          }) : () -> ()
          %mul3A_278 = arith.constant 32 : i32
          %mul3A_279 = arith.muli %select_n3A_48, %mul3A_278 : i32
          %add3A_280 = arith.constant 28 : i32
          %add3A_281 = arith.addi %mul3A_279, %add3A_280 : i32
          %mul3A_282 = arith.constant 100000 : i32
          %mul3A_283 = arith.muli %add3A_281, %mul3A_282 : i32
          %add3A_284 = arith.addi %mul3A_283, %mul3A_50 : i32
          "tpu.region"() ({
            %run_scoped3A = tpu.sem_alloc : memref<!tpu.dma_semaphore, #tpu.memory_space<semaphore_mem>>
            %dma_start3A = arith.constant 28672 : i32
            %dma_start3A_306 = tpu.memref_slice %arg4[%dma_start3A] : memref<32768xf32, #tpu.memory_space<vmem>> -> memref<1024xf32, #tpu.memory_space<vmem>>
            %dma_start3A_307 = tpu.memref_slice %arg2[%add3A_284] : memref<83200000xf32, #tpu.memory_space<hbm>> -> memref<1024xf32, #tpu.memory_space<hbm>>
            %dma_start3A_308 = arith.constant 28672 : i32
            %dma_start3A_309 = tpu.memref_slice %arg4[%dma_start3A_308] : memref<32768xf32, #tpu.memory_space<vmem>> -> memref<1024xf32, #tpu.memory_space<vmem>>
            %dma_start3A_310 = tpu.memref_slice %arg2[%add3A_284] : memref<83200000xf32, #tpu.memory_space<hbm>> -> memref<1024xf32, #tpu.memory_space<hbm>>
            tpu.enqueue_dma source(%dma_start3A_310 : memref<1024xf32, #tpu.memory_space<hbm>>) target(%dma_start3A_309 : memref<1024xf32, #tpu.memory_space<vmem>>) target_semaphore(%run_scoped3A : memref<!tpu.dma_semaphore, #tpu.memory_space<semaphore_mem>>)
            %dma_wait3A = arith.constant 28672 : i32
            %dma_wait3A_311 = tpu.memref_slice %arg4[%dma_wait3A] : memref<32768xf32, #tpu.memory_space<vmem>> -> memref<1024xf32, #tpu.memory_space<vmem>>
            %dma_wait3A_312 = tpu.memref_slice %arg2[%add3A_284] : memref<83200000xf32, #tpu.memory_space<hbm>> -> memref<1024xf32, #tpu.memory_space<hbm>>
            %dma_wait3A_313 = arith.constant 28672 : i32
            %dma_wait3A_314 = tpu.memref_slice %arg4[%dma_wait3A_313] : memref<32768xf32, #tpu.memory_space<vmem>> -> memref<1024xf32, #tpu.memory_space<vmem>>
            %dma_wait3A_315 = tpu.memref_slice %arg2[%add3A_284] : memref<83200000xf32, #tpu.memory_space<hbm>> -> memref<1024xf32, #tpu.memory_space<hbm>>
            tpu.wait_dma2 semaphore(%run_scoped3A : memref<!tpu.dma_semaphore, #tpu.memory_space<semaphore_mem>>) src(%dma_wait3A_315 : memref<1024xf32, #tpu.memory_space<hbm>>) dst(%dma_wait3A_314 : memref<1024xf32, #tpu.memory_space<vmem>>)
            tpu.yield
          }) : () -> ()
          %mul3A_285 = arith.constant 32 : i32
          %mul3A_286 = arith.muli %select_n3A_48, %mul3A_285 : i32
          %add3A_287 = arith.constant 29 : i32
          %add3A_288 = arith.addi %mul3A_286, %add3A_287 : i32
          %mul3A_289 = arith.constant 100000 : i32
          %mul3A_290 = arith.muli %add3A_288, %mul3A_289 : i32
          %add3A_291 = arith.addi %mul3A_290, %mul3A_50 : i32
          "tpu.region"() ({
            %run_scoped3A = tpu.sem_alloc : memref<!tpu.dma_semaphore, #tpu.memory_space<semaphore_mem>>
            %dma_start3A = arith.constant 29696 : i32
            %dma_start3A_306 = tpu.memref_slice %arg4[%dma_start3A] : memref<32768xf32, #tpu.memory_space<vmem>> -> memref<1024xf32, #tpu.memory_space<vmem>>
            %dma_start3A_307 = tpu.memref_slice %arg2[%add3A_291] : memref<83200000xf32, #tpu.memory_space<hbm>> -> memref<1024xf32, #tpu.memory_space<hbm>>
            %dma_start3A_308 = arith.constant 29696 : i32
            %dma_start3A_309 = tpu.memref_slice %arg4[%dma_start3A_308] : memref<32768xf32, #tpu.memory_space<vmem>> -> memref<1024xf32, #tpu.memory_space<vmem>>
            %dma_start3A_310 = tpu.memref_slice %arg2[%add3A_291] : memref<83200000xf32, #tpu.memory_space<hbm>> -> memref<1024xf32, #tpu.memory_space<hbm>>
            tpu.enqueue_dma source(%dma_start3A_310 : memref<1024xf32, #tpu.memory_space<hbm>>) target(%dma_start3A_309 : memref<1024xf32, #tpu.memory_space<vmem>>) target_semaphore(%run_scoped3A : memref<!tpu.dma_semaphore, #tpu.memory_space<semaphore_mem>>)
            %dma_wait3A = arith.constant 29696 : i32
            %dma_wait3A_311 = tpu.memref_slice %arg4[%dma_wait3A] : memref<32768xf32, #tpu.memory_space<vmem>> -> memref<1024xf32, #tpu.memory_space<vmem>>
            %dma_wait3A_312 = tpu.memref_slice %arg2[%add3A_291] : memref<83200000xf32, #tpu.memory_space<hbm>> -> memref<1024xf32, #tpu.memory_space<hbm>>
            %dma_wait3A_313 = arith.constant 29696 : i32
            %dma_wait3A_314 = tpu.memref_slice %arg4[%dma_wait3A_313] : memref<32768xf32, #tpu.memory_space<vmem>> -> memref<1024xf32, #tpu.memory_space<vmem>>
            %dma_wait3A_315 = tpu.memref_slice %arg2[%add3A_291] : memref<83200000xf32, #tpu.memory_space<hbm>> -> memref<1024xf32, #tpu.memory_space<hbm>>
            tpu.wait_dma2 semaphore(%run_scoped3A : memref<!tpu.dma_semaphore, #tpu.memory_space<semaphore_mem>>) src(%dma_wait3A_315 : memref<1024xf32, #tpu.memory_space<hbm>>) dst(%dma_wait3A_314 : memref<1024xf32, #tpu.memory_space<vmem>>)
            tpu.yield
          }) : () -> ()
          %mul3A_292 = arith.constant 32 : i32
          %mul3A_293 = arith.muli %select_n3A_48, %mul3A_292 : i32
          %add3A_294 = arith.constant 30 : i32
          %add3A_295 = arith.addi %mul3A_293, %add3A_294 : i32
          %mul3A_296 = arith.constant 100000 : i32
          %mul3A_297 = arith.muli %add3A_295, %mul3A_296 : i32
          %add3A_298 = arith.addi %mul3A_297, %mul3A_50 : i32
          "tpu.region"() ({
            %run_scoped3A = tpu.sem_alloc : memref<!tpu.dma_semaphore, #tpu.memory_space<semaphore_mem>>
            %dma_start3A = arith.constant 30720 : i32
            %dma_start3A_306 = tpu.memref_slice %arg4[%dma_start3A] : memref<32768xf32, #tpu.memory_space<vmem>> -> memref<1024xf32, #tpu.memory_space<vmem>>
            %dma_start3A_307 = tpu.memref_slice %arg2[%add3A_298] : memref<83200000xf32, #tpu.memory_space<hbm>> -> memref<1024xf32, #tpu.memory_space<hbm>>
            %dma_start3A_308 = arith.constant 30720 : i32
            %dma_start3A_309 = tpu.memref_slice %arg4[%dma_start3A_308] : memref<32768xf32, #tpu.memory_space<vmem>> -> memref<1024xf32, #tpu.memory_space<vmem>>
            %dma_start3A_310 = tpu.memref_slice %arg2[%add3A_298] : memref<83200000xf32, #tpu.memory_space<hbm>> -> memref<1024xf32, #tpu.memory_space<hbm>>
            tpu.enqueue_dma source(%dma_start3A_310 : memref<1024xf32, #tpu.memory_space<hbm>>) target(%dma_start3A_309 : memref<1024xf32, #tpu.memory_space<vmem>>) target_semaphore(%run_scoped3A : memref<!tpu.dma_semaphore, #tpu.memory_space<semaphore_mem>>)
            %dma_wait3A = arith.constant 30720 : i32
            %dma_wait3A_311 = tpu.memref_slice %arg4[%dma_wait3A] : memref<32768xf32, #tpu.memory_space<vmem>> -> memref<1024xf32, #tpu.memory_space<vmem>>
            %dma_wait3A_312 = tpu.memref_slice %arg2[%add3A_298] : memref<83200000xf32, #tpu.memory_space<hbm>> -> memref<1024xf32, #tpu.memory_space<hbm>>
            %dma_wait3A_313 = arith.constant 30720 : i32
            %dma_wait3A_314 = tpu.memref_slice %arg4[%dma_wait3A_313] : memref<32768xf32, #tpu.memory_space<vmem>> -> memref<1024xf32, #tpu.memory_space<vmem>>
            %dma_wait3A_315 = tpu.memref_slice %arg2[%add3A_298] : memref<83200000xf32, #tpu.memory_space<hbm>> -> memref<1024xf32, #tpu.memory_space<hbm>>
            tpu.wait_dma2 semaphore(%run_scoped3A : memref<!tpu.dma_semaphore, #tpu.memory_space<semaphore_mem>>) src(%dma_wait3A_315 : memref<1024xf32, #tpu.memory_space<hbm>>) dst(%dma_wait3A_314 : memref<1024xf32, #tpu.memory_space<vmem>>)
            tpu.yield
          }) : () -> ()
          %mul3A_299 = arith.constant 32 : i32
          %mul3A_300 = arith.muli %select_n3A_48, %mul3A_299 : i32
          %add3A_301 = arith.constant 31 : i32
          %add3A_302 = arith.addi %mul3A_300, %add3A_301 : i32
          %mul3A_303 = arith.constant 100000 : i32
          %mul3A_304 = arith.muli %add3A_302, %mul3A_303 : i32
          %add3A_305 = arith.addi %mul3A_304, %mul3A_50 : i32
          "tpu.region"() ({
            %run_scoped3A = tpu.sem_alloc : memref<!tpu.dma_semaphore, #tpu.memory_space<semaphore_mem>>
            %dma_start3A = arith.constant 31744 : i32
            %dma_start3A_306 = tpu.memref_slice %arg4[%dma_start3A] : memref<32768xf32, #tpu.memory_space<vmem>> -> memref<1024xf32, #tpu.memory_space<vmem>>
            %dma_start3A_307 = tpu.memref_slice %arg2[%add3A_305] : memref<83200000xf32, #tpu.memory_space<hbm>> -> memref<1024xf32, #tpu.memory_space<hbm>>
            %dma_start3A_308 = arith.constant 31744 : i32
            %dma_start3A_309 = tpu.memref_slice %arg4[%dma_start3A_308] : memref<32768xf32, #tpu.memory_space<vmem>> -> memref<1024xf32, #tpu.memory_space<vmem>>
            %dma_start3A_310 = tpu.memref_slice %arg2[%add3A_305] : memref<83200000xf32, #tpu.memory_space<hbm>> -> memref<1024xf32, #tpu.memory_space<hbm>>
            tpu.enqueue_dma source(%dma_start3A_310 : memref<1024xf32, #tpu.memory_space<hbm>>) target(%dma_start3A_309 : memref<1024xf32, #tpu.memory_space<vmem>>) target_semaphore(%run_scoped3A : memref<!tpu.dma_semaphore, #tpu.memory_space<semaphore_mem>>)
            %dma_wait3A = arith.constant 31744 : i32
            %dma_wait3A_311 = tpu.memref_slice %arg4[%dma_wait3A] : memref<32768xf32, #tpu.memory_space<vmem>> -> memref<1024xf32, #tpu.memory_space<vmem>>
            %dma_wait3A_312 = tpu.memref_slice %arg2[%add3A_305] : memref<83200000xf32, #tpu.memory_space<hbm>> -> memref<1024xf32, #tpu.memory_space<hbm>>
            %dma_wait3A_313 = arith.constant 31744 : i32
            %dma_wait3A_314 = tpu.memref_slice %arg4[%dma_wait3A_313] : memref<32768xf32, #tpu.memory_space<vmem>> -> memref<1024xf32, #tpu.memory_space<vmem>>
            %dma_wait3A_315 = tpu.memref_slice %arg2[%add3A_305] : memref<83200000xf32, #tpu.memory_space<hbm>> -> memref<1024xf32, #tpu.memory_space<hbm>>
            tpu.wait_dma2 semaphore(%run_scoped3A : memref<!tpu.dma_semaphore, #tpu.memory_space<semaphore_mem>>) src(%dma_wait3A_315 : memref<1024xf32, #tpu.memory_space<hbm>>) dst(%dma_wait3A_314 : memref<1024xf32, #tpu.memory_space<vmem>>)
            tpu.yield
          }) : () -> ()
        } else {
        }
        %eq3A_61 = arith.constant 97 : i32
        %eq3A_62 = arith.cmpi eq, %select_n3A_27, %eq3A_61 : i32
        %convert_element_type3A_63 = arith.extui %eq3A_62 : i1 to i32
        %cond3A_64 = arith.constant 0 : i32
        %cond3A_65 = arith.cmpi ne, %convert_element_type3A_63, %cond3A_64 : i32
        scf.if %cond3A_65 {
          %mul3A_82 = arith.constant 32 : i32
          %mul3A_83 = arith.muli %select_n3A_48, %mul3A_82 : i32
          %add3A_84 = arith.constant 0 : i32
          %add3A_85 = arith.addi %mul3A_83, %add3A_84 : i32
          %mul3A_86 = arith.constant 100000 : i32
          %mul3A_87 = arith.muli %add3A_85, %mul3A_86 : i32
          %add3A_88 = arith.addi %mul3A_87, %mul3A_50 : i32
          "tpu.region"() ({
            %run_scoped3A = tpu.sem_alloc : memref<!tpu.dma_semaphore, #tpu.memory_space<semaphore_mem>>
            %dma_start3A = arith.constant 0 : i32
            %dma_start3A_306 = tpu.memref_slice %arg4[%dma_start3A] : memref<32768xf32, #tpu.memory_space<vmem>> -> memref<672xf32, #tpu.memory_space<vmem>>
            %dma_start3A_307 = tpu.memref_slice %arg2[%add3A_88] : memref<83200000xf32, #tpu.memory_space<hbm>> -> memref<672xf32, #tpu.memory_space<hbm>>
            %dma_start3A_308 = arith.constant 0 : i32
            %dma_start3A_309 = tpu.memref_slice %arg4[%dma_start3A_308] : memref<32768xf32, #tpu.memory_space<vmem>> -> memref<672xf32, #tpu.memory_space<vmem>>
            %dma_start3A_310 = tpu.memref_slice %arg2[%add3A_88] : memref<83200000xf32, #tpu.memory_space<hbm>> -> memref<672xf32, #tpu.memory_space<hbm>>
            tpu.enqueue_dma source(%dma_start3A_310 : memref<672xf32, #tpu.memory_space<hbm>>) target(%dma_start3A_309 : memref<672xf32, #tpu.memory_space<vmem>>) target_semaphore(%run_scoped3A : memref<!tpu.dma_semaphore, #tpu.memory_space<semaphore_mem>>)
            %dma_wait3A = arith.constant 0 : i32
            %dma_wait3A_311 = tpu.memref_slice %arg4[%dma_wait3A] : memref<32768xf32, #tpu.memory_space<vmem>> -> memref<672xf32, #tpu.memory_space<vmem>>
            %dma_wait3A_312 = tpu.memref_slice %arg2[%add3A_88] : memref<83200000xf32, #tpu.memory_space<hbm>> -> memref<672xf32, #tpu.memory_space<hbm>>
            %dma_wait3A_313 = arith.constant 0 : i32
            %dma_wait3A_314 = tpu.memref_slice %arg4[%dma_wait3A_313] : memref<32768xf32, #tpu.memory_space<vmem>> -> memref<672xf32, #tpu.memory_space<vmem>>
            %dma_wait3A_315 = tpu.memref_slice %arg2[%add3A_88] : memref<83200000xf32, #tpu.memory_space<hbm>> -> memref<672xf32, #tpu.memory_space<hbm>>
            tpu.wait_dma2 semaphore(%run_scoped3A : memref<!tpu.dma_semaphore, #tpu.memory_space<semaphore_mem>>) src(%dma_wait3A_315 : memref<672xf32, #tpu.memory_space<hbm>>) dst(%dma_wait3A_314 : memref<672xf32, #tpu.memory_space<vmem>>)
            tpu.yield
          }) : () -> ()
          %mul3A_89 = arith.constant 32 : i32
          %mul3A_90 = arith.muli %select_n3A_48, %mul3A_89 : i32
          %add3A_91 = arith.constant 1 : i32
          %add3A_92 = arith.addi %mul3A_90, %add3A_91 : i32
          %mul3A_93 = arith.constant 100000 : i32
          %mul3A_94 = arith.muli %add3A_92, %mul3A_93 : i32
          %add3A_95 = arith.addi %mul3A_94, %mul3A_50 : i32
          "tpu.region"() ({
            %run_scoped3A = tpu.sem_alloc : memref<!tpu.dma_semaphore, #tpu.memory_space<semaphore_mem>>
            %dma_start3A = arith.constant 1024 : i32
            %dma_start3A_306 = tpu.memref_slice %arg4[%dma_start3A] : memref<32768xf32, #tpu.memory_space<vmem>> -> memref<672xf32, #tpu.memory_space<vmem>>
            %dma_start3A_307 = tpu.memref_slice %arg2[%add3A_95] : memref<83200000xf32, #tpu.memory_space<hbm>> -> memref<672xf32, #tpu.memory_space<hbm>>
            %dma_start3A_308 = arith.constant 1024 : i32
            %dma_start3A_309 = tpu.memref_slice %arg4[%dma_start3A_308] : memref<32768xf32, #tpu.memory_space<vmem>> -> memref<672xf32, #tpu.memory_space<vmem>>
            %dma_start3A_310 = tpu.memref_slice %arg2[%add3A_95] : memref<83200000xf32, #tpu.memory_space<hbm>> -> memref<672xf32, #tpu.memory_space<hbm>>
            tpu.enqueue_dma source(%dma_start3A_310 : memref<672xf32, #tpu.memory_space<hbm>>) target(%dma_start3A_309 : memref<672xf32, #tpu.memory_space<vmem>>) target_semaphore(%run_scoped3A : memref<!tpu.dma_semaphore, #tpu.memory_space<semaphore_mem>>)
            %dma_wait3A = arith.constant 1024 : i32
            %dma_wait3A_311 = tpu.memref_slice %arg4[%dma_wait3A] : memref<32768xf32, #tpu.memory_space<vmem>> -> memref<672xf32, #tpu.memory_space<vmem>>
            %dma_wait3A_312 = tpu.memref_slice %arg2[%add3A_95] : memref<83200000xf32, #tpu.memory_space<hbm>> -> memref<672xf32, #tpu.memory_space<hbm>>
            %dma_wait3A_313 = arith.constant 1024 : i32
            %dma_wait3A_314 = tpu.memref_slice %arg4[%dma_wait3A_313] : memref<32768xf32, #tpu.memory_space<vmem>> -> memref<672xf32, #tpu.memory_space<vmem>>
            %dma_wait3A_315 = tpu.memref_slice %arg2[%add3A_95] : memref<83200000xf32, #tpu.memory_space<hbm>> -> memref<672xf32, #tpu.memory_space<hbm>>
            tpu.wait_dma2 semaphore(%run_scoped3A : memref<!tpu.dma_semaphore, #tpu.memory_space<semaphore_mem>>) src(%dma_wait3A_315 : memref<672xf32, #tpu.memory_space<hbm>>) dst(%dma_wait3A_314 : memref<672xf32, #tpu.memory_space<vmem>>)
            tpu.yield
          }) : () -> ()
          %mul3A_96 = arith.constant 32 : i32
          %mul3A_97 = arith.muli %select_n3A_48, %mul3A_96 : i32
          %add3A_98 = arith.constant 2 : i32
          %add3A_99 = arith.addi %mul3A_97, %add3A_98 : i32
          %mul3A_100 = arith.constant 100000 : i32
          %mul3A_101 = arith.muli %add3A_99, %mul3A_100 : i32
          %add3A_102 = arith.addi %mul3A_101, %mul3A_50 : i32
          "tpu.region"() ({
            %run_scoped3A = tpu.sem_alloc : memref<!tpu.dma_semaphore, #tpu.memory_space<semaphore_mem>>
            %dma_start3A = arith.constant 2048 : i32
            %dma_start3A_306 = tpu.memref_slice %arg4[%dma_start3A] : memref<32768xf32, #tpu.memory_space<vmem>> -> memref<672xf32, #tpu.memory_space<vmem>>
            %dma_start3A_307 = tpu.memref_slice %arg2[%add3A_102] : memref<83200000xf32, #tpu.memory_space<hbm>> -> memref<672xf32, #tpu.memory_space<hbm>>
            %dma_start3A_308 = arith.constant 2048 : i32
            %dma_start3A_309 = tpu.memref_slice %arg4[%dma_start3A_308] : memref<32768xf32, #tpu.memory_space<vmem>> -> memref<672xf32, #tpu.memory_space<vmem>>
            %dma_start3A_310 = tpu.memref_slice %arg2[%add3A_102] : memref<83200000xf32, #tpu.memory_space<hbm>> -> memref<672xf32, #tpu.memory_space<hbm>>
            tpu.enqueue_dma source(%dma_start3A_310 : memref<672xf32, #tpu.memory_space<hbm>>) target(%dma_start3A_309 : memref<672xf32, #tpu.memory_space<vmem>>) target_semaphore(%run_scoped3A : memref<!tpu.dma_semaphore, #tpu.memory_space<semaphore_mem>>)
            %dma_wait3A = arith.constant 2048 : i32
            %dma_wait3A_311 = tpu.memref_slice %arg4[%dma_wait3A] : memref<32768xf32, #tpu.memory_space<vmem>> -> memref<672xf32, #tpu.memory_space<vmem>>
            %dma_wait3A_312 = tpu.memref_slice %arg2[%add3A_102] : memref<83200000xf32, #tpu.memory_space<hbm>> -> memref<672xf32, #tpu.memory_space<hbm>>
            %dma_wait3A_313 = arith.constant 2048 : i32
            %dma_wait3A_314 = tpu.memref_slice %arg4[%dma_wait3A_313] : memref<32768xf32, #tpu.memory_space<vmem>> -> memref<672xf32, #tpu.memory_space<vmem>>
            %dma_wait3A_315 = tpu.memref_slice %arg2[%add3A_102] : memref<83200000xf32, #tpu.memory_space<hbm>> -> memref<672xf32, #tpu.memory_space<hbm>>
            tpu.wait_dma2 semaphore(%run_scoped3A : memref<!tpu.dma_semaphore, #tpu.memory_space<semaphore_mem>>) src(%dma_wait3A_315 : memref<672xf32, #tpu.memory_space<hbm>>) dst(%dma_wait3A_314 : memref<672xf32, #tpu.memory_space<vmem>>)
            tpu.yield
          }) : () -> ()
          %mul3A_103 = arith.constant 32 : i32
          %mul3A_104 = arith.muli %select_n3A_48, %mul3A_103 : i32
          %add3A_105 = arith.constant 3 : i32
          %add3A_106 = arith.addi %mul3A_104, %add3A_105 : i32
          %mul3A_107 = arith.constant 100000 : i32
          %mul3A_108 = arith.muli %add3A_106, %mul3A_107 : i32
          %add3A_109 = arith.addi %mul3A_108, %mul3A_50 : i32
          "tpu.region"() ({
            %run_scoped3A = tpu.sem_alloc : memref<!tpu.dma_semaphore, #tpu.memory_space<semaphore_mem>>
            %dma_start3A = arith.constant 3072 : i32
            %dma_start3A_306 = tpu.memref_slice %arg4[%dma_start3A] : memref<32768xf32, #tpu.memory_space<vmem>> -> memref<672xf32, #tpu.memory_space<vmem>>
            %dma_start3A_307 = tpu.memref_slice %arg2[%add3A_109] : memref<83200000xf32, #tpu.memory_space<hbm>> -> memref<672xf32, #tpu.memory_space<hbm>>
            %dma_start3A_308 = arith.constant 3072 : i32
            %dma_start3A_309 = tpu.memref_slice %arg4[%dma_start3A_308] : memref<32768xf32, #tpu.memory_space<vmem>> -> memref<672xf32, #tpu.memory_space<vmem>>
            %dma_start3A_310 = tpu.memref_slice %arg2[%add3A_109] : memref<83200000xf32, #tpu.memory_space<hbm>> -> memref<672xf32, #tpu.memory_space<hbm>>
            tpu.enqueue_dma source(%dma_start3A_310 : memref<672xf32, #tpu.memory_space<hbm>>) target(%dma_start3A_309 : memref<672xf32, #tpu.memory_space<vmem>>) target_semaphore(%run_scoped3A : memref<!tpu.dma_semaphore, #tpu.memory_space<semaphore_mem>>)
            %dma_wait3A = arith.constant 3072 : i32
            %dma_wait3A_311 = tpu.memref_slice %arg4[%dma_wait3A] : memref<32768xf32, #tpu.memory_space<vmem>> -> memref<672xf32, #tpu.memory_space<vmem>>
            %dma_wait3A_312 = tpu.memref_slice %arg2[%add3A_109] : memref<83200000xf32, #tpu.memory_space<hbm>> -> memref<672xf32, #tpu.memory_space<hbm>>
            %dma_wait3A_313 = arith.constant 3072 : i32
            %dma_wait3A_314 = tpu.memref_slice %arg4[%dma_wait3A_313] : memref<32768xf32, #tpu.memory_space<vmem>> -> memref<672xf32, #tpu.memory_space<vmem>>
            %dma_wait3A_315 = tpu.memref_slice %arg2[%add3A_109] : memref<83200000xf32, #tpu.memory_space<hbm>> -> memref<672xf32, #tpu.memory_space<hbm>>
            tpu.wait_dma2 semaphore(%run_scoped3A : memref<!tpu.dma_semaphore, #tpu.memory_space<semaphore_mem>>) src(%dma_wait3A_315 : memref<672xf32, #tpu.memory_space<hbm>>) dst(%dma_wait3A_314 : memref<672xf32, #tpu.memory_space<vmem>>)
            tpu.yield
          }) : () -> ()
          %mul3A_110 = arith.constant 32 : i32
          %mul3A_111 = arith.muli %select_n3A_48, %mul3A_110 : i32
          %add3A_112 = arith.constant 4 : i32
          %add3A_113 = arith.addi %mul3A_111, %add3A_112 : i32
          %mul3A_114 = arith.constant 100000 : i32
          %mul3A_115 = arith.muli %add3A_113, %mul3A_114 : i32
          %add3A_116 = arith.addi %mul3A_115, %mul3A_50 : i32
          "tpu.region"() ({
            %run_scoped3A = tpu.sem_alloc : memref<!tpu.dma_semaphore, #tpu.memory_space<semaphore_mem>>
            %dma_start3A = arith.constant 4096 : i32
            %dma_start3A_306 = tpu.memref_slice %arg4[%dma_start3A] : memref<32768xf32, #tpu.memory_space<vmem>> -> memref<672xf32, #tpu.memory_space<vmem>>
            %dma_start3A_307 = tpu.memref_slice %arg2[%add3A_116] : memref<83200000xf32, #tpu.memory_space<hbm>> -> memref<672xf32, #tpu.memory_space<hbm>>
            %dma_start3A_308 = arith.constant 4096 : i32
            %dma_start3A_309 = tpu.memref_slice %arg4[%dma_start3A_308] : memref<32768xf32, #tpu.memory_space<vmem>> -> memref<672xf32, #tpu.memory_space<vmem>>
            %dma_start3A_310 = tpu.memref_slice %arg2[%add3A_116] : memref<83200000xf32, #tpu.memory_space<hbm>> -> memref<672xf32, #tpu.memory_space<hbm>>
            tpu.enqueue_dma source(%dma_start3A_310 : memref<672xf32, #tpu.memory_space<hbm>>) target(%dma_start3A_309 : memref<672xf32, #tpu.memory_space<vmem>>) target_semaphore(%run_scoped3A : memref<!tpu.dma_semaphore, #tpu.memory_space<semaphore_mem>>)
            %dma_wait3A = arith.constant 4096 : i32
            %dma_wait3A_311 = tpu.memref_slice %arg4[%dma_wait3A] : memref<32768xf32, #tpu.memory_space<vmem>> -> memref<672xf32, #tpu.memory_space<vmem>>
            %dma_wait3A_312 = tpu.memref_slice %arg2[%add3A_116] : memref<83200000xf32, #tpu.memory_space<hbm>> -> memref<672xf32, #tpu.memory_space<hbm>>
            %dma_wait3A_313 = arith.constant 4096 : i32
            %dma_wait3A_314 = tpu.memref_slice %arg4[%dma_wait3A_313] : memref<32768xf32, #tpu.memory_space<vmem>> -> memref<672xf32, #tpu.memory_space<vmem>>
            %dma_wait3A_315 = tpu.memref_slice %arg2[%add3A_116] : memref<83200000xf32, #tpu.memory_space<hbm>> -> memref<672xf32, #tpu.memory_space<hbm>>
            tpu.wait_dma2 semaphore(%run_scoped3A : memref<!tpu.dma_semaphore, #tpu.memory_space<semaphore_mem>>) src(%dma_wait3A_315 : memref<672xf32, #tpu.memory_space<hbm>>) dst(%dma_wait3A_314 : memref<672xf32, #tpu.memory_space<vmem>>)
            tpu.yield
          }) : () -> ()
          %mul3A_117 = arith.constant 32 : i32
          %mul3A_118 = arith.muli %select_n3A_48, %mul3A_117 : i32
          %add3A_119 = arith.constant 5 : i32
          %add3A_120 = arith.addi %mul3A_118, %add3A_119 : i32
          %mul3A_121 = arith.constant 100000 : i32
          %mul3A_122 = arith.muli %add3A_120, %mul3A_121 : i32
          %add3A_123 = arith.addi %mul3A_122, %mul3A_50 : i32
          "tpu.region"() ({
            %run_scoped3A = tpu.sem_alloc : memref<!tpu.dma_semaphore, #tpu.memory_space<semaphore_mem>>
            %dma_start3A = arith.constant 5120 : i32
            %dma_start3A_306 = tpu.memref_slice %arg4[%dma_start3A] : memref<32768xf32, #tpu.memory_space<vmem>> -> memref<672xf32, #tpu.memory_space<vmem>>
            %dma_start3A_307 = tpu.memref_slice %arg2[%add3A_123] : memref<83200000xf32, #tpu.memory_space<hbm>> -> memref<672xf32, #tpu.memory_space<hbm>>
            %dma_start3A_308 = arith.constant 5120 : i32
            %dma_start3A_309 = tpu.memref_slice %arg4[%dma_start3A_308] : memref<32768xf32, #tpu.memory_space<vmem>> -> memref<672xf32, #tpu.memory_space<vmem>>
            %dma_start3A_310 = tpu.memref_slice %arg2[%add3A_123] : memref<83200000xf32, #tpu.memory_space<hbm>> -> memref<672xf32, #tpu.memory_space<hbm>>
            tpu.enqueue_dma source(%dma_start3A_310 : memref<672xf32, #tpu.memory_space<hbm>>) target(%dma_start3A_309 : memref<672xf32, #tpu.memory_space<vmem>>) target_semaphore(%run_scoped3A : memref<!tpu.dma_semaphore, #tpu.memory_space<semaphore_mem>>)
            %dma_wait3A = arith.constant 5120 : i32
            %dma_wait3A_311 = tpu.memref_slice %arg4[%dma_wait3A] : memref<32768xf32, #tpu.memory_space<vmem>> -> memref<672xf32, #tpu.memory_space<vmem>>
            %dma_wait3A_312 = tpu.memref_slice %arg2[%add3A_123] : memref<83200000xf32, #tpu.memory_space<hbm>> -> memref<672xf32, #tpu.memory_space<hbm>>
            %dma_wait3A_313 = arith.constant 5120 : i32
            %dma_wait3A_314 = tpu.memref_slice %arg4[%dma_wait3A_313] : memref<32768xf32, #tpu.memory_space<vmem>> -> memref<672xf32, #tpu.memory_space<vmem>>
            %dma_wait3A_315 = tpu.memref_slice %arg2[%add3A_123] : memref<83200000xf32, #tpu.memory_space<hbm>> -> memref<672xf32, #tpu.memory_space<hbm>>
            tpu.wait_dma2 semaphore(%run_scoped3A : memref<!tpu.dma_semaphore, #tpu.memory_space<semaphore_mem>>) src(%dma_wait3A_315 : memref<672xf32, #tpu.memory_space<hbm>>) dst(%dma_wait3A_314 : memref<672xf32, #tpu.memory_space<vmem>>)
            tpu.yield
          }) : () -> ()
          %mul3A_124 = arith.constant 32 : i32
          %mul3A_125 = arith.muli %select_n3A_48, %mul3A_124 : i32
          %add3A_126 = arith.constant 6 : i32
          %add3A_127 = arith.addi %mul3A_125, %add3A_126 : i32
          %mul3A_128 = arith.constant 100000 : i32
          %mul3A_129 = arith.muli %add3A_127, %mul3A_128 : i32
          %add3A_130 = arith.addi %mul3A_129, %mul3A_50 : i32
          "tpu.region"() ({
            %run_scoped3A = tpu.sem_alloc : memref<!tpu.dma_semaphore, #tpu.memory_space<semaphore_mem>>
            %dma_start3A = arith.constant 6144 : i32
            %dma_start3A_306 = tpu.memref_slice %arg4[%dma_start3A] : memref<32768xf32, #tpu.memory_space<vmem>> -> memref<672xf32, #tpu.memory_space<vmem>>
            %dma_start3A_307 = tpu.memref_slice %arg2[%add3A_130] : memref<83200000xf32, #tpu.memory_space<hbm>> -> memref<672xf32, #tpu.memory_space<hbm>>
            %dma_start3A_308 = arith.constant 6144 : i32
            %dma_start3A_309 = tpu.memref_slice %arg4[%dma_start3A_308] : memref<32768xf32, #tpu.memory_space<vmem>> -> memref<672xf32, #tpu.memory_space<vmem>>
            %dma_start3A_310 = tpu.memref_slice %arg2[%add3A_130] : memref<83200000xf32, #tpu.memory_space<hbm>> -> memref<672xf32, #tpu.memory_space<hbm>>
            tpu.enqueue_dma source(%dma_start3A_310 : memref<672xf32, #tpu.memory_space<hbm>>) target(%dma_start3A_309 : memref<672xf32, #tpu.memory_space<vmem>>) target_semaphore(%run_scoped3A : memref<!tpu.dma_semaphore, #tpu.memory_space<semaphore_mem>>)
            %dma_wait3A = arith.constant 6144 : i32
            %dma_wait3A_311 = tpu.memref_slice %arg4[%dma_wait3A] : memref<32768xf32, #tpu.memory_space<vmem>> -> memref<672xf32, #tpu.memory_space<vmem>>
            %dma_wait3A_312 = tpu.memref_slice %arg2[%add3A_130] : memref<83200000xf32, #tpu.memory_space<hbm>> -> memref<672xf32, #tpu.memory_space<hbm>>
            %dma_wait3A_313 = arith.constant 6144 : i32
            %dma_wait3A_314 = tpu.memref_slice %arg4[%dma_wait3A_313] : memref<32768xf32, #tpu.memory_space<vmem>> -> memref<672xf32, #tpu.memory_space<vmem>>
            %dma_wait3A_315 = tpu.memref_slice %arg2[%add3A_130] : memref<83200000xf32, #tpu.memory_space<hbm>> -> memref<672xf32, #tpu.memory_space<hbm>>
            tpu.wait_dma2 semaphore(%run_scoped3A : memref<!tpu.dma_semaphore, #tpu.memory_space<semaphore_mem>>) src(%dma_wait3A_315 : memref<672xf32, #tpu.memory_space<hbm>>) dst(%dma_wait3A_314 : memref<672xf32, #tpu.memory_space<vmem>>)
            tpu.yield
          }) : () -> ()
          %mul3A_131 = arith.constant 32 : i32
          %mul3A_132 = arith.muli %select_n3A_48, %mul3A_131 : i32
          %add3A_133 = arith.constant 7 : i32
          %add3A_134 = arith.addi %mul3A_132, %add3A_133 : i32
          %mul3A_135 = arith.constant 100000 : i32
          %mul3A_136 = arith.muli %add3A_134, %mul3A_135 : i32
          %add3A_137 = arith.addi %mul3A_136, %mul3A_50 : i32
          "tpu.region"() ({
            %run_scoped3A = tpu.sem_alloc : memref<!tpu.dma_semaphore, #tpu.memory_space<semaphore_mem>>
            %dma_start3A = arith.constant 7168 : i32
            %dma_start3A_306 = tpu.memref_slice %arg4[%dma_start3A] : memref<32768xf32, #tpu.memory_space<vmem>> -> memref<672xf32, #tpu.memory_space<vmem>>
            %dma_start3A_307 = tpu.memref_slice %arg2[%add3A_137] : memref<83200000xf32, #tpu.memory_space<hbm>> -> memref<672xf32, #tpu.memory_space<hbm>>
            %dma_start3A_308 = arith.constant 7168 : i32
            %dma_start3A_309 = tpu.memref_slice %arg4[%dma_start3A_308] : memref<32768xf32, #tpu.memory_space<vmem>> -> memref<672xf32, #tpu.memory_space<vmem>>
            %dma_start3A_310 = tpu.memref_slice %arg2[%add3A_137] : memref<83200000xf32, #tpu.memory_space<hbm>> -> memref<672xf32, #tpu.memory_space<hbm>>
            tpu.enqueue_dma source(%dma_start3A_310 : memref<672xf32, #tpu.memory_space<hbm>>) target(%dma_start3A_309 : memref<672xf32, #tpu.memory_space<vmem>>) target_semaphore(%run_scoped3A : memref<!tpu.dma_semaphore, #tpu.memory_space<semaphore_mem>>)
            %dma_wait3A = arith.constant 7168 : i32
            %dma_wait3A_311 = tpu.memref_slice %arg4[%dma_wait3A] : memref<32768xf32, #tpu.memory_space<vmem>> -> memref<672xf32, #tpu.memory_space<vmem>>
            %dma_wait3A_312 = tpu.memref_slice %arg2[%add3A_137] : memref<83200000xf32, #tpu.memory_space<hbm>> -> memref<672xf32, #tpu.memory_space<hbm>>
            %dma_wait3A_313 = arith.constant 7168 : i32
            %dma_wait3A_314 = tpu.memref_slice %arg4[%dma_wait3A_313] : memref<32768xf32, #tpu.memory_space<vmem>> -> memref<672xf32, #tpu.memory_space<vmem>>
            %dma_wait3A_315 = tpu.memref_slice %arg2[%add3A_137] : memref<83200000xf32, #tpu.memory_space<hbm>> -> memref<672xf32, #tpu.memory_space<hbm>>
            tpu.wait_dma2 semaphore(%run_scoped3A : memref<!tpu.dma_semaphore, #tpu.memory_space<semaphore_mem>>) src(%dma_wait3A_315 : memref<672xf32, #tpu.memory_space<hbm>>) dst(%dma_wait3A_314 : memref<672xf32, #tpu.memory_space<vmem>>)
            tpu.yield
          }) : () -> ()
          %mul3A_138 = arith.constant 32 : i32
          %mul3A_139 = arith.muli %select_n3A_48, %mul3A_138 : i32
          %add3A_140 = arith.constant 8 : i32
          %add3A_141 = arith.addi %mul3A_139, %add3A_140 : i32
          %mul3A_142 = arith.constant 100000 : i32
          %mul3A_143 = arith.muli %add3A_141, %mul3A_142 : i32
          %add3A_144 = arith.addi %mul3A_143, %mul3A_50 : i32
          "tpu.region"() ({
            %run_scoped3A = tpu.sem_alloc : memref<!tpu.dma_semaphore, #tpu.memory_space<semaphore_mem>>
            %dma_start3A = arith.constant 8192 : i32
            %dma_start3A_306 = tpu.memref_slice %arg4[%dma_start3A] : memref<32768xf32, #tpu.memory_space<vmem>> -> memref<672xf32, #tpu.memory_space<vmem>>
            %dma_start3A_307 = tpu.memref_slice %arg2[%add3A_144] : memref<83200000xf32, #tpu.memory_space<hbm>> -> memref<672xf32, #tpu.memory_space<hbm>>
            %dma_start3A_308 = arith.constant 8192 : i32
            %dma_start3A_309 = tpu.memref_slice %arg4[%dma_start3A_308] : memref<32768xf32, #tpu.memory_space<vmem>> -> memref<672xf32, #tpu.memory_space<vmem>>
            %dma_start3A_310 = tpu.memref_slice %arg2[%add3A_144] : memref<83200000xf32, #tpu.memory_space<hbm>> -> memref<672xf32, #tpu.memory_space<hbm>>
            tpu.enqueue_dma source(%dma_start3A_310 : memref<672xf32, #tpu.memory_space<hbm>>) target(%dma_start3A_309 : memref<672xf32, #tpu.memory_space<vmem>>) target_semaphore(%run_scoped3A : memref<!tpu.dma_semaphore, #tpu.memory_space<semaphore_mem>>)
            %dma_wait3A = arith.constant 8192 : i32
            %dma_wait3A_311 = tpu.memref_slice %arg4[%dma_wait3A] : memref<32768xf32, #tpu.memory_space<vmem>> -> memref<672xf32, #tpu.memory_space<vmem>>
            %dma_wait3A_312 = tpu.memref_slice %arg2[%add3A_144] : memref<83200000xf32, #tpu.memory_space<hbm>> -> memref<672xf32, #tpu.memory_space<hbm>>
            %dma_wait3A_313 = arith.constant 8192 : i32
            %dma_wait3A_314 = tpu.memref_slice %arg4[%dma_wait3A_313] : memref<32768xf32, #tpu.memory_space<vmem>> -> memref<672xf32, #tpu.memory_space<vmem>>
            %dma_wait3A_315 = tpu.memref_slice %arg2[%add3A_144] : memref<83200000xf32, #tpu.memory_space<hbm>> -> memref<672xf32, #tpu.memory_space<hbm>>
            tpu.wait_dma2 semaphore(%run_scoped3A : memref<!tpu.dma_semaphore, #tpu.memory_space<semaphore_mem>>) src(%dma_wait3A_315 : memref<672xf32, #tpu.memory_space<hbm>>) dst(%dma_wait3A_314 : memref<672xf32, #tpu.memory_space<vmem>>)
            tpu.yield
          }) : () -> ()
          %mul3A_145 = arith.constant 32 : i32
          %mul3A_146 = arith.muli %select_n3A_48, %mul3A_145 : i32
          %add3A_147 = arith.constant 9 : i32
          %add3A_148 = arith.addi %mul3A_146, %add3A_147 : i32
          %mul3A_149 = arith.constant 100000 : i32
          %mul3A_150 = arith.muli %add3A_148, %mul3A_149 : i32
          %add3A_151 = arith.addi %mul3A_150, %mul3A_50 : i32
          "tpu.region"() ({
            %run_scoped3A = tpu.sem_alloc : memref<!tpu.dma_semaphore, #tpu.memory_space<semaphore_mem>>
            %dma_start3A = arith.constant 9216 : i32
            %dma_start3A_306 = tpu.memref_slice %arg4[%dma_start3A] : memref<32768xf32, #tpu.memory_space<vmem>> -> memref<672xf32, #tpu.memory_space<vmem>>
            %dma_start3A_307 = tpu.memref_slice %arg2[%add3A_151] : memref<83200000xf32, #tpu.memory_space<hbm>> -> memref<672xf32, #tpu.memory_space<hbm>>
            %dma_start3A_308 = arith.constant 9216 : i32
            %dma_start3A_309 = tpu.memref_slice %arg4[%dma_start3A_308] : memref<32768xf32, #tpu.memory_space<vmem>> -> memref<672xf32, #tpu.memory_space<vmem>>
            %dma_start3A_310 = tpu.memref_slice %arg2[%add3A_151] : memref<83200000xf32, #tpu.memory_space<hbm>> -> memref<672xf32, #tpu.memory_space<hbm>>
            tpu.enqueue_dma source(%dma_start3A_310 : memref<672xf32, #tpu.memory_space<hbm>>) target(%dma_start3A_309 : memref<672xf32, #tpu.memory_space<vmem>>) target_semaphore(%run_scoped3A : memref<!tpu.dma_semaphore, #tpu.memory_space<semaphore_mem>>)
            %dma_wait3A = arith.constant 9216 : i32
            %dma_wait3A_311 = tpu.memref_slice %arg4[%dma_wait3A] : memref<32768xf32, #tpu.memory_space<vmem>> -> memref<672xf32, #tpu.memory_space<vmem>>
            %dma_wait3A_312 = tpu.memref_slice %arg2[%add3A_151] : memref<83200000xf32, #tpu.memory_space<hbm>> -> memref<672xf32, #tpu.memory_space<hbm>>
            %dma_wait3A_313 = arith.constant 9216 : i32
            %dma_wait3A_314 = tpu.memref_slice %arg4[%dma_wait3A_313] : memref<32768xf32, #tpu.memory_space<vmem>> -> memref<672xf32, #tpu.memory_space<vmem>>
            %dma_wait3A_315 = tpu.memref_slice %arg2[%add3A_151] : memref<83200000xf32, #tpu.memory_space<hbm>> -> memref<672xf32, #tpu.memory_space<hbm>>
            tpu.wait_dma2 semaphore(%run_scoped3A : memref<!tpu.dma_semaphore, #tpu.memory_space<semaphore_mem>>) src(%dma_wait3A_315 : memref<672xf32, #tpu.memory_space<hbm>>) dst(%dma_wait3A_314 : memref<672xf32, #tpu.memory_space<vmem>>)
            tpu.yield
          }) : () -> ()
          %mul3A_152 = arith.constant 32 : i32
          %mul3A_153 = arith.muli %select_n3A_48, %mul3A_152 : i32
          %add3A_154 = arith.constant 10 : i32
          %add3A_155 = arith.addi %mul3A_153, %add3A_154 : i32
          %mul3A_156 = arith.constant 100000 : i32
          %mul3A_157 = arith.muli %add3A_155, %mul3A_156 : i32
          %add3A_158 = arith.addi %mul3A_157, %mul3A_50 : i32
          "tpu.region"() ({
            %run_scoped3A = tpu.sem_alloc : memref<!tpu.dma_semaphore, #tpu.memory_space<semaphore_mem>>
            %dma_start3A = arith.constant 10240 : i32
            %dma_start3A_306 = tpu.memref_slice %arg4[%dma_start3A] : memref<32768xf32, #tpu.memory_space<vmem>> -> memref<672xf32, #tpu.memory_space<vmem>>
            %dma_start3A_307 = tpu.memref_slice %arg2[%add3A_158] : memref<83200000xf32, #tpu.memory_space<hbm>> -> memref<672xf32, #tpu.memory_space<hbm>>
            %dma_start3A_308 = arith.constant 10240 : i32
            %dma_start3A_309 = tpu.memref_slice %arg4[%dma_start3A_308] : memref<32768xf32, #tpu.memory_space<vmem>> -> memref<672xf32, #tpu.memory_space<vmem>>
            %dma_start3A_310 = tpu.memref_slice %arg2[%add3A_158] : memref<83200000xf32, #tpu.memory_space<hbm>> -> memref<672xf32, #tpu.memory_space<hbm>>
            tpu.enqueue_dma source(%dma_start3A_310 : memref<672xf32, #tpu.memory_space<hbm>>) target(%dma_start3A_309 : memref<672xf32, #tpu.memory_space<vmem>>) target_semaphore(%run_scoped3A : memref<!tpu.dma_semaphore, #tpu.memory_space<semaphore_mem>>)
            %dma_wait3A = arith.constant 10240 : i32
            %dma_wait3A_311 = tpu.memref_slice %arg4[%dma_wait3A] : memref<32768xf32, #tpu.memory_space<vmem>> -> memref<672xf32, #tpu.memory_space<vmem>>
            %dma_wait3A_312 = tpu.memref_slice %arg2[%add3A_158] : memref<83200000xf32, #tpu.memory_space<hbm>> -> memref<672xf32, #tpu.memory_space<hbm>>
            %dma_wait3A_313 = arith.constant 10240 : i32
            %dma_wait3A_314 = tpu.memref_slice %arg4[%dma_wait3A_313] : memref<32768xf32, #tpu.memory_space<vmem>> -> memref<672xf32, #tpu.memory_space<vmem>>
            %dma_wait3A_315 = tpu.memref_slice %arg2[%add3A_158] : memref<83200000xf32, #tpu.memory_space<hbm>> -> memref<672xf32, #tpu.memory_space<hbm>>
            tpu.wait_dma2 semaphore(%run_scoped3A : memref<!tpu.dma_semaphore, #tpu.memory_space<semaphore_mem>>) src(%dma_wait3A_315 : memref<672xf32, #tpu.memory_space<hbm>>) dst(%dma_wait3A_314 : memref<672xf32, #tpu.memory_space<vmem>>)
            tpu.yield
          }) : () -> ()
          %mul3A_159 = arith.constant 32 : i32
          %mul3A_160 = arith.muli %select_n3A_48, %mul3A_159 : i32
          %add3A_161 = arith.constant 11 : i32
          %add3A_162 = arith.addi %mul3A_160, %add3A_161 : i32
          %mul3A_163 = arith.constant 100000 : i32
          %mul3A_164 = arith.muli %add3A_162, %mul3A_163 : i32
          %add3A_165 = arith.addi %mul3A_164, %mul3A_50 : i32
          "tpu.region"() ({
            %run_scoped3A = tpu.sem_alloc : memref<!tpu.dma_semaphore, #tpu.memory_space<semaphore_mem>>
            %dma_start3A = arith.constant 11264 : i32
            %dma_start3A_306 = tpu.memref_slice %arg4[%dma_start3A] : memref<32768xf32, #tpu.memory_space<vmem>> -> memref<672xf32, #tpu.memory_space<vmem>>
            %dma_start3A_307 = tpu.memref_slice %arg2[%add3A_165] : memref<83200000xf32, #tpu.memory_space<hbm>> -> memref<672xf32, #tpu.memory_space<hbm>>
            %dma_start3A_308 = arith.constant 11264 : i32
            %dma_start3A_309 = tpu.memref_slice %arg4[%dma_start3A_308] : memref<32768xf32, #tpu.memory_space<vmem>> -> memref<672xf32, #tpu.memory_space<vmem>>
            %dma_start3A_310 = tpu.memref_slice %arg2[%add3A_165] : memref<83200000xf32, #tpu.memory_space<hbm>> -> memref<672xf32, #tpu.memory_space<hbm>>
            tpu.enqueue_dma source(%dma_start3A_310 : memref<672xf32, #tpu.memory_space<hbm>>) target(%dma_start3A_309 : memref<672xf32, #tpu.memory_space<vmem>>) target_semaphore(%run_scoped3A : memref<!tpu.dma_semaphore, #tpu.memory_space<semaphore_mem>>)
            %dma_wait3A = arith.constant 11264 : i32
            %dma_wait3A_311 = tpu.memref_slice %arg4[%dma_wait3A] : memref<32768xf32, #tpu.memory_space<vmem>> -> memref<672xf32, #tpu.memory_space<vmem>>
            %dma_wait3A_312 = tpu.memref_slice %arg2[%add3A_165] : memref<83200000xf32, #tpu.memory_space<hbm>> -> memref<672xf32, #tpu.memory_space<hbm>>
            %dma_wait3A_313 = arith.constant 11264 : i32
            %dma_wait3A_314 = tpu.memref_slice %arg4[%dma_wait3A_313] : memref<32768xf32, #tpu.memory_space<vmem>> -> memref<672xf32, #tpu.memory_space<vmem>>
            %dma_wait3A_315 = tpu.memref_slice %arg2[%add3A_165] : memref<83200000xf32, #tpu.memory_space<hbm>> -> memref<672xf32, #tpu.memory_space<hbm>>
            tpu.wait_dma2 semaphore(%run_scoped3A : memref<!tpu.dma_semaphore, #tpu.memory_space<semaphore_mem>>) src(%dma_wait3A_315 : memref<672xf32, #tpu.memory_space<hbm>>) dst(%dma_wait3A_314 : memref<672xf32, #tpu.memory_space<vmem>>)
            tpu.yield
          }) : () -> ()
          %mul3A_166 = arith.constant 32 : i32
          %mul3A_167 = arith.muli %select_n3A_48, %mul3A_166 : i32
          %add3A_168 = arith.constant 12 : i32
          %add3A_169 = arith.addi %mul3A_167, %add3A_168 : i32
          %mul3A_170 = arith.constant 100000 : i32
          %mul3A_171 = arith.muli %add3A_169, %mul3A_170 : i32
          %add3A_172 = arith.addi %mul3A_171, %mul3A_50 : i32
          "tpu.region"() ({
            %run_scoped3A = tpu.sem_alloc : memref<!tpu.dma_semaphore, #tpu.memory_space<semaphore_mem>>
            %dma_start3A = arith.constant 12288 : i32
            %dma_start3A_306 = tpu.memref_slice %arg4[%dma_start3A] : memref<32768xf32, #tpu.memory_space<vmem>> -> memref<672xf32, #tpu.memory_space<vmem>>
            %dma_start3A_307 = tpu.memref_slice %arg2[%add3A_172] : memref<83200000xf32, #tpu.memory_space<hbm>> -> memref<672xf32, #tpu.memory_space<hbm>>
            %dma_start3A_308 = arith.constant 12288 : i32
            %dma_start3A_309 = tpu.memref_slice %arg4[%dma_start3A_308] : memref<32768xf32, #tpu.memory_space<vmem>> -> memref<672xf32, #tpu.memory_space<vmem>>
            %dma_start3A_310 = tpu.memref_slice %arg2[%add3A_172] : memref<83200000xf32, #tpu.memory_space<hbm>> -> memref<672xf32, #tpu.memory_space<hbm>>
            tpu.enqueue_dma source(%dma_start3A_310 : memref<672xf32, #tpu.memory_space<hbm>>) target(%dma_start3A_309 : memref<672xf32, #tpu.memory_space<vmem>>) target_semaphore(%run_scoped3A : memref<!tpu.dma_semaphore, #tpu.memory_space<semaphore_mem>>)
            %dma_wait3A = arith.constant 12288 : i32
            %dma_wait3A_311 = tpu.memref_slice %arg4[%dma_wait3A] : memref<32768xf32, #tpu.memory_space<vmem>> -> memref<672xf32, #tpu.memory_space<vmem>>
            %dma_wait3A_312 = tpu.memref_slice %arg2[%add3A_172] : memref<83200000xf32, #tpu.memory_space<hbm>> -> memref<672xf32, #tpu.memory_space<hbm>>
            %dma_wait3A_313 = arith.constant 12288 : i32
            %dma_wait3A_314 = tpu.memref_slice %arg4[%dma_wait3A_313] : memref<32768xf32, #tpu.memory_space<vmem>> -> memref<672xf32, #tpu.memory_space<vmem>>
            %dma_wait3A_315 = tpu.memref_slice %arg2[%add3A_172] : memref<83200000xf32, #tpu.memory_space<hbm>> -> memref<672xf32, #tpu.memory_space<hbm>>
            tpu.wait_dma2 semaphore(%run_scoped3A : memref<!tpu.dma_semaphore, #tpu.memory_space<semaphore_mem>>) src(%dma_wait3A_315 : memref<672xf32, #tpu.memory_space<hbm>>) dst(%dma_wait3A_314 : memref<672xf32, #tpu.memory_space<vmem>>)
            tpu.yield
          }) : () -> ()
          %mul3A_173 = arith.constant 32 : i32
          %mul3A_174 = arith.muli %select_n3A_48, %mul3A_173 : i32
          %add3A_175 = arith.constant 13 : i32
          %add3A_176 = arith.addi %mul3A_174, %add3A_175 : i32
          %mul3A_177 = arith.constant 100000 : i32
          %mul3A_178 = arith.muli %add3A_176, %mul3A_177 : i32
          %add3A_179 = arith.addi %mul3A_178, %mul3A_50 : i32
          "tpu.region"() ({
            %run_scoped3A = tpu.sem_alloc : memref<!tpu.dma_semaphore, #tpu.memory_space<semaphore_mem>>
            %dma_start3A = arith.constant 13312 : i32
            %dma_start3A_306 = tpu.memref_slice %arg4[%dma_start3A] : memref<32768xf32, #tpu.memory_space<vmem>> -> memref<672xf32, #tpu.memory_space<vmem>>
            %dma_start3A_307 = tpu.memref_slice %arg2[%add3A_179] : memref<83200000xf32, #tpu.memory_space<hbm>> -> memref<672xf32, #tpu.memory_space<hbm>>
            %dma_start3A_308 = arith.constant 13312 : i32
            %dma_start3A_309 = tpu.memref_slice %arg4[%dma_start3A_308] : memref<32768xf32, #tpu.memory_space<vmem>> -> memref<672xf32, #tpu.memory_space<vmem>>
            %dma_start3A_310 = tpu.memref_slice %arg2[%add3A_179] : memref<83200000xf32, #tpu.memory_space<hbm>> -> memref<672xf32, #tpu.memory_space<hbm>>
            tpu.enqueue_dma source(%dma_start3A_310 : memref<672xf32, #tpu.memory_space<hbm>>) target(%dma_start3A_309 : memref<672xf32, #tpu.memory_space<vmem>>) target_semaphore(%run_scoped3A : memref<!tpu.dma_semaphore, #tpu.memory_space<semaphore_mem>>)
            %dma_wait3A = arith.constant 13312 : i32
            %dma_wait3A_311 = tpu.memref_slice %arg4[%dma_wait3A] : memref<32768xf32, #tpu.memory_space<vmem>> -> memref<672xf32, #tpu.memory_space<vmem>>
            %dma_wait3A_312 = tpu.memref_slice %arg2[%add3A_179] : memref<83200000xf32, #tpu.memory_space<hbm>> -> memref<672xf32, #tpu.memory_space<hbm>>
            %dma_wait3A_313 = arith.constant 13312 : i32
            %dma_wait3A_314 = tpu.memref_slice %arg4[%dma_wait3A_313] : memref<32768xf32, #tpu.memory_space<vmem>> -> memref<672xf32, #tpu.memory_space<vmem>>
            %dma_wait3A_315 = tpu.memref_slice %arg2[%add3A_179] : memref<83200000xf32, #tpu.memory_space<hbm>> -> memref<672xf32, #tpu.memory_space<hbm>>
            tpu.wait_dma2 semaphore(%run_scoped3A : memref<!tpu.dma_semaphore, #tpu.memory_space<semaphore_mem>>) src(%dma_wait3A_315 : memref<672xf32, #tpu.memory_space<hbm>>) dst(%dma_wait3A_314 : memref<672xf32, #tpu.memory_space<vmem>>)
            tpu.yield
          }) : () -> ()
          %mul3A_180 = arith.constant 32 : i32
          %mul3A_181 = arith.muli %select_n3A_48, %mul3A_180 : i32
          %add3A_182 = arith.constant 14 : i32
          %add3A_183 = arith.addi %mul3A_181, %add3A_182 : i32
          %mul3A_184 = arith.constant 100000 : i32
          %mul3A_185 = arith.muli %add3A_183, %mul3A_184 : i32
          %add3A_186 = arith.addi %mul3A_185, %mul3A_50 : i32
          "tpu.region"() ({
            %run_scoped3A = tpu.sem_alloc : memref<!tpu.dma_semaphore, #tpu.memory_space<semaphore_mem>>
            %dma_start3A = arith.constant 14336 : i32
            %dma_start3A_306 = tpu.memref_slice %arg4[%dma_start3A] : memref<32768xf32, #tpu.memory_space<vmem>> -> memref<672xf32, #tpu.memory_space<vmem>>
            %dma_start3A_307 = tpu.memref_slice %arg2[%add3A_186] : memref<83200000xf32, #tpu.memory_space<hbm>> -> memref<672xf32, #tpu.memory_space<hbm>>
            %dma_start3A_308 = arith.constant 14336 : i32
            %dma_start3A_309 = tpu.memref_slice %arg4[%dma_start3A_308] : memref<32768xf32, #tpu.memory_space<vmem>> -> memref<672xf32, #tpu.memory_space<vmem>>
            %dma_start3A_310 = tpu.memref_slice %arg2[%add3A_186] : memref<83200000xf32, #tpu.memory_space<hbm>> -> memref<672xf32, #tpu.memory_space<hbm>>
            tpu.enqueue_dma source(%dma_start3A_310 : memref<672xf32, #tpu.memory_space<hbm>>) target(%dma_start3A_309 : memref<672xf32, #tpu.memory_space<vmem>>) target_semaphore(%run_scoped3A : memref<!tpu.dma_semaphore, #tpu.memory_space<semaphore_mem>>)
            %dma_wait3A = arith.constant 14336 : i32
            %dma_wait3A_311 = tpu.memref_slice %arg4[%dma_wait3A] : memref<32768xf32, #tpu.memory_space<vmem>> -> memref<672xf32, #tpu.memory_space<vmem>>
            %dma_wait3A_312 = tpu.memref_slice %arg2[%add3A_186] : memref<83200000xf32, #tpu.memory_space<hbm>> -> memref<672xf32, #tpu.memory_space<hbm>>
            %dma_wait3A_313 = arith.constant 14336 : i32
            %dma_wait3A_314 = tpu.memref_slice %arg4[%dma_wait3A_313] : memref<32768xf32, #tpu.memory_space<vmem>> -> memref<672xf32, #tpu.memory_space<vmem>>
            %dma_wait3A_315 = tpu.memref_slice %arg2[%add3A_186] : memref<83200000xf32, #tpu.memory_space<hbm>> -> memref<672xf32, #tpu.memory_space<hbm>>
            tpu.wait_dma2 semaphore(%run_scoped3A : memref<!tpu.dma_semaphore, #tpu.memory_space<semaphore_mem>>) src(%dma_wait3A_315 : memref<672xf32, #tpu.memory_space<hbm>>) dst(%dma_wait3A_314 : memref<672xf32, #tpu.memory_space<vmem>>)
            tpu.yield
          }) : () -> ()
          %mul3A_187 = arith.constant 32 : i32
          %mul3A_188 = arith.muli %select_n3A_48, %mul3A_187 : i32
          %add3A_189 = arith.constant 15 : i32
          %add3A_190 = arith.addi %mul3A_188, %add3A_189 : i32
          %mul3A_191 = arith.constant 100000 : i32
          %mul3A_192 = arith.muli %add3A_190, %mul3A_191 : i32
          %add3A_193 = arith.addi %mul3A_192, %mul3A_50 : i32
          "tpu.region"() ({
            %run_scoped3A = tpu.sem_alloc : memref<!tpu.dma_semaphore, #tpu.memory_space<semaphore_mem>>
            %dma_start3A = arith.constant 15360 : i32
            %dma_start3A_306 = tpu.memref_slice %arg4[%dma_start3A] : memref<32768xf32, #tpu.memory_space<vmem>> -> memref<672xf32, #tpu.memory_space<vmem>>
            %dma_start3A_307 = tpu.memref_slice %arg2[%add3A_193] : memref<83200000xf32, #tpu.memory_space<hbm>> -> memref<672xf32, #tpu.memory_space<hbm>>
            %dma_start3A_308 = arith.constant 15360 : i32
            %dma_start3A_309 = tpu.memref_slice %arg4[%dma_start3A_308] : memref<32768xf32, #tpu.memory_space<vmem>> -> memref<672xf32, #tpu.memory_space<vmem>>
            %dma_start3A_310 = tpu.memref_slice %arg2[%add3A_193] : memref<83200000xf32, #tpu.memory_space<hbm>> -> memref<672xf32, #tpu.memory_space<hbm>>
            tpu.enqueue_dma source(%dma_start3A_310 : memref<672xf32, #tpu.memory_space<hbm>>) target(%dma_start3A_309 : memref<672xf32, #tpu.memory_space<vmem>>) target_semaphore(%run_scoped3A : memref<!tpu.dma_semaphore, #tpu.memory_space<semaphore_mem>>)
            %dma_wait3A = arith.constant 15360 : i32
            %dma_wait3A_311 = tpu.memref_slice %arg4[%dma_wait3A] : memref<32768xf32, #tpu.memory_space<vmem>> -> memref<672xf32, #tpu.memory_space<vmem>>
            %dma_wait3A_312 = tpu.memref_slice %arg2[%add3A_193] : memref<83200000xf32, #tpu.memory_space<hbm>> -> memref<672xf32, #tpu.memory_space<hbm>>
            %dma_wait3A_313 = arith.constant 15360 : i32
            %dma_wait3A_314 = tpu.memref_slice %arg4[%dma_wait3A_313] : memref<32768xf32, #tpu.memory_space<vmem>> -> memref<672xf32, #tpu.memory_space<vmem>>
            %dma_wait3A_315 = tpu.memref_slice %arg2[%add3A_193] : memref<83200000xf32, #tpu.memory_space<hbm>> -> memref<672xf32, #tpu.memory_space<hbm>>
            tpu.wait_dma2 semaphore(%run_scoped3A : memref<!tpu.dma_semaphore, #tpu.memory_space<semaphore_mem>>) src(%dma_wait3A_315 : memref<672xf32, #tpu.memory_space<hbm>>) dst(%dma_wait3A_314 : memref<672xf32, #tpu.memory_space<vmem>>)
            tpu.yield
          }) : () -> ()
          %mul3A_194 = arith.constant 32 : i32
          %mul3A_195 = arith.muli %select_n3A_48, %mul3A_194 : i32
          %add3A_196 = arith.constant 16 : i32
          %add3A_197 = arith.addi %mul3A_195, %add3A_196 : i32
          %mul3A_198 = arith.constant 100000 : i32
          %mul3A_199 = arith.muli %add3A_197, %mul3A_198 : i32
          %add3A_200 = arith.addi %mul3A_199, %mul3A_50 : i32
          "tpu.region"() ({
            %run_scoped3A = tpu.sem_alloc : memref<!tpu.dma_semaphore, #tpu.memory_space<semaphore_mem>>
            %dma_start3A = arith.constant 16384 : i32
            %dma_start3A_306 = tpu.memref_slice %arg4[%dma_start3A] : memref<32768xf32, #tpu.memory_space<vmem>> -> memref<672xf32, #tpu.memory_space<vmem>>
            %dma_start3A_307 = tpu.memref_slice %arg2[%add3A_200] : memref<83200000xf32, #tpu.memory_space<hbm>> -> memref<672xf32, #tpu.memory_space<hbm>>
            %dma_start3A_308 = arith.constant 16384 : i32
            %dma_start3A_309 = tpu.memref_slice %arg4[%dma_start3A_308] : memref<32768xf32, #tpu.memory_space<vmem>> -> memref<672xf32, #tpu.memory_space<vmem>>
            %dma_start3A_310 = tpu.memref_slice %arg2[%add3A_200] : memref<83200000xf32, #tpu.memory_space<hbm>> -> memref<672xf32, #tpu.memory_space<hbm>>
            tpu.enqueue_dma source(%dma_start3A_310 : memref<672xf32, #tpu.memory_space<hbm>>) target(%dma_start3A_309 : memref<672xf32, #tpu.memory_space<vmem>>) target_semaphore(%run_scoped3A : memref<!tpu.dma_semaphore, #tpu.memory_space<semaphore_mem>>)
            %dma_wait3A = arith.constant 16384 : i32
            %dma_wait3A_311 = tpu.memref_slice %arg4[%dma_wait3A] : memref<32768xf32, #tpu.memory_space<vmem>> -> memref<672xf32, #tpu.memory_space<vmem>>
            %dma_wait3A_312 = tpu.memref_slice %arg2[%add3A_200] : memref<83200000xf32, #tpu.memory_space<hbm>> -> memref<672xf32, #tpu.memory_space<hbm>>
            %dma_wait3A_313 = arith.constant 16384 : i32
            %dma_wait3A_314 = tpu.memref_slice %arg4[%dma_wait3A_313] : memref<32768xf32, #tpu.memory_space<vmem>> -> memref<672xf32, #tpu.memory_space<vmem>>
            %dma_wait3A_315 = tpu.memref_slice %arg2[%add3A_200] : memref<83200000xf32, #tpu.memory_space<hbm>> -> memref<672xf32, #tpu.memory_space<hbm>>
            tpu.wait_dma2 semaphore(%run_scoped3A : memref<!tpu.dma_semaphore, #tpu.memory_space<semaphore_mem>>) src(%dma_wait3A_315 : memref<672xf32, #tpu.memory_space<hbm>>) dst(%dma_wait3A_314 : memref<672xf32, #tpu.memory_space<vmem>>)
            tpu.yield
          }) : () -> ()
          %mul3A_201 = arith.constant 32 : i32
          %mul3A_202 = arith.muli %select_n3A_48, %mul3A_201 : i32
          %add3A_203 = arith.constant 17 : i32
          %add3A_204 = arith.addi %mul3A_202, %add3A_203 : i32
          %mul3A_205 = arith.constant 100000 : i32
          %mul3A_206 = arith.muli %add3A_204, %mul3A_205 : i32
          %add3A_207 = arith.addi %mul3A_206, %mul3A_50 : i32
          "tpu.region"() ({
            %run_scoped3A = tpu.sem_alloc : memref<!tpu.dma_semaphore, #tpu.memory_space<semaphore_mem>>
            %dma_start3A = arith.constant 17408 : i32
            %dma_start3A_306 = tpu.memref_slice %arg4[%dma_start3A] : memref<32768xf32, #tpu.memory_space<vmem>> -> memref<672xf32, #tpu.memory_space<vmem>>
            %dma_start3A_307 = tpu.memref_slice %arg2[%add3A_207] : memref<83200000xf32, #tpu.memory_space<hbm>> -> memref<672xf32, #tpu.memory_space<hbm>>
            %dma_start3A_308 = arith.constant 17408 : i32
            %dma_start3A_309 = tpu.memref_slice %arg4[%dma_start3A_308] : memref<32768xf32, #tpu.memory_space<vmem>> -> memref<672xf32, #tpu.memory_space<vmem>>
            %dma_start3A_310 = tpu.memref_slice %arg2[%add3A_207] : memref<83200000xf32, #tpu.memory_space<hbm>> -> memref<672xf32, #tpu.memory_space<hbm>>
            tpu.enqueue_dma source(%dma_start3A_310 : memref<672xf32, #tpu.memory_space<hbm>>) target(%dma_start3A_309 : memref<672xf32, #tpu.memory_space<vmem>>) target_semaphore(%run_scoped3A : memref<!tpu.dma_semaphore, #tpu.memory_space<semaphore_mem>>)
            %dma_wait3A = arith.constant 17408 : i32
            %dma_wait3A_311 = tpu.memref_slice %arg4[%dma_wait3A] : memref<32768xf32, #tpu.memory_space<vmem>> -> memref<672xf32, #tpu.memory_space<vmem>>
            %dma_wait3A_312 = tpu.memref_slice %arg2[%add3A_207] : memref<83200000xf32, #tpu.memory_space<hbm>> -> memref<672xf32, #tpu.memory_space<hbm>>
            %dma_wait3A_313 = arith.constant 17408 : i32
            %dma_wait3A_314 = tpu.memref_slice %arg4[%dma_wait3A_313] : memref<32768xf32, #tpu.memory_space<vmem>> -> memref<672xf32, #tpu.memory_space<vmem>>
            %dma_wait3A_315 = tpu.memref_slice %arg2[%add3A_207] : memref<83200000xf32, #tpu.memory_space<hbm>> -> memref<672xf32, #tpu.memory_space<hbm>>
            tpu.wait_dma2 semaphore(%run_scoped3A : memref<!tpu.dma_semaphore, #tpu.memory_space<semaphore_mem>>) src(%dma_wait3A_315 : memref<672xf32, #tpu.memory_space<hbm>>) dst(%dma_wait3A_314 : memref<672xf32, #tpu.memory_space<vmem>>)
            tpu.yield
          }) : () -> ()
          %mul3A_208 = arith.constant 32 : i32
          %mul3A_209 = arith.muli %select_n3A_48, %mul3A_208 : i32
          %add3A_210 = arith.constant 18 : i32
          %add3A_211 = arith.addi %mul3A_209, %add3A_210 : i32
          %mul3A_212 = arith.constant 100000 : i32
          %mul3A_213 = arith.muli %add3A_211, %mul3A_212 : i32
          %add3A_214 = arith.addi %mul3A_213, %mul3A_50 : i32
          "tpu.region"() ({
            %run_scoped3A = tpu.sem_alloc : memref<!tpu.dma_semaphore, #tpu.memory_space<semaphore_mem>>
            %dma_start3A = arith.constant 18432 : i32
            %dma_start3A_306 = tpu.memref_slice %arg4[%dma_start3A] : memref<32768xf32, #tpu.memory_space<vmem>> -> memref<672xf32, #tpu.memory_space<vmem>>
            %dma_start3A_307 = tpu.memref_slice %arg2[%add3A_214] : memref<83200000xf32, #tpu.memory_space<hbm>> -> memref<672xf32, #tpu.memory_space<hbm>>
            %dma_start3A_308 = arith.constant 18432 : i32
            %dma_start3A_309 = tpu.memref_slice %arg4[%dma_start3A_308] : memref<32768xf32, #tpu.memory_space<vmem>> -> memref<672xf32, #tpu.memory_space<vmem>>
            %dma_start3A_310 = tpu.memref_slice %arg2[%add3A_214] : memref<83200000xf32, #tpu.memory_space<hbm>> -> memref<672xf32, #tpu.memory_space<hbm>>
            tpu.enqueue_dma source(%dma_start3A_310 : memref<672xf32, #tpu.memory_space<hbm>>) target(%dma_start3A_309 : memref<672xf32, #tpu.memory_space<vmem>>) target_semaphore(%run_scoped3A : memref<!tpu.dma_semaphore, #tpu.memory_space<semaphore_mem>>)
            %dma_wait3A = arith.constant 18432 : i32
            %dma_wait3A_311 = tpu.memref_slice %arg4[%dma_wait3A] : memref<32768xf32, #tpu.memory_space<vmem>> -> memref<672xf32, #tpu.memory_space<vmem>>
            %dma_wait3A_312 = tpu.memref_slice %arg2[%add3A_214] : memref<83200000xf32, #tpu.memory_space<hbm>> -> memref<672xf32, #tpu.memory_space<hbm>>
            %dma_wait3A_313 = arith.constant 18432 : i32
            %dma_wait3A_314 = tpu.memref_slice %arg4[%dma_wait3A_313] : memref<32768xf32, #tpu.memory_space<vmem>> -> memref<672xf32, #tpu.memory_space<vmem>>
            %dma_wait3A_315 = tpu.memref_slice %arg2[%add3A_214] : memref<83200000xf32, #tpu.memory_space<hbm>> -> memref<672xf32, #tpu.memory_space<hbm>>
            tpu.wait_dma2 semaphore(%run_scoped3A : memref<!tpu.dma_semaphore, #tpu.memory_space<semaphore_mem>>) src(%dma_wait3A_315 : memref<672xf32, #tpu.memory_space<hbm>>) dst(%dma_wait3A_314 : memref<672xf32, #tpu.memory_space<vmem>>)
            tpu.yield
          }) : () -> ()
          %mul3A_215 = arith.constant 32 : i32
          %mul3A_216 = arith.muli %select_n3A_48, %mul3A_215 : i32
          %add3A_217 = arith.constant 19 : i32
          %add3A_218 = arith.addi %mul3A_216, %add3A_217 : i32
          %mul3A_219 = arith.constant 100000 : i32
          %mul3A_220 = arith.muli %add3A_218, %mul3A_219 : i32
          %add3A_221 = arith.addi %mul3A_220, %mul3A_50 : i32
          "tpu.region"() ({
            %run_scoped3A = tpu.sem_alloc : memref<!tpu.dma_semaphore, #tpu.memory_space<semaphore_mem>>
            %dma_start3A = arith.constant 19456 : i32
            %dma_start3A_306 = tpu.memref_slice %arg4[%dma_start3A] : memref<32768xf32, #tpu.memory_space<vmem>> -> memref<672xf32, #tpu.memory_space<vmem>>
            %dma_start3A_307 = tpu.memref_slice %arg2[%add3A_221] : memref<83200000xf32, #tpu.memory_space<hbm>> -> memref<672xf32, #tpu.memory_space<hbm>>
            %dma_start3A_308 = arith.constant 19456 : i32
            %dma_start3A_309 = tpu.memref_slice %arg4[%dma_start3A_308] : memref<32768xf32, #tpu.memory_space<vmem>> -> memref<672xf32, #tpu.memory_space<vmem>>
            %dma_start3A_310 = tpu.memref_slice %arg2[%add3A_221] : memref<83200000xf32, #tpu.memory_space<hbm>> -> memref<672xf32, #tpu.memory_space<hbm>>
            tpu.enqueue_dma source(%dma_start3A_310 : memref<672xf32, #tpu.memory_space<hbm>>) target(%dma_start3A_309 : memref<672xf32, #tpu.memory_space<vmem>>) target_semaphore(%run_scoped3A : memref<!tpu.dma_semaphore, #tpu.memory_space<semaphore_mem>>)
            %dma_wait3A = arith.constant 19456 : i32
            %dma_wait3A_311 = tpu.memref_slice %arg4[%dma_wait3A] : memref<32768xf32, #tpu.memory_space<vmem>> -> memref<672xf32, #tpu.memory_space<vmem>>
            %dma_wait3A_312 = tpu.memref_slice %arg2[%add3A_221] : memref<83200000xf32, #tpu.memory_space<hbm>> -> memref<672xf32, #tpu.memory_space<hbm>>
            %dma_wait3A_313 = arith.constant 19456 : i32
            %dma_wait3A_314 = tpu.memref_slice %arg4[%dma_wait3A_313] : memref<32768xf32, #tpu.memory_space<vmem>> -> memref<672xf32, #tpu.memory_space<vmem>>
            %dma_wait3A_315 = tpu.memref_slice %arg2[%add3A_221] : memref<83200000xf32, #tpu.memory_space<hbm>> -> memref<672xf32, #tpu.memory_space<hbm>>
            tpu.wait_dma2 semaphore(%run_scoped3A : memref<!tpu.dma_semaphore, #tpu.memory_space<semaphore_mem>>) src(%dma_wait3A_315 : memref<672xf32, #tpu.memory_space<hbm>>) dst(%dma_wait3A_314 : memref<672xf32, #tpu.memory_space<vmem>>)
            tpu.yield
          }) : () -> ()
          %mul3A_222 = arith.constant 32 : i32
          %mul3A_223 = arith.muli %select_n3A_48, %mul3A_222 : i32
          %add3A_224 = arith.constant 20 : i32
          %add3A_225 = arith.addi %mul3A_223, %add3A_224 : i32
          %mul3A_226 = arith.constant 100000 : i32
          %mul3A_227 = arith.muli %add3A_225, %mul3A_226 : i32
          %add3A_228 = arith.addi %mul3A_227, %mul3A_50 : i32
          "tpu.region"() ({
            %run_scoped3A = tpu.sem_alloc : memref<!tpu.dma_semaphore, #tpu.memory_space<semaphore_mem>>
            %dma_start3A = arith.constant 20480 : i32
            %dma_start3A_306 = tpu.memref_slice %arg4[%dma_start3A] : memref<32768xf32, #tpu.memory_space<vmem>> -> memref<672xf32, #tpu.memory_space<vmem>>
            %dma_start3A_307 = tpu.memref_slice %arg2[%add3A_228] : memref<83200000xf32, #tpu.memory_space<hbm>> -> memref<672xf32, #tpu.memory_space<hbm>>
            %dma_start3A_308 = arith.constant 20480 : i32
            %dma_start3A_309 = tpu.memref_slice %arg4[%dma_start3A_308] : memref<32768xf32, #tpu.memory_space<vmem>> -> memref<672xf32, #tpu.memory_space<vmem>>
            %dma_start3A_310 = tpu.memref_slice %arg2[%add3A_228] : memref<83200000xf32, #tpu.memory_space<hbm>> -> memref<672xf32, #tpu.memory_space<hbm>>
            tpu.enqueue_dma source(%dma_start3A_310 : memref<672xf32, #tpu.memory_space<hbm>>) target(%dma_start3A_309 : memref<672xf32, #tpu.memory_space<vmem>>) target_semaphore(%run_scoped3A : memref<!tpu.dma_semaphore, #tpu.memory_space<semaphore_mem>>)
            %dma_wait3A = arith.constant 20480 : i32
            %dma_wait3A_311 = tpu.memref_slice %arg4[%dma_wait3A] : memref<32768xf32, #tpu.memory_space<vmem>> -> memref<672xf32, #tpu.memory_space<vmem>>
            %dma_wait3A_312 = tpu.memref_slice %arg2[%add3A_228] : memref<83200000xf32, #tpu.memory_space<hbm>> -> memref<672xf32, #tpu.memory_space<hbm>>
            %dma_wait3A_313 = arith.constant 20480 : i32
            %dma_wait3A_314 = tpu.memref_slice %arg4[%dma_wait3A_313] : memref<32768xf32, #tpu.memory_space<vmem>> -> memref<672xf32, #tpu.memory_space<vmem>>
            %dma_wait3A_315 = tpu.memref_slice %arg2[%add3A_228] : memref<83200000xf32, #tpu.memory_space<hbm>> -> memref<672xf32, #tpu.memory_space<hbm>>
            tpu.wait_dma2 semaphore(%run_scoped3A : memref<!tpu.dma_semaphore, #tpu.memory_space<semaphore_mem>>) src(%dma_wait3A_315 : memref<672xf32, #tpu.memory_space<hbm>>) dst(%dma_wait3A_314 : memref<672xf32, #tpu.memory_space<vmem>>)
            tpu.yield
          }) : () -> ()
          %mul3A_229 = arith.constant 32 : i32
          %mul3A_230 = arith.muli %select_n3A_48, %mul3A_229 : i32
          %add3A_231 = arith.constant 21 : i32
          %add3A_232 = arith.addi %mul3A_230, %add3A_231 : i32
          %mul3A_233 = arith.constant 100000 : i32
          %mul3A_234 = arith.muli %add3A_232, %mul3A_233 : i32
          %add3A_235 = arith.addi %mul3A_234, %mul3A_50 : i32
          "tpu.region"() ({
            %run_scoped3A = tpu.sem_alloc : memref<!tpu.dma_semaphore, #tpu.memory_space<semaphore_mem>>
            %dma_start3A = arith.constant 21504 : i32
            %dma_start3A_306 = tpu.memref_slice %arg4[%dma_start3A] : memref<32768xf32, #tpu.memory_space<vmem>> -> memref<672xf32, #tpu.memory_space<vmem>>
            %dma_start3A_307 = tpu.memref_slice %arg2[%add3A_235] : memref<83200000xf32, #tpu.memory_space<hbm>> -> memref<672xf32, #tpu.memory_space<hbm>>
            %dma_start3A_308 = arith.constant 21504 : i32
            %dma_start3A_309 = tpu.memref_slice %arg4[%dma_start3A_308] : memref<32768xf32, #tpu.memory_space<vmem>> -> memref<672xf32, #tpu.memory_space<vmem>>
            %dma_start3A_310 = tpu.memref_slice %arg2[%add3A_235] : memref<83200000xf32, #tpu.memory_space<hbm>> -> memref<672xf32, #tpu.memory_space<hbm>>
            tpu.enqueue_dma source(%dma_start3A_310 : memref<672xf32, #tpu.memory_space<hbm>>) target(%dma_start3A_309 : memref<672xf32, #tpu.memory_space<vmem>>) target_semaphore(%run_scoped3A : memref<!tpu.dma_semaphore, #tpu.memory_space<semaphore_mem>>)
            %dma_wait3A = arith.constant 21504 : i32
            %dma_wait3A_311 = tpu.memref_slice %arg4[%dma_wait3A] : memref<32768xf32, #tpu.memory_space<vmem>> -> memref<672xf32, #tpu.memory_space<vmem>>
            %dma_wait3A_312 = tpu.memref_slice %arg2[%add3A_235] : memref<83200000xf32, #tpu.memory_space<hbm>> -> memref<672xf32, #tpu.memory_space<hbm>>
            %dma_wait3A_313 = arith.constant 21504 : i32
            %dma_wait3A_314 = tpu.memref_slice %arg4[%dma_wait3A_313] : memref<32768xf32, #tpu.memory_space<vmem>> -> memref<672xf32, #tpu.memory_space<vmem>>
            %dma_wait3A_315 = tpu.memref_slice %arg2[%add3A_235] : memref<83200000xf32, #tpu.memory_space<hbm>> -> memref<672xf32, #tpu.memory_space<hbm>>
            tpu.wait_dma2 semaphore(%run_scoped3A : memref<!tpu.dma_semaphore, #tpu.memory_space<semaphore_mem>>) src(%dma_wait3A_315 : memref<672xf32, #tpu.memory_space<hbm>>) dst(%dma_wait3A_314 : memref<672xf32, #tpu.memory_space<vmem>>)
            tpu.yield
          }) : () -> ()
          %mul3A_236 = arith.constant 32 : i32
          %mul3A_237 = arith.muli %select_n3A_48, %mul3A_236 : i32
          %add3A_238 = arith.constant 22 : i32
          %add3A_239 = arith.addi %mul3A_237, %add3A_238 : i32
          %mul3A_240 = arith.constant 100000 : i32
          %mul3A_241 = arith.muli %add3A_239, %mul3A_240 : i32
          %add3A_242 = arith.addi %mul3A_241, %mul3A_50 : i32
          "tpu.region"() ({
            %run_scoped3A = tpu.sem_alloc : memref<!tpu.dma_semaphore, #tpu.memory_space<semaphore_mem>>
            %dma_start3A = arith.constant 22528 : i32
            %dma_start3A_306 = tpu.memref_slice %arg4[%dma_start3A] : memref<32768xf32, #tpu.memory_space<vmem>> -> memref<672xf32, #tpu.memory_space<vmem>>
            %dma_start3A_307 = tpu.memref_slice %arg2[%add3A_242] : memref<83200000xf32, #tpu.memory_space<hbm>> -> memref<672xf32, #tpu.memory_space<hbm>>
            %dma_start3A_308 = arith.constant 22528 : i32
            %dma_start3A_309 = tpu.memref_slice %arg4[%dma_start3A_308] : memref<32768xf32, #tpu.memory_space<vmem>> -> memref<672xf32, #tpu.memory_space<vmem>>
            %dma_start3A_310 = tpu.memref_slice %arg2[%add3A_242] : memref<83200000xf32, #tpu.memory_space<hbm>> -> memref<672xf32, #tpu.memory_space<hbm>>
            tpu.enqueue_dma source(%dma_start3A_310 : memref<672xf32, #tpu.memory_space<hbm>>) target(%dma_start3A_309 : memref<672xf32, #tpu.memory_space<vmem>>) target_semaphore(%run_scoped3A : memref<!tpu.dma_semaphore, #tpu.memory_space<semaphore_mem>>)
            %dma_wait3A = arith.constant 22528 : i32
            %dma_wait3A_311 = tpu.memref_slice %arg4[%dma_wait3A] : memref<32768xf32, #tpu.memory_space<vmem>> -> memref<672xf32, #tpu.memory_space<vmem>>
            %dma_wait3A_312 = tpu.memref_slice %arg2[%add3A_242] : memref<83200000xf32, #tpu.memory_space<hbm>> -> memref<672xf32, #tpu.memory_space<hbm>>
            %dma_wait3A_313 = arith.constant 22528 : i32
            %dma_wait3A_314 = tpu.memref_slice %arg4[%dma_wait3A_313] : memref<32768xf32, #tpu.memory_space<vmem>> -> memref<672xf32, #tpu.memory_space<vmem>>
            %dma_wait3A_315 = tpu.memref_slice %arg2[%add3A_242] : memref<83200000xf32, #tpu.memory_space<hbm>> -> memref<672xf32, #tpu.memory_space<hbm>>
            tpu.wait_dma2 semaphore(%run_scoped3A : memref<!tpu.dma_semaphore, #tpu.memory_space<semaphore_mem>>) src(%dma_wait3A_315 : memref<672xf32, #tpu.memory_space<hbm>>) dst(%dma_wait3A_314 : memref<672xf32, #tpu.memory_space<vmem>>)
            tpu.yield
          }) : () -> ()
          %mul3A_243 = arith.constant 32 : i32
          %mul3A_244 = arith.muli %select_n3A_48, %mul3A_243 : i32
          %add3A_245 = arith.constant 23 : i32
          %add3A_246 = arith.addi %mul3A_244, %add3A_245 : i32
          %mul3A_247 = arith.constant 100000 : i32
          %mul3A_248 = arith.muli %add3A_246, %mul3A_247 : i32
          %add3A_249 = arith.addi %mul3A_248, %mul3A_50 : i32
          "tpu.region"() ({
            %run_scoped3A = tpu.sem_alloc : memref<!tpu.dma_semaphore, #tpu.memory_space<semaphore_mem>>
            %dma_start3A = arith.constant 23552 : i32
            %dma_start3A_306 = tpu.memref_slice %arg4[%dma_start3A] : memref<32768xf32, #tpu.memory_space<vmem>> -> memref<672xf32, #tpu.memory_space<vmem>>
            %dma_start3A_307 = tpu.memref_slice %arg2[%add3A_249] : memref<83200000xf32, #tpu.memory_space<hbm>> -> memref<672xf32, #tpu.memory_space<hbm>>
            %dma_start3A_308 = arith.constant 23552 : i32
            %dma_start3A_309 = tpu.memref_slice %arg4[%dma_start3A_308] : memref<32768xf32, #tpu.memory_space<vmem>> -> memref<672xf32, #tpu.memory_space<vmem>>
            %dma_start3A_310 = tpu.memref_slice %arg2[%add3A_249] : memref<83200000xf32, #tpu.memory_space<hbm>> -> memref<672xf32, #tpu.memory_space<hbm>>
            tpu.enqueue_dma source(%dma_start3A_310 : memref<672xf32, #tpu.memory_space<hbm>>) target(%dma_start3A_309 : memref<672xf32, #tpu.memory_space<vmem>>) target_semaphore(%run_scoped3A : memref<!tpu.dma_semaphore, #tpu.memory_space<semaphore_mem>>)
            %dma_wait3A = arith.constant 23552 : i32
            %dma_wait3A_311 = tpu.memref_slice %arg4[%dma_wait3A] : memref<32768xf32, #tpu.memory_space<vmem>> -> memref<672xf32, #tpu.memory_space<vmem>>
            %dma_wait3A_312 = tpu.memref_slice %arg2[%add3A_249] : memref<83200000xf32, #tpu.memory_space<hbm>> -> memref<672xf32, #tpu.memory_space<hbm>>
            %dma_wait3A_313 = arith.constant 23552 : i32
            %dma_wait3A_314 = tpu.memref_slice %arg4[%dma_wait3A_313] : memref<32768xf32, #tpu.memory_space<vmem>> -> memref<672xf32, #tpu.memory_space<vmem>>
            %dma_wait3A_315 = tpu.memref_slice %arg2[%add3A_249] : memref<83200000xf32, #tpu.memory_space<hbm>> -> memref<672xf32, #tpu.memory_space<hbm>>
            tpu.wait_dma2 semaphore(%run_scoped3A : memref<!tpu.dma_semaphore, #tpu.memory_space<semaphore_mem>>) src(%dma_wait3A_315 : memref<672xf32, #tpu.memory_space<hbm>>) dst(%dma_wait3A_314 : memref<672xf32, #tpu.memory_space<vmem>>)
            tpu.yield
          }) : () -> ()
          %mul3A_250 = arith.constant 32 : i32
          %mul3A_251 = arith.muli %select_n3A_48, %mul3A_250 : i32
          %add3A_252 = arith.constant 24 : i32
          %add3A_253 = arith.addi %mul3A_251, %add3A_252 : i32
          %mul3A_254 = arith.constant 100000 : i32
          %mul3A_255 = arith.muli %add3A_253, %mul3A_254 : i32
          %add3A_256 = arith.addi %mul3A_255, %mul3A_50 : i32
          "tpu.region"() ({
            %run_scoped3A = tpu.sem_alloc : memref<!tpu.dma_semaphore, #tpu.memory_space<semaphore_mem>>
            %dma_start3A = arith.constant 24576 : i32
            %dma_start3A_306 = tpu.memref_slice %arg4[%dma_start3A] : memref<32768xf32, #tpu.memory_space<vmem>> -> memref<672xf32, #tpu.memory_space<vmem>>
            %dma_start3A_307 = tpu.memref_slice %arg2[%add3A_256] : memref<83200000xf32, #tpu.memory_space<hbm>> -> memref<672xf32, #tpu.memory_space<hbm>>
            %dma_start3A_308 = arith.constant 24576 : i32
            %dma_start3A_309 = tpu.memref_slice %arg4[%dma_start3A_308] : memref<32768xf32, #tpu.memory_space<vmem>> -> memref<672xf32, #tpu.memory_space<vmem>>
            %dma_start3A_310 = tpu.memref_slice %arg2[%add3A_256] : memref<83200000xf32, #tpu.memory_space<hbm>> -> memref<672xf32, #tpu.memory_space<hbm>>
            tpu.enqueue_dma source(%dma_start3A_310 : memref<672xf32, #tpu.memory_space<hbm>>) target(%dma_start3A_309 : memref<672xf32, #tpu.memory_space<vmem>>) target_semaphore(%run_scoped3A : memref<!tpu.dma_semaphore, #tpu.memory_space<semaphore_mem>>)
            %dma_wait3A = arith.constant 24576 : i32
            %dma_wait3A_311 = tpu.memref_slice %arg4[%dma_wait3A] : memref<32768xf32, #tpu.memory_space<vmem>> -> memref<672xf32, #tpu.memory_space<vmem>>
            %dma_wait3A_312 = tpu.memref_slice %arg2[%add3A_256] : memref<83200000xf32, #tpu.memory_space<hbm>> -> memref<672xf32, #tpu.memory_space<hbm>>
            %dma_wait3A_313 = arith.constant 24576 : i32
            %dma_wait3A_314 = tpu.memref_slice %arg4[%dma_wait3A_313] : memref<32768xf32, #tpu.memory_space<vmem>> -> memref<672xf32, #tpu.memory_space<vmem>>
            %dma_wait3A_315 = tpu.memref_slice %arg2[%add3A_256] : memref<83200000xf32, #tpu.memory_space<hbm>> -> memref<672xf32, #tpu.memory_space<hbm>>
            tpu.wait_dma2 semaphore(%run_scoped3A : memref<!tpu.dma_semaphore, #tpu.memory_space<semaphore_mem>>) src(%dma_wait3A_315 : memref<672xf32, #tpu.memory_space<hbm>>) dst(%dma_wait3A_314 : memref<672xf32, #tpu.memory_space<vmem>>)
            tpu.yield
          }) : () -> ()
          %mul3A_257 = arith.constant 32 : i32
          %mul3A_258 = arith.muli %select_n3A_48, %mul3A_257 : i32
          %add3A_259 = arith.constant 25 : i32
          %add3A_260 = arith.addi %mul3A_258, %add3A_259 : i32
          %mul3A_261 = arith.constant 100000 : i32
          %mul3A_262 = arith.muli %add3A_260, %mul3A_261 : i32
          %add3A_263 = arith.addi %mul3A_262, %mul3A_50 : i32
          "tpu.region"() ({
            %run_scoped3A = tpu.sem_alloc : memref<!tpu.dma_semaphore, #tpu.memory_space<semaphore_mem>>
            %dma_start3A = arith.constant 25600 : i32
            %dma_start3A_306 = tpu.memref_slice %arg4[%dma_start3A] : memref<32768xf32, #tpu.memory_space<vmem>> -> memref<672xf32, #tpu.memory_space<vmem>>
            %dma_start3A_307 = tpu.memref_slice %arg2[%add3A_263] : memref<83200000xf32, #tpu.memory_space<hbm>> -> memref<672xf32, #tpu.memory_space<hbm>>
            %dma_start3A_308 = arith.constant 25600 : i32
            %dma_start3A_309 = tpu.memref_slice %arg4[%dma_start3A_308] : memref<32768xf32, #tpu.memory_space<vmem>> -> memref<672xf32, #tpu.memory_space<vmem>>
            %dma_start3A_310 = tpu.memref_slice %arg2[%add3A_263] : memref<83200000xf32, #tpu.memory_space<hbm>> -> memref<672xf32, #tpu.memory_space<hbm>>
            tpu.enqueue_dma source(%dma_start3A_310 : memref<672xf32, #tpu.memory_space<hbm>>) target(%dma_start3A_309 : memref<672xf32, #tpu.memory_space<vmem>>) target_semaphore(%run_scoped3A : memref<!tpu.dma_semaphore, #tpu.memory_space<semaphore_mem>>)
            %dma_wait3A = arith.constant 25600 : i32
            %dma_wait3A_311 = tpu.memref_slice %arg4[%dma_wait3A] : memref<32768xf32, #tpu.memory_space<vmem>> -> memref<672xf32, #tpu.memory_space<vmem>>
            %dma_wait3A_312 = tpu.memref_slice %arg2[%add3A_263] : memref<83200000xf32, #tpu.memory_space<hbm>> -> memref<672xf32, #tpu.memory_space<hbm>>
            %dma_wait3A_313 = arith.constant 25600 : i32
            %dma_wait3A_314 = tpu.memref_slice %arg4[%dma_wait3A_313] : memref<32768xf32, #tpu.memory_space<vmem>> -> memref<672xf32, #tpu.memory_space<vmem>>
            %dma_wait3A_315 = tpu.memref_slice %arg2[%add3A_263] : memref<83200000xf32, #tpu.memory_space<hbm>> -> memref<672xf32, #tpu.memory_space<hbm>>
            tpu.wait_dma2 semaphore(%run_scoped3A : memref<!tpu.dma_semaphore, #tpu.memory_space<semaphore_mem>>) src(%dma_wait3A_315 : memref<672xf32, #tpu.memory_space<hbm>>) dst(%dma_wait3A_314 : memref<672xf32, #tpu.memory_space<vmem>>)
            tpu.yield
          }) : () -> ()
          %mul3A_264 = arith.constant 32 : i32
          %mul3A_265 = arith.muli %select_n3A_48, %mul3A_264 : i32
          %add3A_266 = arith.constant 26 : i32
          %add3A_267 = arith.addi %mul3A_265, %add3A_266 : i32
          %mul3A_268 = arith.constant 100000 : i32
          %mul3A_269 = arith.muli %add3A_267, %mul3A_268 : i32
          %add3A_270 = arith.addi %mul3A_269, %mul3A_50 : i32
          "tpu.region"() ({
            %run_scoped3A = tpu.sem_alloc : memref<!tpu.dma_semaphore, #tpu.memory_space<semaphore_mem>>
            %dma_start3A = arith.constant 26624 : i32
            %dma_start3A_306 = tpu.memref_slice %arg4[%dma_start3A] : memref<32768xf32, #tpu.memory_space<vmem>> -> memref<672xf32, #tpu.memory_space<vmem>>
            %dma_start3A_307 = tpu.memref_slice %arg2[%add3A_270] : memref<83200000xf32, #tpu.memory_space<hbm>> -> memref<672xf32, #tpu.memory_space<hbm>>
            %dma_start3A_308 = arith.constant 26624 : i32
            %dma_start3A_309 = tpu.memref_slice %arg4[%dma_start3A_308] : memref<32768xf32, #tpu.memory_space<vmem>> -> memref<672xf32, #tpu.memory_space<vmem>>
            %dma_start3A_310 = tpu.memref_slice %arg2[%add3A_270] : memref<83200000xf32, #tpu.memory_space<hbm>> -> memref<672xf32, #tpu.memory_space<hbm>>
            tpu.enqueue_dma source(%dma_start3A_310 : memref<672xf32, #tpu.memory_space<hbm>>) target(%dma_start3A_309 : memref<672xf32, #tpu.memory_space<vmem>>) target_semaphore(%run_scoped3A : memref<!tpu.dma_semaphore, #tpu.memory_space<semaphore_mem>>)
            %dma_wait3A = arith.constant 26624 : i32
            %dma_wait3A_311 = tpu.memref_slice %arg4[%dma_wait3A] : memref<32768xf32, #tpu.memory_space<vmem>> -> memref<672xf32, #tpu.memory_space<vmem>>
            %dma_wait3A_312 = tpu.memref_slice %arg2[%add3A_270] : memref<83200000xf32, #tpu.memory_space<hbm>> -> memref<672xf32, #tpu.memory_space<hbm>>
            %dma_wait3A_313 = arith.constant 26624 : i32
            %dma_wait3A_314 = tpu.memref_slice %arg4[%dma_wait3A_313] : memref<32768xf32, #tpu.memory_space<vmem>> -> memref<672xf32, #tpu.memory_space<vmem>>
            %dma_wait3A_315 = tpu.memref_slice %arg2[%add3A_270] : memref<83200000xf32, #tpu.memory_space<hbm>> -> memref<672xf32, #tpu.memory_space<hbm>>
            tpu.wait_dma2 semaphore(%run_scoped3A : memref<!tpu.dma_semaphore, #tpu.memory_space<semaphore_mem>>) src(%dma_wait3A_315 : memref<672xf32, #tpu.memory_space<hbm>>) dst(%dma_wait3A_314 : memref<672xf32, #tpu.memory_space<vmem>>)
            tpu.yield
          }) : () -> ()
          %mul3A_271 = arith.constant 32 : i32
          %mul3A_272 = arith.muli %select_n3A_48, %mul3A_271 : i32
          %add3A_273 = arith.constant 27 : i32
          %add3A_274 = arith.addi %mul3A_272, %add3A_273 : i32
          %mul3A_275 = arith.constant 100000 : i32
          %mul3A_276 = arith.muli %add3A_274, %mul3A_275 : i32
          %add3A_277 = arith.addi %mul3A_276, %mul3A_50 : i32
          "tpu.region"() ({
            %run_scoped3A = tpu.sem_alloc : memref<!tpu.dma_semaphore, #tpu.memory_space<semaphore_mem>>
            %dma_start3A = arith.constant 27648 : i32
            %dma_start3A_306 = tpu.memref_slice %arg4[%dma_start3A] : memref<32768xf32, #tpu.memory_space<vmem>> -> memref<672xf32, #tpu.memory_space<vmem>>
            %dma_start3A_307 = tpu.memref_slice %arg2[%add3A_277] : memref<83200000xf32, #tpu.memory_space<hbm>> -> memref<672xf32, #tpu.memory_space<hbm>>
            %dma_start3A_308 = arith.constant 27648 : i32
            %dma_start3A_309 = tpu.memref_slice %arg4[%dma_start3A_308] : memref<32768xf32, #tpu.memory_space<vmem>> -> memref<672xf32, #tpu.memory_space<vmem>>
            %dma_start3A_310 = tpu.memref_slice %arg2[%add3A_277] : memref<83200000xf32, #tpu.memory_space<hbm>> -> memref<672xf32, #tpu.memory_space<hbm>>
            tpu.enqueue_dma source(%dma_start3A_310 : memref<672xf32, #tpu.memory_space<hbm>>) target(%dma_start3A_309 : memref<672xf32, #tpu.memory_space<vmem>>) target_semaphore(%run_scoped3A : memref<!tpu.dma_semaphore, #tpu.memory_space<semaphore_mem>>)
            %dma_wait3A = arith.constant 27648 : i32
            %dma_wait3A_311 = tpu.memref_slice %arg4[%dma_wait3A] : memref<32768xf32, #tpu.memory_space<vmem>> -> memref<672xf32, #tpu.memory_space<vmem>>
            %dma_wait3A_312 = tpu.memref_slice %arg2[%add3A_277] : memref<83200000xf32, #tpu.memory_space<hbm>> -> memref<672xf32, #tpu.memory_space<hbm>>
            %dma_wait3A_313 = arith.constant 27648 : i32
            %dma_wait3A_314 = tpu.memref_slice %arg4[%dma_wait3A_313] : memref<32768xf32, #tpu.memory_space<vmem>> -> memref<672xf32, #tpu.memory_space<vmem>>
            %dma_wait3A_315 = tpu.memref_slice %arg2[%add3A_277] : memref<83200000xf32, #tpu.memory_space<hbm>> -> memref<672xf32, #tpu.memory_space<hbm>>
            tpu.wait_dma2 semaphore(%run_scoped3A : memref<!tpu.dma_semaphore, #tpu.memory_space<semaphore_mem>>) src(%dma_wait3A_315 : memref<672xf32, #tpu.memory_space<hbm>>) dst(%dma_wait3A_314 : memref<672xf32, #tpu.memory_space<vmem>>)
            tpu.yield
          }) : () -> ()
          %mul3A_278 = arith.constant 32 : i32
          %mul3A_279 = arith.muli %select_n3A_48, %mul3A_278 : i32
          %add3A_280 = arith.constant 28 : i32
          %add3A_281 = arith.addi %mul3A_279, %add3A_280 : i32
          %mul3A_282 = arith.constant 100000 : i32
          %mul3A_283 = arith.muli %add3A_281, %mul3A_282 : i32
          %add3A_284 = arith.addi %mul3A_283, %mul3A_50 : i32
          "tpu.region"() ({
            %run_scoped3A = tpu.sem_alloc : memref<!tpu.dma_semaphore, #tpu.memory_space<semaphore_mem>>
            %dma_start3A = arith.constant 28672 : i32
            %dma_start3A_306 = tpu.memref_slice %arg4[%dma_start3A] : memref<32768xf32, #tpu.memory_space<vmem>> -> memref<672xf32, #tpu.memory_space<vmem>>
            %dma_start3A_307 = tpu.memref_slice %arg2[%add3A_284] : memref<83200000xf32, #tpu.memory_space<hbm>> -> memref<672xf32, #tpu.memory_space<hbm>>
            %dma_start3A_308 = arith.constant 28672 : i32
            %dma_start3A_309 = tpu.memref_slice %arg4[%dma_start3A_308] : memref<32768xf32, #tpu.memory_space<vmem>> -> memref<672xf32, #tpu.memory_space<vmem>>
            %dma_start3A_310 = tpu.memref_slice %arg2[%add3A_284] : memref<83200000xf32, #tpu.memory_space<hbm>> -> memref<672xf32, #tpu.memory_space<hbm>>
            tpu.enqueue_dma source(%dma_start3A_310 : memref<672xf32, #tpu.memory_space<hbm>>) target(%dma_start3A_309 : memref<672xf32, #tpu.memory_space<vmem>>) target_semaphore(%run_scoped3A : memref<!tpu.dma_semaphore, #tpu.memory_space<semaphore_mem>>)
            %dma_wait3A = arith.constant 28672 : i32
            %dma_wait3A_311 = tpu.memref_slice %arg4[%dma_wait3A] : memref<32768xf32, #tpu.memory_space<vmem>> -> memref<672xf32, #tpu.memory_space<vmem>>
            %dma_wait3A_312 = tpu.memref_slice %arg2[%add3A_284] : memref<83200000xf32, #tpu.memory_space<hbm>> -> memref<672xf32, #tpu.memory_space<hbm>>
            %dma_wait3A_313 = arith.constant 28672 : i32
            %dma_wait3A_314 = tpu.memref_slice %arg4[%dma_wait3A_313] : memref<32768xf32, #tpu.memory_space<vmem>> -> memref<672xf32, #tpu.memory_space<vmem>>
            %dma_wait3A_315 = tpu.memref_slice %arg2[%add3A_284] : memref<83200000xf32, #tpu.memory_space<hbm>> -> memref<672xf32, #tpu.memory_space<hbm>>
            tpu.wait_dma2 semaphore(%run_scoped3A : memref<!tpu.dma_semaphore, #tpu.memory_space<semaphore_mem>>) src(%dma_wait3A_315 : memref<672xf32, #tpu.memory_space<hbm>>) dst(%dma_wait3A_314 : memref<672xf32, #tpu.memory_space<vmem>>)
            tpu.yield
          }) : () -> ()
          %mul3A_285 = arith.constant 32 : i32
          %mul3A_286 = arith.muli %select_n3A_48, %mul3A_285 : i32
          %add3A_287 = arith.constant 29 : i32
          %add3A_288 = arith.addi %mul3A_286, %add3A_287 : i32
          %mul3A_289 = arith.constant 100000 : i32
          %mul3A_290 = arith.muli %add3A_288, %mul3A_289 : i32
          %add3A_291 = arith.addi %mul3A_290, %mul3A_50 : i32
          "tpu.region"() ({
            %run_scoped3A = tpu.sem_alloc : memref<!tpu.dma_semaphore, #tpu.memory_space<semaphore_mem>>
            %dma_start3A = arith.constant 29696 : i32
            %dma_start3A_306 = tpu.memref_slice %arg4[%dma_start3A] : memref<32768xf32, #tpu.memory_space<vmem>> -> memref<672xf32, #tpu.memory_space<vmem>>
            %dma_start3A_307 = tpu.memref_slice %arg2[%add3A_291] : memref<83200000xf32, #tpu.memory_space<hbm>> -> memref<672xf32, #tpu.memory_space<hbm>>
            %dma_start3A_308 = arith.constant 29696 : i32
            %dma_start3A_309 = tpu.memref_slice %arg4[%dma_start3A_308] : memref<32768xf32, #tpu.memory_space<vmem>> -> memref<672xf32, #tpu.memory_space<vmem>>
            %dma_start3A_310 = tpu.memref_slice %arg2[%add3A_291] : memref<83200000xf32, #tpu.memory_space<hbm>> -> memref<672xf32, #tpu.memory_space<hbm>>
            tpu.enqueue_dma source(%dma_start3A_310 : memref<672xf32, #tpu.memory_space<hbm>>) target(%dma_start3A_309 : memref<672xf32, #tpu.memory_space<vmem>>) target_semaphore(%run_scoped3A : memref<!tpu.dma_semaphore, #tpu.memory_space<semaphore_mem>>)
            %dma_wait3A = arith.constant 29696 : i32
            %dma_wait3A_311 = tpu.memref_slice %arg4[%dma_wait3A] : memref<32768xf32, #tpu.memory_space<vmem>> -> memref<672xf32, #tpu.memory_space<vmem>>
            %dma_wait3A_312 = tpu.memref_slice %arg2[%add3A_291] : memref<83200000xf32, #tpu.memory_space<hbm>> -> memref<672xf32, #tpu.memory_space<hbm>>
            %dma_wait3A_313 = arith.constant 29696 : i32
            %dma_wait3A_314 = tpu.memref_slice %arg4[%dma_wait3A_313] : memref<32768xf32, #tpu.memory_space<vmem>> -> memref<672xf32, #tpu.memory_space<vmem>>
            %dma_wait3A_315 = tpu.memref_slice %arg2[%add3A_291] : memref<83200000xf32, #tpu.memory_space<hbm>> -> memref<672xf32, #tpu.memory_space<hbm>>
            tpu.wait_dma2 semaphore(%run_scoped3A : memref<!tpu.dma_semaphore, #tpu.memory_space<semaphore_mem>>) src(%dma_wait3A_315 : memref<672xf32, #tpu.memory_space<hbm>>) dst(%dma_wait3A_314 : memref<672xf32, #tpu.memory_space<vmem>>)
            tpu.yield
          }) : () -> ()
          %mul3A_292 = arith.constant 32 : i32
          %mul3A_293 = arith.muli %select_n3A_48, %mul3A_292 : i32
          %add3A_294 = arith.constant 30 : i32
          %add3A_295 = arith.addi %mul3A_293, %add3A_294 : i32
          %mul3A_296 = arith.constant 100000 : i32
          %mul3A_297 = arith.muli %add3A_295, %mul3A_296 : i32
          %add3A_298 = arith.addi %mul3A_297, %mul3A_50 : i32
          "tpu.region"() ({
            %run_scoped3A = tpu.sem_alloc : memref<!tpu.dma_semaphore, #tpu.memory_space<semaphore_mem>>
            %dma_start3A = arith.constant 30720 : i32
            %dma_start3A_306 = tpu.memref_slice %arg4[%dma_start3A] : memref<32768xf32, #tpu.memory_space<vmem>> -> memref<672xf32, #tpu.memory_space<vmem>>
            %dma_start3A_307 = tpu.memref_slice %arg2[%add3A_298] : memref<83200000xf32, #tpu.memory_space<hbm>> -> memref<672xf32, #tpu.memory_space<hbm>>
            %dma_start3A_308 = arith.constant 30720 : i32
            %dma_start3A_309 = tpu.memref_slice %arg4[%dma_start3A_308] : memref<32768xf32, #tpu.memory_space<vmem>> -> memref<672xf32, #tpu.memory_space<vmem>>
            %dma_start3A_310 = tpu.memref_slice %arg2[%add3A_298] : memref<83200000xf32, #tpu.memory_space<hbm>> -> memref<672xf32, #tpu.memory_space<hbm>>
            tpu.enqueue_dma source(%dma_start3A_310 : memref<672xf32, #tpu.memory_space<hbm>>) target(%dma_start3A_309 : memref<672xf32, #tpu.memory_space<vmem>>) target_semaphore(%run_scoped3A : memref<!tpu.dma_semaphore, #tpu.memory_space<semaphore_mem>>)
            %dma_wait3A = arith.constant 30720 : i32
            %dma_wait3A_311 = tpu.memref_slice %arg4[%dma_wait3A] : memref<32768xf32, #tpu.memory_space<vmem>> -> memref<672xf32, #tpu.memory_space<vmem>>
            %dma_wait3A_312 = tpu.memref_slice %arg2[%add3A_298] : memref<83200000xf32, #tpu.memory_space<hbm>> -> memref<672xf32, #tpu.memory_space<hbm>>
            %dma_wait3A_313 = arith.constant 30720 : i32
            %dma_wait3A_314 = tpu.memref_slice %arg4[%dma_wait3A_313] : memref<32768xf32, #tpu.memory_space<vmem>> -> memref<672xf32, #tpu.memory_space<vmem>>
            %dma_wait3A_315 = tpu.memref_slice %arg2[%add3A_298] : memref<83200000xf32, #tpu.memory_space<hbm>> -> memref<672xf32, #tpu.memory_space<hbm>>
            tpu.wait_dma2 semaphore(%run_scoped3A : memref<!tpu.dma_semaphore, #tpu.memory_space<semaphore_mem>>) src(%dma_wait3A_315 : memref<672xf32, #tpu.memory_space<hbm>>) dst(%dma_wait3A_314 : memref<672xf32, #tpu.memory_space<vmem>>)
            tpu.yield
          }) : () -> ()
          %mul3A_299 = arith.constant 32 : i32
          %mul3A_300 = arith.muli %select_n3A_48, %mul3A_299 : i32
          %add3A_301 = arith.constant 31 : i32
          %add3A_302 = arith.addi %mul3A_300, %add3A_301 : i32
          %mul3A_303 = arith.constant 100000 : i32
          %mul3A_304 = arith.muli %add3A_302, %mul3A_303 : i32
          %add3A_305 = arith.addi %mul3A_304, %mul3A_50 : i32
          "tpu.region"() ({
            %run_scoped3A = tpu.sem_alloc : memref<!tpu.dma_semaphore, #tpu.memory_space<semaphore_mem>>
            %dma_start3A = arith.constant 31744 : i32
            %dma_start3A_306 = tpu.memref_slice %arg4[%dma_start3A] : memref<32768xf32, #tpu.memory_space<vmem>> -> memref<672xf32, #tpu.memory_space<vmem>>
            %dma_start3A_307 = tpu.memref_slice %arg2[%add3A_305] : memref<83200000xf32, #tpu.memory_space<hbm>> -> memref<672xf32, #tpu.memory_space<hbm>>
            %dma_start3A_308 = arith.constant 31744 : i32
            %dma_start3A_309 = tpu.memref_slice %arg4[%dma_start3A_308] : memref<32768xf32, #tpu.memory_space<vmem>> -> memref<672xf32, #tpu.memory_space<vmem>>
            %dma_start3A_310 = tpu.memref_slice %arg2[%add3A_305] : memref<83200000xf32, #tpu.memory_space<hbm>> -> memref<672xf32, #tpu.memory_space<hbm>>
            tpu.enqueue_dma source(%dma_start3A_310 : memref<672xf32, #tpu.memory_space<hbm>>) target(%dma_start3A_309 : memref<672xf32, #tpu.memory_space<vmem>>) target_semaphore(%run_scoped3A : memref<!tpu.dma_semaphore, #tpu.memory_space<semaphore_mem>>)
            %dma_wait3A = arith.constant 31744 : i32
            %dma_wait3A_311 = tpu.memref_slice %arg4[%dma_wait3A] : memref<32768xf32, #tpu.memory_space<vmem>> -> memref<672xf32, #tpu.memory_space<vmem>>
            %dma_wait3A_312 = tpu.memref_slice %arg2[%add3A_305] : memref<83200000xf32, #tpu.memory_space<hbm>> -> memref<672xf32, #tpu.memory_space<hbm>>
            %dma_wait3A_313 = arith.constant 31744 : i32
            %dma_wait3A_314 = tpu.memref_slice %arg4[%dma_wait3A_313] : memref<32768xf32, #tpu.memory_space<vmem>> -> memref<672xf32, #tpu.memory_space<vmem>>
            %dma_wait3A_315 = tpu.memref_slice %arg2[%add3A_305] : memref<83200000xf32, #tpu.memory_space<hbm>> -> memref<672xf32, #tpu.memory_space<hbm>>
            tpu.wait_dma2 semaphore(%run_scoped3A : memref<!tpu.dma_semaphore, #tpu.memory_space<semaphore_mem>>) src(%dma_wait3A_315 : memref<672xf32, #tpu.memory_space<hbm>>) dst(%dma_wait3A_314 : memref<672xf32, #tpu.memory_space<vmem>>)
            tpu.yield
          }) : () -> ()
        } else {
        }
        %parallel_loop3A = arith.constant 0 : i32
        %parallel_loop3A_66 = arith.constant 1 : i32
        scf.for %parallel_loop3A_82 = %parallel_loop3A to %select_n3A_55 step %parallel_loop3A_66  : i32 {
          %parallel_loop3A_83 = vector.broadcast %parallel_loop3A_82 : i32 to vector<16xi32>
          %parallel_loop3A_84 = arith.addi %mul3A_3, %parallel_loop3A_83 : vector<16xi32>
          %parallel_loop3A_85 = tpu.vector_load_idx %arg4[%parallel_loop3A_84] : memref<32768xf32, #tpu.memory_space<vmem>>[vector<16xi32>], vector<16xf32>,
          %parallel_loop3A_86 = vector.broadcast %parallel_loop3A_82 : i32 to vector<16xi32>
          %parallel_loop3A_87 = arith.addi %add3A_6, %parallel_loop3A_86 : vector<16xi32>
          %parallel_loop3A_88 = tpu.vector_load_idx %arg4[%parallel_loop3A_87] : memref<32768xf32, #tpu.memory_space<vmem>>[vector<16xi32>], vector<16xf32>,
          %parallel_loop3A_89 = arith.constant 32 : i32
          %parallel_loop3A_90 = arith.muli %parallel_loop3A_82, %parallel_loop3A_89 : i32
          %parallel_loop3A_91 = arith.index_cast %parallel_loop3A_90 : i32 to index
          %parallel_loop3A_92 = tpu.vector_load %arg5[%parallel_loop3A_91] {strides = array<i32>} : memref<32768xf32, #tpu.memory_space<vmem>>, vector<16xf32>,
          tpu.vector_store %arg5[%parallel_loop3A_91], %parallel_loop3A_85 {strides = array<i32>} : memref<32768xf32, #tpu.memory_space<vmem>>, vector<16xf32>,
          %parallel_loop3A_93 = arith.constant 32 : i32
          %parallel_loop3A_94 = arith.muli %parallel_loop3A_82, %parallel_loop3A_93 : i32
          %parallel_loop3A_95 = arith.constant 16 : i32
          %parallel_loop3A_96 = arith.addi %parallel_loop3A_94, %parallel_loop3A_95 : i32
          %parallel_loop3A_97 = arith.index_cast %parallel_loop3A_96 : i32 to index
          %parallel_loop3A_98 = tpu.vector_load %arg5[%parallel_loop3A_97] {strides = array<i32>} : memref<32768xf32, #tpu.memory_space<vmem>>, vector<16xf32>,
          tpu.vector_store %arg5[%parallel_loop3A_97], %parallel_loop3A_88 {strides = array<i32>} : memref<32768xf32, #tpu.memory_space<vmem>>, vector<16xf32>,
        } {sc.loop_unroll_factor = 8 : i64, sc.parallel_access}
        %mul3A_67 = arith.constant 100000 : i32
        %mul3A_68 = arith.muli %select_n3A_48, %mul3A_67 : i32
        %add3A_69 = arith.addi %mul3A_68, %mul3A_50 : i32
        %mul3A_70 = arith.constant 32 : i32
        %mul3A_71 = arith.muli %add3A_69, %mul3A_70 : i32
        %lt3A_72 = arith.constant 97 : i32
        %lt3A_73 = arith.cmpi slt, %select_n3A_27, %lt3A_72 : i32
        %convert_element_type3A_74 = arith.extui %lt3A_73 : i1 to i32
        %cond3A_75 = arith.constant 0 : i32
        %cond3A_76 = arith.cmpi ne, %convert_element_type3A_74, %cond3A_75 : i32
        scf.if %cond3A_76 {
          "tpu.region"() ({
            %run_scoped3A = tpu.sem_alloc : memref<!tpu.dma_semaphore, #tpu.memory_space<semaphore_mem>>
            %dma_start3A = tpu.memref_slice %arg3[%mul3A_71] : memref<83200000xf32, #tpu.memory_space<hbm>> -> memref<32768xf32, #tpu.memory_space<hbm>>
            %dma_start3A_82 = tpu.memref_slice %arg3[%mul3A_71] : memref<83200000xf32, #tpu.memory_space<hbm>> -> memref<32768xf32, #tpu.memory_space<hbm>>
            tpu.enqueue_dma source(%arg5 : memref<32768xf32, #tpu.memory_space<vmem>>) target(%dma_start3A_82 : memref<32768xf32, #tpu.memory_space<hbm>>) target_semaphore(%run_scoped3A : memref<!tpu.dma_semaphore, #tpu.memory_space<semaphore_mem>>)
            %dma_wait3A = tpu.memref_slice %arg3[%mul3A_71] : memref<83200000xf32, #tpu.memory_space<hbm>> -> memref<32768xf32, #tpu.memory_space<hbm>>
            %dma_wait3A_83 = tpu.memref_slice %arg3[%mul3A_71] : memref<83200000xf32, #tpu.memory_space<hbm>> -> memref<32768xf32, #tpu.memory_space<hbm>>
            tpu.wait_dma2 semaphore(%run_scoped3A : memref<!tpu.dma_semaphore, #tpu.memory_space<semaphore_mem>>) src(%arg5 : memref<32768xf32, #tpu.memory_space<vmem>>) dst(%dma_wait3A_83 : memref<32768xf32, #tpu.memory_space<hbm>>)
            tpu.yield
          }) : () -> ()
        } else {
        }
        %eq3A_77 = arith.constant 97 : i32
        %eq3A_78 = arith.cmpi eq, %select_n3A_27, %eq3A_77 : i32
        %convert_element_type3A_79 = arith.extui %eq3A_78 : i1 to i32
        %cond3A_80 = arith.constant 0 : i32
        %cond3A_81 = arith.cmpi ne, %convert_element_type3A_79, %cond3A_80 : i32
        scf.if %cond3A_81 {
          "tpu.region"() ({
            %run_scoped3A = tpu.sem_alloc : memref<!tpu.dma_semaphore, #tpu.memory_space<semaphore_mem>>
            %dma_start3A = arith.constant 0 : i32
            %dma_start3A_82 = tpu.memref_slice %arg5[%dma_start3A] : memref<32768xf32, #tpu.memory_space<vmem>> -> memref<21504xf32, #tpu.memory_space<vmem>>
            %dma_start3A_83 = tpu.memref_slice %arg3[%mul3A_71] : memref<83200000xf32, #tpu.memory_space<hbm>> -> memref<21504xf32, #tpu.memory_space<hbm>>
            %dma_start3A_84 = tpu.memref_slice %arg3[%mul3A_71] : memref<83200000xf32, #tpu.memory_space<hbm>> -> memref<21504xf32, #tpu.memory_space<hbm>>
            %dma_start3A_85 = arith.constant 0 : i32
            %dma_start3A_86 = tpu.memref_slice %arg5[%dma_start3A_85] : memref<32768xf32, #tpu.memory_space<vmem>> -> memref<21504xf32, #tpu.memory_space<vmem>>
            tpu.enqueue_dma source(%dma_start3A_86 : memref<21504xf32, #tpu.memory_space<vmem>>) target(%dma_start3A_84 : memref<21504xf32, #tpu.memory_space<hbm>>) target_semaphore(%run_scoped3A : memref<!tpu.dma_semaphore, #tpu.memory_space<semaphore_mem>>)
            %dma_wait3A = arith.constant 0 : i32
            %dma_wait3A_87 = tpu.memref_slice %arg5[%dma_wait3A] : memref<32768xf32, #tpu.memory_space<vmem>> -> memref<21504xf32, #tpu.memory_space<vmem>>
            %dma_wait3A_88 = tpu.memref_slice %arg3[%mul3A_71] : memref<83200000xf32, #tpu.memory_space<hbm>> -> memref<21504xf32, #tpu.memory_space<hbm>>
            %dma_wait3A_89 = tpu.memref_slice %arg3[%mul3A_71] : memref<83200000xf32, #tpu.memory_space<hbm>> -> memref<21504xf32, #tpu.memory_space<hbm>>
            %dma_wait3A_90 = arith.constant 0 : i32
            %dma_wait3A_91 = tpu.memref_slice %arg5[%dma_wait3A_90] : memref<32768xf32, #tpu.memory_space<vmem>> -> memref<21504xf32, #tpu.memory_space<vmem>>
            tpu.wait_dma2 semaphore(%run_scoped3A : memref<!tpu.dma_semaphore, #tpu.memory_space<semaphore_mem>>) src(%dma_wait3A_91 : memref<21504xf32, #tpu.memory_space<vmem>>) dst(%dma_wait3A_89 : memref<21504xf32, #tpu.memory_space<hbm>>)
            tpu.yield
          }) : () -> ()
        } else {
        }
      } else {
      }
    }
    %scan3A_11 = arith.constant 80 : i32
    return
  }
}

#map = affine_map<(d0, d1) -> (0, 0)>
module attributes {stable_mosaic.version = 14 : i64} {
  func.func @k(%arg0: i32, %arg1: i32, %arg2: memref<2600000x32xf32, #tpu.memory_space<hbm>>, %arg3: memref<3328x128xi32, #tpu.memory_space<hbm>>, %arg4: memref<425984x32xf32, #tpu.memory_space<hbm>>, %arg5: memref<8x128xi32, #tpu.memory_space<vmem>>, %arg6: memref<1024x32xf32, #tpu.memory_space<vmem>>, %arg7: memref<!tpu.dma_semaphore, #tpu.memory_space<semaphore_mem>>) attributes {dimension_semantics = [#tpu.dimension_semantics<core_parallel>, #tpu.dimension_semantics<subcore_parallel>], iteration_bounds = array<i64: 2, 16>, scalar_prefetch = 0 : i64, scratch_operands = 3 : i64, tpu.core_type = #tpu.core_type<sc_vector_subcore>, window_params = [{transform_indices = #map}, {transform_indices = #map}, {transform_indices = #map}]} {
    %mul3A = arith.constant 2 : i32
    %mul3A_0 = arith.muli %arg1, %mul3A : i32
    %add3A = arith.addi %mul3A_0, %arg0 : i32
    %mul3A_1 = arith.constant 104 : i32
    %mul3A_2 = arith.muli %add3A, %mul3A_1 : i32
    %scan3A = arith.constant 0 : i32
    %scan3A_3 = arith.constant 0 : i32
    %scan3A_4 = arith.constant 13 : i32
    %scan3A_5 = arith.addi %scan3A_3, %scan3A_4 : i32
    %scan3A_6 = arith.constant 1 : i32
    scf.for %scan3A_8 = %scan3A_3 to %scan3A_5 step %scan3A_6  : i32 {
      %mul3A_9 = arith.constant 8 : i32
      %mul3A_10 = arith.muli %scan3A_8, %mul3A_9 : i32
      %add3A_11 = arith.addi %mul3A_2, %mul3A_10 : i32
      "tpu.region"() ({
        %run_scoped3A = tpu.sem_alloc : memref<!tpu.dma_semaphore, #tpu.memory_space<semaphore_mem>>
        %dma_start3A_172 = arith.constant 0 : i32
        %dma_start3A_173 = tpu.memref_slice %arg3[%add3A_11, %dma_start3A_172] : memref<3328x128xi32, #tpu.memory_space<hbm>> -> memref<8x128xi32, #tpu.memory_space<hbm>>
        %dma_start3A_174 = arith.constant 0 : i32
        %dma_start3A_175 = tpu.memref_slice %arg3[%add3A_11, %dma_start3A_174] : memref<3328x128xi32, #tpu.memory_space<hbm>> -> memref<8x128xi32, #tpu.memory_space<hbm>>
        tpu.enqueue_dma source(%dma_start3A_175 : memref<8x128xi32, #tpu.memory_space<hbm>>) target(%arg5 : memref<8x128xi32, #tpu.memory_space<vmem>>) target_semaphore(%run_scoped3A : memref<!tpu.dma_semaphore, #tpu.memory_space<semaphore_mem>>)
        %dma_wait3A_176 = arith.constant 0 : i32
        %dma_wait3A_177 = tpu.memref_slice %arg3[%add3A_11, %dma_wait3A_176] : memref<3328x128xi32, #tpu.memory_space<hbm>> -> memref<8x128xi32, #tpu.memory_space<hbm>>
        %dma_wait3A_178 = arith.constant 0 : i32
        %dma_wait3A_179 = tpu.memref_slice %arg3[%add3A_11, %dma_wait3A_178] : memref<3328x128xi32, #tpu.memory_space<hbm>> -> memref<8x128xi32, #tpu.memory_space<hbm>>
        tpu.wait_dma2 semaphore(%run_scoped3A : memref<!tpu.dma_semaphore, #tpu.memory_space<semaphore_mem>>) src(%dma_wait3A_179 : memref<8x128xi32, #tpu.memory_space<hbm>>) dst(%arg5 : memref<8x128xi32, #tpu.memory_space<vmem>>)
        tpu.yield
      }) : () -> ()
      %dma_start3A = arith.constant 0 : i32
      %dma_start3A_12 = arith.constant 0 : i32
      %dma_start3A_13 = arith.constant 0 : i32
      %dma_start3A_14 = tpu.memref_slice %arg6[%dma_start3A_12, %dma_start3A_13] : memref<1024x32xf32, #tpu.memory_space<vmem>> -> memref<128x32xf32, #tpu.memory_space<vmem>>
      %dma_start3A_15 = arith.constant 0 : i32
      %dma_start3A_16 = tpu.memref_slice %arg5[%dma_start3A, %dma_start3A_15] : memref<8x128xi32, #tpu.memory_space<vmem>> -> memref<1x128xi32, #tpu.memory_space<vmem>>
      %dma_start3A_17 = tpu.memref_squeeze %dma_start3A_16 : memref<1x128xi32, #tpu.memory_space<vmem>> -> memref<128xi32, #tpu.memory_space<vmem>>
      %dma_start3A_18 = arith.constant 0 : i32
      %dma_start3A_19 = arith.constant 0 : i32
      %dma_start3A_20 = tpu.memref_slice %arg2[%dma_start3A_18, %dma_start3A_19] : memref<2600000x32xf32, #tpu.memory_space<hbm>> -> memref<2600000x32xf32, #tpu.memory_space<hbm>>
      tpu.enqueue_indirect_dma source(%dma_start3A_20 : memref<2600000x32xf32, #tpu.memory_space<hbm>>) target(%dma_start3A_14 : memref<128x32xf32, #tpu.memory_space<vmem>>) offsets(%dma_start3A_17 : memref<128xi32, #tpu.memory_space<vmem>>) semaphore(%arg7 : memref<!tpu.dma_semaphore, #tpu.memory_space<semaphore_mem>>)
      %dma_start3A_21 = arith.constant 1 : i32
      %dma_start3A_22 = arith.constant 128 : i32
      %dma_start3A_23 = arith.constant 0 : i32
      %dma_start3A_24 = tpu.memref_slice %arg6[%dma_start3A_22, %dma_start3A_23] : memref<1024x32xf32, #tpu.memory_space<vmem>> -> memref<128x32xf32, #tpu.memory_space<vmem>>
      %dma_start3A_25 = arith.constant 0 : i32
      %dma_start3A_26 = tpu.memref_slice %arg5[%dma_start3A_21, %dma_start3A_25] : memref<8x128xi32, #tpu.memory_space<vmem>> -> memref<1x128xi32, #tpu.memory_space<vmem>>
      %dma_start3A_27 = tpu.memref_squeeze %dma_start3A_26 : memref<1x128xi32, #tpu.memory_space<vmem>> -> memref<128xi32, #tpu.memory_space<vmem>>
      %dma_start3A_28 = arith.constant 0 : i32
      %dma_start3A_29 = arith.constant 0 : i32
      %dma_start3A_30 = tpu.memref_slice %arg2[%dma_start3A_28, %dma_start3A_29] : memref<2600000x32xf32, #tpu.memory_space<hbm>> -> memref<2600000x32xf32, #tpu.memory_space<hbm>>
      tpu.enqueue_indirect_dma source(%dma_start3A_30 : memref<2600000x32xf32, #tpu.memory_space<hbm>>) target(%dma_start3A_24 : memref<128x32xf32, #tpu.memory_space<vmem>>) offsets(%dma_start3A_27 : memref<128xi32, #tpu.memory_space<vmem>>) semaphore(%arg7 : memref<!tpu.dma_semaphore, #tpu.memory_space<semaphore_mem>>)
      %dma_start3A_31 = arith.constant 2 : i32
      %dma_start3A_32 = arith.constant 256 : i32
      %dma_start3A_33 = arith.constant 0 : i32
      %dma_start3A_34 = tpu.memref_slice %arg6[%dma_start3A_32, %dma_start3A_33] : memref<1024x32xf32, #tpu.memory_space<vmem>> -> memref<128x32xf32, #tpu.memory_space<vmem>>
      %dma_start3A_35 = arith.constant 0 : i32
      %dma_start3A_36 = tpu.memref_slice %arg5[%dma_start3A_31, %dma_start3A_35] : memref<8x128xi32, #tpu.memory_space<vmem>> -> memref<1x128xi32, #tpu.memory_space<vmem>>
      %dma_start3A_37 = tpu.memref_squeeze %dma_start3A_36 : memref<1x128xi32, #tpu.memory_space<vmem>> -> memref<128xi32, #tpu.memory_space<vmem>>
      %dma_start3A_38 = arith.constant 0 : i32
      %dma_start3A_39 = arith.constant 0 : i32
      %dma_start3A_40 = tpu.memref_slice %arg2[%dma_start3A_38, %dma_start3A_39] : memref<2600000x32xf32, #tpu.memory_space<hbm>> -> memref<2600000x32xf32, #tpu.memory_space<hbm>>
      tpu.enqueue_indirect_dma source(%dma_start3A_40 : memref<2600000x32xf32, #tpu.memory_space<hbm>>) target(%dma_start3A_34 : memref<128x32xf32, #tpu.memory_space<vmem>>) offsets(%dma_start3A_37 : memref<128xi32, #tpu.memory_space<vmem>>) semaphore(%arg7 : memref<!tpu.dma_semaphore, #tpu.memory_space<semaphore_mem>>)
      %dma_start3A_41 = arith.constant 3 : i32
      %dma_start3A_42 = arith.constant 384 : i32
      %dma_start3A_43 = arith.constant 0 : i32
      %dma_start3A_44 = tpu.memref_slice %arg6[%dma_start3A_42, %dma_start3A_43] : memref<1024x32xf32, #tpu.memory_space<vmem>> -> memref<128x32xf32, #tpu.memory_space<vmem>>
      %dma_start3A_45 = arith.constant 0 : i32
      %dma_start3A_46 = tpu.memref_slice %arg5[%dma_start3A_41, %dma_start3A_45] : memref<8x128xi32, #tpu.memory_space<vmem>> -> memref<1x128xi32, #tpu.memory_space<vmem>>
      %dma_start3A_47 = tpu.memref_squeeze %dma_start3A_46 : memref<1x128xi32, #tpu.memory_space<vmem>> -> memref<128xi32, #tpu.memory_space<vmem>>
      %dma_start3A_48 = arith.constant 0 : i32
      %dma_start3A_49 = arith.constant 0 : i32
      %dma_start3A_50 = tpu.memref_slice %arg2[%dma_start3A_48, %dma_start3A_49] : memref<2600000x32xf32, #tpu.memory_space<hbm>> -> memref<2600000x32xf32, #tpu.memory_space<hbm>>
      tpu.enqueue_indirect_dma source(%dma_start3A_50 : memref<2600000x32xf32, #tpu.memory_space<hbm>>) target(%dma_start3A_44 : memref<128x32xf32, #tpu.memory_space<vmem>>) offsets(%dma_start3A_47 : memref<128xi32, #tpu.memory_space<vmem>>) semaphore(%arg7 : memref<!tpu.dma_semaphore, #tpu.memory_space<semaphore_mem>>)
      %dma_start3A_51 = arith.constant 4 : i32
      %dma_start3A_52 = arith.constant 512 : i32
      %dma_start3A_53 = arith.constant 0 : i32
      %dma_start3A_54 = tpu.memref_slice %arg6[%dma_start3A_52, %dma_start3A_53] : memref<1024x32xf32, #tpu.memory_space<vmem>> -> memref<128x32xf32, #tpu.memory_space<vmem>>
      %dma_start3A_55 = arith.constant 0 : i32
      %dma_start3A_56 = tpu.memref_slice %arg5[%dma_start3A_51, %dma_start3A_55] : memref<8x128xi32, #tpu.memory_space<vmem>> -> memref<1x128xi32, #tpu.memory_space<vmem>>
      %dma_start3A_57 = tpu.memref_squeeze %dma_start3A_56 : memref<1x128xi32, #tpu.memory_space<vmem>> -> memref<128xi32, #tpu.memory_space<vmem>>
      %dma_start3A_58 = arith.constant 0 : i32
      %dma_start3A_59 = arith.constant 0 : i32
      %dma_start3A_60 = tpu.memref_slice %arg2[%dma_start3A_58, %dma_start3A_59] : memref<2600000x32xf32, #tpu.memory_space<hbm>> -> memref<2600000x32xf32, #tpu.memory_space<hbm>>
      tpu.enqueue_indirect_dma source(%dma_start3A_60 : memref<2600000x32xf32, #tpu.memory_space<hbm>>) target(%dma_start3A_54 : memref<128x32xf32, #tpu.memory_space<vmem>>) offsets(%dma_start3A_57 : memref<128xi32, #tpu.memory_space<vmem>>) semaphore(%arg7 : memref<!tpu.dma_semaphore, #tpu.memory_space<semaphore_mem>>)
      %dma_start3A_61 = arith.constant 5 : i32
      %dma_start3A_62 = arith.constant 640 : i32
      %dma_start3A_63 = arith.constant 0 : i32
      %dma_start3A_64 = tpu.memref_slice %arg6[%dma_start3A_62, %dma_start3A_63] : memref<1024x32xf32, #tpu.memory_space<vmem>> -> memref<128x32xf32, #tpu.memory_space<vmem>>
      %dma_start3A_65 = arith.constant 0 : i32
      %dma_start3A_66 = tpu.memref_slice %arg5[%dma_start3A_61, %dma_start3A_65] : memref<8x128xi32, #tpu.memory_space<vmem>> -> memref<1x128xi32, #tpu.memory_space<vmem>>
      %dma_start3A_67 = tpu.memref_squeeze %dma_start3A_66 : memref<1x128xi32, #tpu.memory_space<vmem>> -> memref<128xi32, #tpu.memory_space<vmem>>
      %dma_start3A_68 = arith.constant 0 : i32
      %dma_start3A_69 = arith.constant 0 : i32
      %dma_start3A_70 = tpu.memref_slice %arg2[%dma_start3A_68, %dma_start3A_69] : memref<2600000x32xf32, #tpu.memory_space<hbm>> -> memref<2600000x32xf32, #tpu.memory_space<hbm>>
      tpu.enqueue_indirect_dma source(%dma_start3A_70 : memref<2600000x32xf32, #tpu.memory_space<hbm>>) target(%dma_start3A_64 : memref<128x32xf32, #tpu.memory_space<vmem>>) offsets(%dma_start3A_67 : memref<128xi32, #tpu.memory_space<vmem>>) semaphore(%arg7 : memref<!tpu.dma_semaphore, #tpu.memory_space<semaphore_mem>>)
      %dma_start3A_71 = arith.constant 6 : i32
      %dma_start3A_72 = arith.constant 768 : i32
      %dma_start3A_73 = arith.constant 0 : i32
      %dma_start3A_74 = tpu.memref_slice %arg6[%dma_start3A_72, %dma_start3A_73] : memref<1024x32xf32, #tpu.memory_space<vmem>> -> memref<128x32xf32, #tpu.memory_space<vmem>>
      %dma_start3A_75 = arith.constant 0 : i32
      %dma_start3A_76 = tpu.memref_slice %arg5[%dma_start3A_71, %dma_start3A_75] : memref<8x128xi32, #tpu.memory_space<vmem>> -> memref<1x128xi32, #tpu.memory_space<vmem>>
      %dma_start3A_77 = tpu.memref_squeeze %dma_start3A_76 : memref<1x128xi32, #tpu.memory_space<vmem>> -> memref<128xi32, #tpu.memory_space<vmem>>
      %dma_start3A_78 = arith.constant 0 : i32
      %dma_start3A_79 = arith.constant 0 : i32
      %dma_start3A_80 = tpu.memref_slice %arg2[%dma_start3A_78, %dma_start3A_79] : memref<2600000x32xf32, #tpu.memory_space<hbm>> -> memref<2600000x32xf32, #tpu.memory_space<hbm>>
      tpu.enqueue_indirect_dma source(%dma_start3A_80 : memref<2600000x32xf32, #tpu.memory_space<hbm>>) target(%dma_start3A_74 : memref<128x32xf32, #tpu.memory_space<vmem>>) offsets(%dma_start3A_77 : memref<128xi32, #tpu.memory_space<vmem>>) semaphore(%arg7 : memref<!tpu.dma_semaphore, #tpu.memory_space<semaphore_mem>>)
      %dma_start3A_81 = arith.constant 7 : i32
      %dma_start3A_82 = arith.constant 896 : i32
      %dma_start3A_83 = arith.constant 0 : i32
      %dma_start3A_84 = tpu.memref_slice %arg6[%dma_start3A_82, %dma_start3A_83] : memref<1024x32xf32, #tpu.memory_space<vmem>> -> memref<128x32xf32, #tpu.memory_space<vmem>>
      %dma_start3A_85 = arith.constant 0 : i32
      %dma_start3A_86 = tpu.memref_slice %arg5[%dma_start3A_81, %dma_start3A_85] : memref<8x128xi32, #tpu.memory_space<vmem>> -> memref<1x128xi32, #tpu.memory_space<vmem>>
      %dma_start3A_87 = tpu.memref_squeeze %dma_start3A_86 : memref<1x128xi32, #tpu.memory_space<vmem>> -> memref<128xi32, #tpu.memory_space<vmem>>
      %dma_start3A_88 = arith.constant 0 : i32
      %dma_start3A_89 = arith.constant 0 : i32
      %dma_start3A_90 = tpu.memref_slice %arg2[%dma_start3A_88, %dma_start3A_89] : memref<2600000x32xf32, #tpu.memory_space<hbm>> -> memref<2600000x32xf32, #tpu.memory_space<hbm>>
      tpu.enqueue_indirect_dma source(%dma_start3A_90 : memref<2600000x32xf32, #tpu.memory_space<hbm>>) target(%dma_start3A_84 : memref<128x32xf32, #tpu.memory_space<vmem>>) offsets(%dma_start3A_87 : memref<128xi32, #tpu.memory_space<vmem>>) semaphore(%arg7 : memref<!tpu.dma_semaphore, #tpu.memory_space<semaphore_mem>>)
      %dma_wait3A = arith.constant 0 : i32
      %dma_wait3A_91 = arith.constant 0 : i32
      %dma_wait3A_92 = arith.constant 0 : i32
      %dma_wait3A_93 = tpu.memref_slice %arg6[%dma_wait3A_91, %dma_wait3A_92] : memref<1024x32xf32, #tpu.memory_space<vmem>> -> memref<128x32xf32, #tpu.memory_space<vmem>>
      %dma_wait3A_94 = arith.constant 0 : i32
      %dma_wait3A_95 = tpu.memref_slice %arg5[%dma_wait3A, %dma_wait3A_94] : memref<8x128xi32, #tpu.memory_space<vmem>> -> memref<1x128xi32, #tpu.memory_space<vmem>>
      %dma_wait3A_96 = tpu.memref_squeeze %dma_wait3A_95 : memref<1x128xi32, #tpu.memory_space<vmem>> -> memref<128xi32, #tpu.memory_space<vmem>>
      %dma_wait3A_97 = arith.constant 0 : i32
      %dma_wait3A_98 = arith.constant 0 : i32
      %dma_wait3A_99 = tpu.memref_slice %arg2[%dma_wait3A_97, %dma_wait3A_98] : memref<2600000x32xf32, #tpu.memory_space<hbm>> -> memref<2600000x32xf32, #tpu.memory_space<hbm>>
      tpu.wait_indirect_dma semaphore(%arg7 : memref<!tpu.dma_semaphore, #tpu.memory_space<semaphore_mem>>) src(%dma_wait3A_99 : memref<2600000x32xf32, #tpu.memory_space<hbm>>) dst(%dma_wait3A_93 : memref<128x32xf32, #tpu.memory_space<vmem>>)
      %dma_wait3A_100 = arith.constant 1 : i32
      %dma_wait3A_101 = arith.constant 128 : i32
      %dma_wait3A_102 = arith.constant 0 : i32
      %dma_wait3A_103 = tpu.memref_slice %arg6[%dma_wait3A_101, %dma_wait3A_102] : memref<1024x32xf32, #tpu.memory_space<vmem>> -> memref<128x32xf32, #tpu.memory_space<vmem>>
      %dma_wait3A_104 = arith.constant 0 : i32
      %dma_wait3A_105 = tpu.memref_slice %arg5[%dma_wait3A_100, %dma_wait3A_104] : memref<8x128xi32, #tpu.memory_space<vmem>> -> memref<1x128xi32, #tpu.memory_space<vmem>>
      %dma_wait3A_106 = tpu.memref_squeeze %dma_wait3A_105 : memref<1x128xi32, #tpu.memory_space<vmem>> -> memref<128xi32, #tpu.memory_space<vmem>>
      %dma_wait3A_107 = arith.constant 0 : i32
      %dma_wait3A_108 = arith.constant 0 : i32
      %dma_wait3A_109 = tpu.memref_slice %arg2[%dma_wait3A_107, %dma_wait3A_108] : memref<2600000x32xf32, #tpu.memory_space<hbm>> -> memref<2600000x32xf32, #tpu.memory_space<hbm>>
      tpu.wait_indirect_dma semaphore(%arg7 : memref<!tpu.dma_semaphore, #tpu.memory_space<semaphore_mem>>) src(%dma_wait3A_109 : memref<2600000x32xf32, #tpu.memory_space<hbm>>) dst(%dma_wait3A_103 : memref<128x32xf32, #tpu.memory_space<vmem>>)
      %dma_wait3A_110 = arith.constant 2 : i32
      %dma_wait3A_111 = arith.constant 256 : i32
      %dma_wait3A_112 = arith.constant 0 : i32
      %dma_wait3A_113 = tpu.memref_slice %arg6[%dma_wait3A_111, %dma_wait3A_112] : memref<1024x32xf32, #tpu.memory_space<vmem>> -> memref<128x32xf32, #tpu.memory_space<vmem>>
      %dma_wait3A_114 = arith.constant 0 : i32
      %dma_wait3A_115 = tpu.memref_slice %arg5[%dma_wait3A_110, %dma_wait3A_114] : memref<8x128xi32, #tpu.memory_space<vmem>> -> memref<1x128xi32, #tpu.memory_space<vmem>>
      %dma_wait3A_116 = tpu.memref_squeeze %dma_wait3A_115 : memref<1x128xi32, #tpu.memory_space<vmem>> -> memref<128xi32, #tpu.memory_space<vmem>>
      %dma_wait3A_117 = arith.constant 0 : i32
      %dma_wait3A_118 = arith.constant 0 : i32
      %dma_wait3A_119 = tpu.memref_slice %arg2[%dma_wait3A_117, %dma_wait3A_118] : memref<2600000x32xf32, #tpu.memory_space<hbm>> -> memref<2600000x32xf32, #tpu.memory_space<hbm>>
      tpu.wait_indirect_dma semaphore(%arg7 : memref<!tpu.dma_semaphore, #tpu.memory_space<semaphore_mem>>) src(%dma_wait3A_119 : memref<2600000x32xf32, #tpu.memory_space<hbm>>) dst(%dma_wait3A_113 : memref<128x32xf32, #tpu.memory_space<vmem>>)
      %dma_wait3A_120 = arith.constant 3 : i32
      %dma_wait3A_121 = arith.constant 384 : i32
      %dma_wait3A_122 = arith.constant 0 : i32
      %dma_wait3A_123 = tpu.memref_slice %arg6[%dma_wait3A_121, %dma_wait3A_122] : memref<1024x32xf32, #tpu.memory_space<vmem>> -> memref<128x32xf32, #tpu.memory_space<vmem>>
      %dma_wait3A_124 = arith.constant 0 : i32
      %dma_wait3A_125 = tpu.memref_slice %arg5[%dma_wait3A_120, %dma_wait3A_124] : memref<8x128xi32, #tpu.memory_space<vmem>> -> memref<1x128xi32, #tpu.memory_space<vmem>>
      %dma_wait3A_126 = tpu.memref_squeeze %dma_wait3A_125 : memref<1x128xi32, #tpu.memory_space<vmem>> -> memref<128xi32, #tpu.memory_space<vmem>>
      %dma_wait3A_127 = arith.constant 0 : i32
      %dma_wait3A_128 = arith.constant 0 : i32
      %dma_wait3A_129 = tpu.memref_slice %arg2[%dma_wait3A_127, %dma_wait3A_128] : memref<2600000x32xf32, #tpu.memory_space<hbm>> -> memref<2600000x32xf32, #tpu.memory_space<hbm>>
      tpu.wait_indirect_dma semaphore(%arg7 : memref<!tpu.dma_semaphore, #tpu.memory_space<semaphore_mem>>) src(%dma_wait3A_129 : memref<2600000x32xf32, #tpu.memory_space<hbm>>) dst(%dma_wait3A_123 : memref<128x32xf32, #tpu.memory_space<vmem>>)
      %dma_wait3A_130 = arith.constant 4 : i32
      %dma_wait3A_131 = arith.constant 512 : i32
      %dma_wait3A_132 = arith.constant 0 : i32
      %dma_wait3A_133 = tpu.memref_slice %arg6[%dma_wait3A_131, %dma_wait3A_132] : memref<1024x32xf32, #tpu.memory_space<vmem>> -> memref<128x32xf32, #tpu.memory_space<vmem>>
      %dma_wait3A_134 = arith.constant 0 : i32
      %dma_wait3A_135 = tpu.memref_slice %arg5[%dma_wait3A_130, %dma_wait3A_134] : memref<8x128xi32, #tpu.memory_space<vmem>> -> memref<1x128xi32, #tpu.memory_space<vmem>>
      %dma_wait3A_136 = tpu.memref_squeeze %dma_wait3A_135 : memref<1x128xi32, #tpu.memory_space<vmem>> -> memref<128xi32, #tpu.memory_space<vmem>>
      %dma_wait3A_137 = arith.constant 0 : i32
      %dma_wait3A_138 = arith.constant 0 : i32
      %dma_wait3A_139 = tpu.memref_slice %arg2[%dma_wait3A_137, %dma_wait3A_138] : memref<2600000x32xf32, #tpu.memory_space<hbm>> -> memref<2600000x32xf32, #tpu.memory_space<hbm>>
      tpu.wait_indirect_dma semaphore(%arg7 : memref<!tpu.dma_semaphore, #tpu.memory_space<semaphore_mem>>) src(%dma_wait3A_139 : memref<2600000x32xf32, #tpu.memory_space<hbm>>) dst(%dma_wait3A_133 : memref<128x32xf32, #tpu.memory_space<vmem>>)
      %dma_wait3A_140 = arith.constant 5 : i32
      %dma_wait3A_141 = arith.constant 640 : i32
      %dma_wait3A_142 = arith.constant 0 : i32
      %dma_wait3A_143 = tpu.memref_slice %arg6[%dma_wait3A_141, %dma_wait3A_142] : memref<1024x32xf32, #tpu.memory_space<vmem>> -> memref<128x32xf32, #tpu.memory_space<vmem>>
      %dma_wait3A_144 = arith.constant 0 : i32
      %dma_wait3A_145 = tpu.memref_slice %arg5[%dma_wait3A_140, %dma_wait3A_144] : memref<8x128xi32, #tpu.memory_space<vmem>> -> memref<1x128xi32, #tpu.memory_space<vmem>>
      %dma_wait3A_146 = tpu.memref_squeeze %dma_wait3A_145 : memref<1x128xi32, #tpu.memory_space<vmem>> -> memref<128xi32, #tpu.memory_space<vmem>>
      %dma_wait3A_147 = arith.constant 0 : i32
      %dma_wait3A_148 = arith.constant 0 : i32
      %dma_wait3A_149 = tpu.memref_slice %arg2[%dma_wait3A_147, %dma_wait3A_148] : memref<2600000x32xf32, #tpu.memory_space<hbm>> -> memref<2600000x32xf32, #tpu.memory_space<hbm>>
      tpu.wait_indirect_dma semaphore(%arg7 : memref<!tpu.dma_semaphore, #tpu.memory_space<semaphore_mem>>) src(%dma_wait3A_149 : memref<2600000x32xf32, #tpu.memory_space<hbm>>) dst(%dma_wait3A_143 : memref<128x32xf32, #tpu.memory_space<vmem>>)
      %dma_wait3A_150 = arith.constant 6 : i32
      %dma_wait3A_151 = arith.constant 768 : i32
      %dma_wait3A_152 = arith.constant 0 : i32
      %dma_wait3A_153 = tpu.memref_slice %arg6[%dma_wait3A_151, %dma_wait3A_152] : memref<1024x32xf32, #tpu.memory_space<vmem>> -> memref<128x32xf32, #tpu.memory_space<vmem>>
      %dma_wait3A_154 = arith.constant 0 : i32
      %dma_wait3A_155 = tpu.memref_slice %arg5[%dma_wait3A_150, %dma_wait3A_154] : memref<8x128xi32, #tpu.memory_space<vmem>> -> memref<1x128xi32, #tpu.memory_space<vmem>>
      %dma_wait3A_156 = tpu.memref_squeeze %dma_wait3A_155 : memref<1x128xi32, #tpu.memory_space<vmem>> -> memref<128xi32, #tpu.memory_space<vmem>>
      %dma_wait3A_157 = arith.constant 0 : i32
      %dma_wait3A_158 = arith.constant 0 : i32
      %dma_wait3A_159 = tpu.memref_slice %arg2[%dma_wait3A_157, %dma_wait3A_158] : memref<2600000x32xf32, #tpu.memory_space<hbm>> -> memref<2600000x32xf32, #tpu.memory_space<hbm>>
      tpu.wait_indirect_dma semaphore(%arg7 : memref<!tpu.dma_semaphore, #tpu.memory_space<semaphore_mem>>) src(%dma_wait3A_159 : memref<2600000x32xf32, #tpu.memory_space<hbm>>) dst(%dma_wait3A_153 : memref<128x32xf32, #tpu.memory_space<vmem>>)
      %dma_wait3A_160 = arith.constant 7 : i32
      %dma_wait3A_161 = arith.constant 896 : i32
      %dma_wait3A_162 = arith.constant 0 : i32
      %dma_wait3A_163 = tpu.memref_slice %arg6[%dma_wait3A_161, %dma_wait3A_162] : memref<1024x32xf32, #tpu.memory_space<vmem>> -> memref<128x32xf32, #tpu.memory_space<vmem>>
      %dma_wait3A_164 = arith.constant 0 : i32
      %dma_wait3A_165 = tpu.memref_slice %arg5[%dma_wait3A_160, %dma_wait3A_164] : memref<8x128xi32, #tpu.memory_space<vmem>> -> memref<1x128xi32, #tpu.memory_space<vmem>>
      %dma_wait3A_166 = tpu.memref_squeeze %dma_wait3A_165 : memref<1x128xi32, #tpu.memory_space<vmem>> -> memref<128xi32, #tpu.memory_space<vmem>>
      %dma_wait3A_167 = arith.constant 0 : i32
      %dma_wait3A_168 = arith.constant 0 : i32
      %dma_wait3A_169 = tpu.memref_slice %arg2[%dma_wait3A_167, %dma_wait3A_168] : memref<2600000x32xf32, #tpu.memory_space<hbm>> -> memref<2600000x32xf32, #tpu.memory_space<hbm>>
      tpu.wait_indirect_dma semaphore(%arg7 : memref<!tpu.dma_semaphore, #tpu.memory_space<semaphore_mem>>) src(%dma_wait3A_169 : memref<2600000x32xf32, #tpu.memory_space<hbm>>) dst(%dma_wait3A_163 : memref<128x32xf32, #tpu.memory_space<vmem>>)
      %mul3A_170 = arith.constant 128 : i32
      %mul3A_171 = arith.muli %add3A_11, %mul3A_170 : i32
      "tpu.region"() ({
        %run_scoped3A = tpu.sem_alloc : memref<!tpu.dma_semaphore, #tpu.memory_space<semaphore_mem>>
        %dma_start3A_172 = arith.constant 0 : i32
        %dma_start3A_173 = tpu.memref_slice %arg4[%mul3A_171, %dma_start3A_172] : memref<425984x32xf32, #tpu.memory_space<hbm>> -> memref<1024x32xf32, #tpu.memory_space<hbm>>
        %dma_start3A_174 = arith.constant 0 : i32
        %dma_start3A_175 = tpu.memref_slice %arg4[%mul3A_171, %dma_start3A_174] : memref<425984x32xf32, #tpu.memory_space<hbm>> -> memref<1024x32xf32, #tpu.memory_space<hbm>>
        tpu.enqueue_dma source(%arg6 : memref<1024x32xf32, #tpu.memory_space<vmem>>) target(%dma_start3A_175 : memref<1024x32xf32, #tpu.memory_space<hbm>>) target_semaphore(%run_scoped3A : memref<!tpu.dma_semaphore, #tpu.memory_space<semaphore_mem>>)
        %dma_wait3A_176 = arith.constant 0 : i32
        %dma_wait3A_177 = tpu.memref_slice %arg4[%mul3A_171, %dma_wait3A_176] : memref<425984x32xf32, #tpu.memory_space<hbm>> -> memref<1024x32xf32, #tpu.memory_space<hbm>>
        %dma_wait3A_178 = arith.constant 0 : i32
        %dma_wait3A_179 = tpu.memref_slice %arg4[%mul3A_171, %dma_wait3A_178] : memref<425984x32xf32, #tpu.memory_space<hbm>> -> memref<1024x32xf32, #tpu.memory_space<hbm>>
        tpu.wait_dma2 semaphore(%run_scoped3A : memref<!tpu.dma_semaphore, #tpu.memory_space<semaphore_mem>>) src(%arg6 : memref<1024x32xf32, #tpu.memory_space<vmem>>) dst(%dma_wait3A_179 : memref<1024x32xf32, #tpu.memory_space<hbm>>)
        tpu.yield
      }) : () -> ()
    }
    %scan3A_7 = arith.constant 13 : i32
    return
  }
}

module attributes {stable_mosaic.version = 14 : i64} {
  func.func @body(%arg0: i32, %arg1: memref<512x832xf32, #tpu.memory_space<vmem>>, %arg2: memref<832x128xf32, #tpu.memory_space<vmem>>, %arg3: memref<1x128xf32, #tpu.memory_space<vmem>>, %arg4: memref<1x128xf32, #tpu.memory_space<vmem>>, %arg5: memref<1x128xf32, #tpu.memory_space<vmem>>, %arg6: memref<512x128xf32, #tpu.memory_space<vmem>>) attributes {dimension_semantics = [#tpu.dimension_semantics<arbitrary>], iteration_bounds = array<i64: 32>, scalar_prefetch = 0 : i64, scratch_operands = 0 : i64, tpu.core_type = #tpu.core_type<tc>, window_params = [{transform_indices = @transform_0, window_bounds = array<i64: 512, 832>}, {pipeline_mode = #tpu.pipeline_mode<synchronous>, transform_indices = @transform_1, window_bounds = array<i64: 832, 128>}, {pipeline_mode = #tpu.pipeline_mode<synchronous>, transform_indices = @transform_2, window_bounds = array<i64: 1, 128>}, {pipeline_mode = #tpu.pipeline_mode<synchronous>, transform_indices = @transform_3, window_bounds = array<i64: 1, 128>}, {pipeline_mode = #tpu.pipeline_mode<synchronous>, transform_indices = @transform_4, window_bounds = array<i64: 1, 128>}, {transform_indices = @transform_5, window_bounds = array<i64: 512, 128>}]} {
    %get3A = arith.constant 0 : index
    %get3A_0 = arith.constant 0 : index
    %get3A_1 = vector.load %arg1[%get3A, %get3A_0] : memref<512x832xf32, #tpu.memory_space<vmem>>, vector<512x832xf32>
    %get3A_2 = arith.constant 0 : index
    %get3A_3 = arith.constant 0 : index
    %get3A_4 = vector.load %arg2[%get3A_2, %get3A_3] : memref<832x128xf32, #tpu.memory_space<vmem>>, vector<832x128xf32>
    %dot_general3A = arith.constant dense<0.000000e+00> : vector<512x128xf32>
    %dot_general3A_5 = tpu.matmul %get3A_1, %get3A_4, %dot_general3A {dimension_numbers = #tpu.dot_dimension_numbers<[1], [0], [0], [1], [0, 0, 1, 1], [], []>, transpose_lhs_hint = false} : vector<512x832xf32>, vector<832x128xf32>, vector<512x128xf32> -> vector<512x128xf32>
    %get3A_6 = arith.constant 0 : index
    %get3A_7 = arith.constant 0 : index
    %get3A_8 = vector.load %arg3[%get3A_6, %get3A_7] : memref<1x128xf32, #tpu.memory_space<vmem>>, vector<1x128xf32>
    %add3A = vector.broadcast %get3A_8 : vector<1x128xf32> to vector<512x128xf32>
    %add3A_9 = arith.addf %dot_general3A_5, %add3A : vector<512x128xf32>
    %max3A = arith.constant 0.000000e+00 : f32
    %max3A_10 = vector.broadcast %max3A : f32 to vector<512x128xf32>
    %max3A_11 = arith.maximumf %add3A_9, %max3A_10 : vector<512x128xf32>
    %reduce_sum3A = arith.constant dense<0.000000e+00> : vector<512xf32>
    %reduce_sum3A_12 = vector.multi_reduction <add>, %max3A_11, %reduce_sum3A [1] : vector<512x128xf32> to vector<512xf32>
    %broadcast_in_dim3A = vector.shape_cast %reduce_sum3A_12 : vector<512xf32> to vector<512x1xf32>
    %div3A = arith.constant 1.280000e+02 : f32
    %div3A_13 = vector.broadcast %div3A : f32 to vector<512x1xf32>
    %div3A_14 = arith.divf %broadcast_in_dim3A, %div3A_13 : vector<512x1xf32>
    %sub3A = vector.broadcast %div3A_14 : vector<512x1xf32> to vector<512x128xf32>
    %sub3A_15 = arith.subf %max3A_11, %sub3A : vector<512x128xf32>
    %mul3A = arith.mulf %sub3A_15, %sub3A_15 : vector<512x128xf32>
    %reduce_sum3A_16 = arith.constant dense<0.000000e+00> : vector<512xf32>
    %reduce_sum3A_17 = vector.multi_reduction <add>, %mul3A, %reduce_sum3A_16 [1] : vector<512x128xf32> to vector<512xf32>
    %broadcast_in_dim3A_18 = vector.shape_cast %reduce_sum3A_17 : vector<512xf32> to vector<512x1xf32>
    %div3A_19 = arith.constant 1.280000e+02 : f32
    %div3A_20 = vector.broadcast %div3A_19 : f32 to vector<512x1xf32>
    %div3A_21 = arith.divf %broadcast_in_dim3A_18, %div3A_20 : vector<512x1xf32>
    %add3A_22 = arith.constant 9.99999974E-6 : f32
    %add3A_23 = vector.broadcast %add3A_22 : f32 to vector<512x1xf32>
    %add3A_24 = arith.addf %div3A_21, %add3A_23 : vector<512x1xf32>
    %rsqrt3A = math.rsqrt %add3A_24 : vector<512x1xf32>
    %mul3A_25 = vector.broadcast %rsqrt3A : vector<512x1xf32> to vector<512x128xf32>
    %mul3A_26 = arith.mulf %sub3A_15, %mul3A_25 : vector<512x128xf32>
    %get3A_27 = arith.constant 0 : index
    %get3A_28 = arith.constant 0 : index
    %get3A_29 = vector.load %arg4[%get3A_27, %get3A_28] : memref<1x128xf32, #tpu.memory_space<vmem>>, vector<1x128xf32>
    %mul3A_30 = vector.broadcast %get3A_29 : vector<1x128xf32> to vector<512x128xf32>
    %mul3A_31 = arith.mulf %mul3A_26, %mul3A_30 : vector<512x128xf32>
    %get3A_32 = arith.constant 0 : index
    %get3A_33 = arith.constant 0 : index
    %get3A_34 = vector.load %arg5[%get3A_32, %get3A_33] : memref<1x128xf32, #tpu.memory_space<vmem>>, vector<1x128xf32>
    %add3A_35 = vector.broadcast %get3A_34 : vector<1x128xf32> to vector<512x128xf32>
    %add3A_36 = arith.addf %mul3A_31, %add3A_35 : vector<512x128xf32>
    %swap3A = arith.constant 0 : index
    %swap3A_37 = arith.constant 0 : index
    %swap3A_38 = vector.load %arg6[%swap3A, %swap3A_37] : memref<512x128xf32, #tpu.memory_space<vmem>>, vector<512x128xf32>
    tpu.vector_store %arg6[%swap3A, %swap3A_37], %add3A_36 {strides = array<i32>} : memref<512x128xf32, #tpu.memory_space<vmem>>, vector<512x128xf32>,
    return
  }
  func.func @transform_0(%arg0: i32) -> (i32, i32) {
    %c0_i32 = arith.constant 0 : i32
    %c0_i32_0 = arith.constant 0 : i32
    return %arg0, %c0_i32 : i32, i32
  }
  func.func @transform_1(%arg0: i32) -> (i32, i32) {
    %c0_i32 = arith.constant 0 : i32
    %c0_i32_0 = arith.constant 0 : i32
    %c0_i32_1 = arith.constant 0 : i32
    return %c0_i32, %c0_i32_0 : i32, i32
  }
  func.func @transform_2(%arg0: i32) -> (i32, i32) {
    %c0_i32 = arith.constant 0 : i32
    %c0_i32_0 = arith.constant 0 : i32
    %c0_i32_1 = arith.constant 0 : i32
    return %c0_i32, %c0_i32_0 : i32, i32
  }
  func.func @transform_3(%arg0: i32) -> (i32, i32) {
    %c0_i32 = arith.constant 0 : i32
    %c0_i32_0 = arith.constant 0 : i32
    %c0_i32_1 = arith.constant 0 : i32
    return %c0_i32, %c0_i32_0 : i32, i32
  }
  func.func @transform_4(%arg0: i32) -> (i32, i32) {
    %c0_i32 = arith.constant 0 : i32
    %c0_i32_0 = arith.constant 0 : i32
    %c0_i32_1 = arith.constant 0 : i32
    return %c0_i32, %c0_i32_0 : i32, i32
  }
  func.func @transform_5(%arg0: i32) -> (i32, i32) {
    %c0_i32 = arith.constant 0 : i32
    %c0_i32_0 = arith.constant 0 : i32
    return %arg0, %c0_i32 : i32, i32
  }
}

</mosaic_0001>

<sc_bundles>
// kernel: kernel.5.cloned.1.call-start
scs
__scs_entry_jumppad:
0x0: {  	(pc) =	sbr.rel $0x88, $3  }
0x1: {  	(tag) =	ssettag $0x0;
	lr =	simm.s32 $0x1  }
0x2: {  	[smem:$0x3F9B] =	sst lr;
	_ =	strace $0xD0000000  }
0x3: {  	_ = 	snop  }
0x4: {  	_ = 	snop  }
0x5: {  	_ = 	snop  }
0x6: {  	_ = 	snop  }
0x7: {  	_ = 	snop  }
__scs_overlays_trampoline_lowered:
0x8: {  	[smem:$0x3FAA] =	sst s0  }
0x9: {  	[smem:$0x3FAB] =	sst s1  }
0xa: {  	[smem:$0x3FAC] =	sst s2  }
0xb: {  	[smem:$0x3FAD] =	sst s3  }
0xc: {  	[smem:$0x3FAE] =	sst s4  }
0xd: {  	[smem:$0x3FAF] =	sst s5  }
0xe: {  	[smem:$0x3FB0] =	sst s6  }
0xf: {  	[smem:$0x3FB1] =	sst s7  }
0x10: {  	[smem:$0x3FB2] =	sst s8  }
0x11: {  	[smem:$0x3FB3] =	sst s9;
	s0 =	simm.s32 @!p0 $0x0  }
0x12: {  	s1 =	sld [smem:$0x3F99];
	s0 =	simm.s32 @p0 $0x1  }
0x13: {  	[smem:$0x3FB4] =	sst s0;
	s0 =	simm.s32 @!p1 $0x0  }
0x14: {  	s2 =	sld [smem:$0x3F98];
	s0 =	simm.s32 @p1 $0x1  }
0x15: {  	[smem:$0x3FB5] =	sst s0;
	s0 =	simm.s32 @!p2 $0x0  }
0x16: {  	s3 =	sld [smem:$0x3FDB];
	s0 =	simm.s32 @p2 $0x1  }
0x17: {  	s4 =	simm.s32 $0x1BF5;
	[smem:$0x3FB7] =	sst s0  }
0x18: {  	s0 =	sld [smem:$0x3F9A];
	_ =	swait.ge [sflag:s4], $0x0  }
0x19: {  	s7 =	sld [smem:$0x3F9B]  }
0x1a: {  	s8 =	sadd.s32 $0xFFFFE003, lr  }
0x1b: {  	s9 =	sadd.s32 $0xFFFFFEF7, lr;
	s5 =	simm.s32 $0xFFFFFFFF;
	p2 =	slt.u32 s8, $0xFFFFF086  }
0x1c: {  	p1 =	slt.u32 s9, $0xF7A;
	s5 =	simm.s32 @!p2 $0x0  }
0x1d: {  	s5 =	simm.s32 @p1 $0x1;
	p0 =	seq.s32 s7, s2  }
0x1e: {  	s7 =	smul.u32 @!p0 $0xF7A, s2;
	p2 =	seq.s32 @!p0 s5, $0x0  }
0x1f: {  	s9 =	smul.u32 $0xF7A, s1;
	s8 =	simm.s32 @!p0 $0x1BF5;
	p2 =	por !p2, p0  }
0x20: {  	[sflag:s8] =	ssyncset.s32 @!p0 $0xFFFFF086;
	s6 =	sadd.s32 @!p0 s3, s7;
	s7 =	simm.s32 @!p0 $0x108  }
0x21: {  	s3 =	sadd.s32 s3, s9;
	s6 =	sadd.s32 @!p0 $0x88, s6;
	s7 =	simm.s32 @p2 $0x1082  }
0x22: {  	[simem:s7], [sflag:s8] =	dma.local @!p0 [hbm:s6], $0xF7A  }
0x23: {  	s9 =	sor.u32 $0xD0000000, s2;
	s6 =	simm.s32 $0x108;
	_ =	swait.ge @!p0 [sflag:s8], $0x0  }
0x24: {  	s3 =	sadd.s32 $0x88, s3;
	s6 =	simm.s32 @!p1 $0x1082;
	[sflag:s4] =	ssyncset.s32 $0xFFFFF086  }
0x25: {  	[simem:s6], [sflag:s4] =	dma.local [hbm:s3], $0xF7A  }
0x26: {  	[smem:$0x3F9B] =	sst s1;
	(tag) =	ssettag s2;
	_ =	strace s9  }
0x27: {  	s1 =	sld [smem:$0x3FAB]  }
0x28: {  	s2 =	sld [smem:$0x3FAC]  }
0x29: {  	s4 =	sld [smem:$0x3FAE]  }
0x2a: {  	p0 =	seq.s32 s5, $0x0;
	s5 =	sld [smem:$0x3FAF]  }
0x2b: {  	s6 =	sld [smem:$0x3FB0]  }
0x2c: {  	s7 =	sld [smem:$0x3FB1]  }
0x2d: {  	s3 =	simm.s32 $0x108;
	s8 =	sld [smem:$0x3FB2]  }
0x2e: {  	s3 =	simm.s32 @!p0 $0x1082;
	s9 =	sld [smem:$0x3FB3]  }
0x2f: {  	lr =	sadd.s32 s0, s3;
	s0 =	sld [smem:$0x3FAA]  }
0x30: {  	s3 =	sld [smem:$0x3FAD]  }
0x31: {  	[smem:$0x3FB6] =	sst s10  }
0x32: {  	s10 =	sld [smem:$0x3FB4];
	_ =	sdelay $0x3  }
0x33: {  	p0 =	seq.s32 s10, $0x1;
	s10 =	sld [smem:$0x3FB6];
	_ =	sdelay $0x3  }
0x34: {  	[smem:$0x3FB6] =	sst s10  }
0x35: {  	s10 =	sld [smem:$0x3FB5];
	_ =	sdelay $0x3  }
0x36: {  	p1 =	seq.s32 s10, $0x1;
	s10 =	sld [smem:$0x3FB6];
	_ =	sdelay $0x3  }
0x37: {  	[smem:$0x3FB6] =	sst s10  }
0x38: {  	s10 =	sld [smem:$0x3FB7]  }
0x39: {  	_ = 	snop;
	(pc) =	sbr.ind lr, $3  }
0x3a: {  	_ = 	snop  }
0x3b: {  	_ = 	snop  }
0x3c: {  	p2 =	seq.s32 s10, $0x1;
	s10 =	sld [smem:$0x3FB6]  }
0x3d: {  	_ =	shalt  }
0x3e: {  	_ =	shalt  }
0x3f: {  	_ =	shalt  }
0x40: {  	_ =	shalt  }
0x41: {  	_ =	shalt  }
0x42: {  	_ =	shalt  }
0x43: {  	_ =	shalt  }
0x44: {  	_ =	shalt  }
0x45: {  	_ =	shalt  }
0x46: {  	_ =	shalt  }
0x47: {  	_ =	shalt  }
0x48: {  	_ =	shalt  }
0x49: {  	_ =	shalt  }
0x4a: {  	_ =	shalt  }
0x4b: {  	_ =	shalt  }
0x4c: {  	_ =	shalt  }
0x4d: {  	_ =	shalt  }
0x4e: {  	_ =	shalt  }
0x4f: {  	_ =	shalt  }
0x50: {  	_ =	shalt  }
0x51: {  	_ =	shalt  }
0x52: {  	_ =	shalt  }
0x53: {  	_ =	shalt  }
0x54: {  	_ =	shalt  }
0x55: {  	_ =	shalt  }
0x56: {  	_ =	shalt  }
0x57: {  	_ =	shalt  }
0x58: {  	_ =	shalt  }
0x59: {  	_ =	shalt  }
0x5a: {  	_ =	shalt  }
0x5b: {  	_ =	shalt  }
0x5c: {  	_ =	shalt  }
0x5d: {  	_ =	shalt  }
0x5e: {  	_ =	shalt  }
0x5f: {  	_ =	shalt  }
0x60: {  	_ =	shalt  }
0x61: {  	_ =	shalt  }
0x62: {  	_ =	shalt  }
0x63: {  	_ =	shalt  }
0x64: {  	_ =	shalt  }
0x65: {  	_ =	shalt  }
0x66: {  	_ =	shalt  }
0x67: {  	_ =	shalt  }
0x68: {  	_ =	shalt  }
0x69: {  	_ =	shalt  }
0x6a: {  	_ =	shalt  }
0x6b: {  	_ =	shalt  }
0x6c: {  	_ =	shalt  }
0x6d: {  	_ =	shalt  }
0x6e: {  	_ =	shalt  }
0x6f: {  	_ =	shalt  }
0x70: {  	_ =	shalt  }
0x71: {  	_ =	shalt  }
0x72: {  	_ =	shalt  }
0x73: {  	_ =	shalt  }
0x74: {  	_ =	shalt  }
0x75: {  	_ =	shalt  }
0x76: {  	_ =	shalt  }
0x77: {  	_ =	shalt  }
0x78: {  	_ =	shalt  }
0x79: {  	_ =	shalt  }
0x7a: {  	_ =	shalt  }
0x7b: {  	_ =	shalt  }
0x7c: {  	_ =	shalt  }
0x7d: {  	_ =	shalt  }
0x7e: {  	_ =	shalt  }
0x7f: {  	_ =	shalt  }
0x80: {  	_ =	shalt  }
0x81: {  	_ =	shalt  }
0x82: {  	_ =	shalt  }
0x83: {  	_ =	shalt  }
0x84: {  	_ =	shalt  }
0x85: {  	_ =	shalt  }
0x86: {  	_ =	shalt  }
0x87: {  	_ =	shalt  }
.Lfunc_end0:
.L_simem_size_0:
called_computation_lowered:
.L_overlay_start_0:
0x88: {  	s2 =	sld [smem:$0x3FD9]  }
0x89: {  	s3 =	sld [smem:$0x3FFE];
	_ =	sdelay $0x1  }
0x8a: {  	s1 =	srdreg.scid  }
0x8b: {  	s0 =	sand.u32 $0x1, s1  }
0x8c: {  	s16 =	sshll.u32 s0, $0xA;
	s2 =	sadd.s32 s3, s2  }
0x8d: {  	s2 =	sadd.s32 s2, s16  }
0x8e: {  	[smem:$0x3FC2] =	sst s2  }
0x8f: {  	_ = 	snop  }
0x90: {  	(tm) =	ssettm $0x1  }
0x91: {  	s17 =	sld [smem:$0x3FFB];
	_ =	sdelay $0x3  }
0x92: {  	_ =	strace s17  }
0x93: {  	s2 =	sld [smem:$0x3FFC];
	_ =	sdelay $0x3  }
0x94: {  	_ =	strace s2  }
0x95: {  	s2 =	sld [smem:$0x3FFD];
	_ =	sdelay $0x3  }
0x96: {  	_ =	strace s2  }
0x97: {  	_ =	strace $0x8FFFFFFF  }
0x98: {  	s18 =	sld [smem:$0x3FDB];
	_ =	sdelay $0x1  }
0x99: {  	s19 =	simm.s32 $_scs_section_size  }
0x9a: {  	s4 =	simm.s32 $_size__tile_overlayer_lowered;
	s5 =	simm.s32 $_tile_overlayer_lowered  }
0x9b: {  	s22 =	simm.s32 $0x1BFF;
	s21 =	sshll.u32 s5, $0x1;
	s2 =	sadd.s32 s19, s18  }
0x9c: {  	s6 =	simm.s32 $0x0;
	s20 =	sshll.u32 s4, $0x1;
	s4 =	sadd.s32 s21, s2  }
0x9d: {  	[timem:s6], [sflag:s22] =	dma.local [hbm:s4], s20  }
0x9e: {  	_ =	swait.ge [sflag:s22], s20  }
0x9f: {  	s3 =	ssub.s32 $0x0, s20;
	[sflag:s22] =	ssyncset.done $0x0  }
0xa0: {  	[sflag:s22] =	ssyncadd.s32 s3;
	_ =	sdelay $0x1  }
0xa1: {  	s23 =	simm.s32 $0x1B8B  }
0xa2: {  	_ =	swait.ge [sflag:s23], $0x1  }
0xa3: {  	[sflag:s23] =	ssyncset.done $0x0  }
0xa4: {  	s25 =	simm.s32 $0x1B8E;
	s24 =	sld [smem:$0x3FFE];
	[sflag:s23] =	ssyncadd.s32 $0xFFFFFFFF  }
0xa5: {  	s26 =	simm.s32 $execute0_lowered;
	[smem:$0x3FD2] =	sst s25  }
0xa6: {  	s4 =	sshll.u32 s26, $0x1;
	_ =	strace $0x80000046;
	[dreg:$0x1] =	wrdreg $0xFFFFFFFF  }
0xa7: {  	s28 =	simm.s32 $_size_execute0_lowered;
	s2 =	sadd.s32 s2, s4;
	[dreg:$0x0] =	wrdreg $0x0  }
0xa8: {  	s4 =	sshll.u32 s28, $0x1;
	[dreg:$0x2] =	wrdreg s2  }
0xa9: {  	[dreg:$0x3] =	wrdreg s4  }
0xaa: {  	[dreg:$0x4] =	wrdreg $0xC0  }
0xab: {  	_ =	task [dreg:s6], $0x5FFFF  }
0xac: {  	[dreg:$0x1] =	wrdreg $0xFFFFFFFF  }
0xad: {  	[dreg:$0x0] =	wrdreg $0x60  }
0xae: {  	[dreg:$0x2] =	wrdreg s24  }
0xaf: {  	[dreg:$0x3] =	wrdreg $0x9  }
0xb0: {  	_ =	task.clear_ibuf [dreg:s6], $0x4FFFF;
	_ =	strace $0x90000046  }
0xb1: {  	s29 =	simm.s32 $0x9;
	_ =	strace $0x80000048  }
0xb2: {  	_ =	swait.ge [sflag:s29], $0x1  }
0xb3: {  	[sflag:s29] =	ssyncadd.s32 $0xFFFFFFFF  }
0xb4: {  	_ =	strace $0x90000048  }
0xb5: {  	_ =	sfence  }
0xb6: {  	s30 =	sld [smem:$0x0];
	_ =	sdelay $0x2  }
0xb7: {  	s31 =	sshll.u32 s1, $0xD;
	s1 =	sshrl.u32 s1, $0x2  }
0xb8: {  	s3 =	sand.u32 $0x4000, s31;
	s1 =	sadd.s32 s1, s30  }
0xb9: {  	s0 =	sor.u32 s3, s0;
	s1 =	sshll.u32 s1, $0x11  }
0xba: {  	s0 =	sor.u32 s1, s0  }
0xbb: {  	s0 =	sadd.s32 $0x8F2B, s0  }
0xbc: {  	[sflag:s0] =	ssyncadd.remote.s32 $0x1  }
0xbd: {  	_ =	sfence.sel $0xFFFF  }
0xbe: {  	[dreg:$0x0] =	wrdreg $0xFFFFFFFF;
	(pc) =	sbr.abs _section_cstart, $3  }
0xbf: {  	[dreg:$0x1] =	wrdreg $0xFFFFFFFF  }
0xc0: {  	_ =	task.clear_ibuf [dreg:s6], $0x2FFFF;
	_ =	strace $0x9FFFFFFF  }
0xc1: {  	(tm) =	ssettm $0x7FFFFFFF  }
tec
execute0_lowered:
.L_overlay_start_1:
0x0: {  	(tag) =	ssettag $0x1  }
0x1: {  	s0 =	rddreg [dreg:$0x0];
	s2 =	srdreg.scid;
	s1 =	simm.s32 $0x0  }
0x2: {  	s6 =	stileid.u32;
	s8 =	simm.s32 $0x2;
	s25 =	simm.s32 $0x4400  }
0x3: {  	s28 =	simm.s32 $0x4C00;
	s29 =	simm.s32 $0x5000;
	s30 =	simm.s32 $0x5400  }
0x4: {  	s31 =	simm.s32 $0x5800;
	s7 =	simm.s32 $0x6400;
	s9 =	simm.s32 $0x6800  }
0x5: {  	s10 =	simm.s32 $0x6C00;
	s11 =	simm.s32 $0x7000;
	s12 =	simm.s32 $0x7400  }
0x6: {  	s13 =	simm.s32 $0x7800;
	s14 =	simm.s32 $0x7C00;
	s2 =	sand.u32 $0x1, s2  }
.Ltmp0:
0x7: {  	s16 =	simm.s32 $0x0;
	s3 =	ssub.s32 $0x2, s2;
	(pc) =	sbr.rel .LBB2_1-.Ltmp0, $4  }
0x8: {  	v0 =	vlaneseq.u32;
	[smem:$0x7FF] =	sst s1;
	s4 =	sadd.s32 $0x1200, s0;
	s5 =	sshrl.u32 s3, $0x1  }
0x9: {  	s6 =	sshll.u32 s6, $0x1;
	v0 =	vmul.u32 $0x400, v0;
	_ =	strace $0x80000047;
	s3 =	ssub.s32 s3, s5  }
0xa: {  	s5 =	sadd.s32 $0x9EC400, s0;
	s0 =	simm.s32 $0x5C00;
	s26 =	smax.u32 s3, $0x1  }
0xb: {  	v1 =	vor.u32 $0x4000, v0;
	s3 =	simm.s32 $0x6000;
	[dreg:$0x2] =	wrdreg s26;
	s26 =	simm.s32 $0x4800  }
.LBB2_10:
0xc: {  	s16 =	rddreg [dreg:$0x3]  }
0xd: {  	s15 =	rddreg [dreg:$0x2];
	s16 =	sadd.s32 $0x1, s16  }
0xe: {  	p0 =	sne.s32 s16, s15  }
.Ltmp1:
0xf: {  	_ = 	snop;
	(pc) =	sbr.rel @!p0 .LBB2_11-.Ltmp1, $1  }
0x10: {  	_ =	sdelay $0x3  }
.LBB2_1:
.Ltmp2:
0x11: {  	(pc) =	sbr.rel .LBB2_2-.Ltmp2, $2  }
0x12: {  	_ =	sdelay $0x2  }
0x13: {  	[dreg:$0x3] =	wrdreg s16;
	s15 =	simm.s32 $0x0  }
.LBB2_8:
0x14: {  	_ =	sdelay $0x1  }
0x15: {  	[tilespmem:s19+$0xFFFFFFC0] =	vst v6  }
0x16: {  	[tilespmem:s19+$0xFFFFFFD0] =	vst v5  }
0x17: {  	v60 =	vld.idx.msk [tilespmem:v13+s1+$0x0], $0xffff;
	v61 =	vadd.s32 s21, v1;
	[tilespmem:s19+$0xFFFFFFE0] =	vst v3  }
0x18: {  	v9 =	vld.idx.msk [tilespmem:v9+s1+$0x0], $0xffff;
	[tilespmem:s19+$0xFFFFFFF0] =	vst v4  }
0x19: {  	v3 =	vld.idx.msk [tilespmem:v11+s1+$0x0], $0xffff;
	[tilespmem:s19+$0x0] =	vst v7  }
0x1a: {  	v62 =	vld.idx.msk [tilespmem:v12+s1+$0x0], $0xffff;
	[tilespmem:s19+$0x10] =	vst v8  }
0x1b: {  	v63 =	vld.idx.msk [tilespmem:v10+s1+$0x0], $0xffff;
	[tilespmem:s19+$0x60] =	vst v2  }
0x1c: {  	[tilespmem:s19+$0x20] =	vst v60;
	v5 =	vld.idx.msk [tilespmem:v61+s1+$0x0], $0xffff  }
0x1d: {  	s17 =	smul.u32 $0x186A0, s17;
	[tilespmem:s19+$0x30] =	vst v9  }
0x1e: {  	[tilespmem:s19+$0x40] =	vst v3  }
0x1f: {  	s17 =	sadd.s32 s18, s17;
	[tilespmem:s19+$0x50] =	vst v62  }
0x20: {  	p0 =	slt.u32 s16, $0x61;
	s16 =	sshll.u32 s17, $0x2;
	[tilespmem:s19+$0xFFFFFF80] =	vst v63  }
0x21: {  	s18 =	simm.s32 @p0 $0x0;
	s17 =	sadd.s32 @p0 s5, s16;
	[tilespmem:s19+$0xFFFFFF90] =	vst v5;
	s19 =	simm.s32 @p0 $0x8000  }
0x22: {  	[hbm4b:s17+s18] =	stream.linear.scatter @p0 [tilespmem:s19], [sflag:$0x2], $0x8000, $0x38;
	[tilespmem:$0x10000] =	vst v63  }
0x23: {  	s17 =	simm.s32 @p0 $0x2  }
0x24: {  	_ =	swait.ge @p0 [sflag:s17], $0x8000  }
0x25: {  	s16 =	sadd.s32 @!p0 s5, s16;
	[sflag:s17] =	ssyncset.done @p0 $0x0  }
0x26: {  	s18 =	simm.s32 @!p0 $0x8000;
	[sflag:s17] =	ssyncadd.s32 @p0 $0xFFFF8000;
	s17 =	simm.s32 @!p0 $0x0  }
0x27: {  	[hbm4b:s16+s17] =	stream.linear.scatter @!p0 [tilespmem:s18], [sflag:$0x1], $0x5400, $0x38;
	[tilespmem:$0x10000] =	vst v63  }
0x28: {  	s16 =	simm.s32 @!p0 $0x1  }
0x29: {  	_ =	swait.ge @!p0 [sflag:s16], $0x5400  }
0x2a: {  	[sflag:s16] =	ssyncset.done @!p0 $0x0  }
0x2b: {  	[sflag:s16] =	ssyncadd.s32 @!p0 $0xFFFFAC00  }
.LBB2_9:
0x2c: {  	s15 =	sadd.s32 $0x1, s15  }
0x2d: {  	p0 =	sne.s32 s15, $0x50  }
.Ltmp3:
0x2e: {  	_ = 	snop;
	(pc) =	sbr.rel @!p0 .LBB2_10-.Ltmp3, $1  }
0x2f: {  	_ =	sdelay $0x3  }
.LBB2_2:
0x30: {  	s16 =	sshll.u32 s15, $0x5  }
0x31: {  	s16 =	sor.u32 s6, s16  }
0x32: {  	p0 =	sgt.u32 s16, $0x9F3  }
.Ltmp4:
0x33: {  	_ = 	snop;
	(pc) =	sbr.rel @p0 .LBB2_9-.Ltmp4, $1  }
0x34: {  	_ =	sdelay $0x3  }
0x35: {  	s17 =	sor.u32 s2, s16  }
0x36: {  	s18 =	smulhi.u32 $0x5397829D, s17;
	_ =	sdelay $0x1  }
0x37: {  	s18 =	sshrl.u32 s18, $0x5  }
0x38: {  	s24 =	sand.u32 $0xFFFE, s16;
	s18 =	smul.u32 $0x62, s18  }
0x39: {  	s16 =	sshrl.u32 s24, $0x1  }
0x3a: {  	s19 =	smul.u32 $0xA73, s16;
	s16 =	ssub.s32 s17, s18  }
0x3b: {  	p0 =	sgt.u32 s16, $0x60  }
.Ltmp5:
0x3c: {  	_ = 	snop;
	(pc) =	sbr.rel @p0 .LBB2_5-.Ltmp5, $3  }
0x3d: {  	_ =	sdelay $0x1  }
0x3e: {  	s17 =	sshrl.u32 s19, $0x11  }
0x3f: {  	s18 =	sshll.u32 s16, $0xA;
	s19 =	smul.u32 $0x30D400, s17  }
0x40: {  	_ = 	snop  }
0x41: {  	s19 =	sadd.s32 s18, s19  }
0x42: {  	s19 =	sshrl.u32 s19, $0x3  }
0x43: {  	s19 =	sadd.s32 s4, s19  }
0x44: {  	[tilespmem:s1], [sflag:$0x2] =	stream.linear.gather [hbm4b:s19+s1], $0x400, $0x38;
	[tilespmem:$0x10000] =	vst v63  }
0x45: {  	_ =	swait.ge [sflag:s8], $0x400  }
0x46: {  	[sflag:s8] =	ssyncset.done $0x0  }
0x47: {  	s21 =	simm.s32 $0x400;
	s20 =	sadd.s32 $0x30D4, s19;
	[sflag:s8] =	ssyncadd.s32 $0xFFFFFC00  }
0x48: {  	[tilespmem:s21], [sflag:$0x2] =	stream.linear.gather [hbm4b:s20+s1], $0x400, $0x38;
	[tilespmem:$0x10000] =	vst v63  }
0x49: {  	_ =	swait.ge [sflag:s8], $0x400  }
0x4a: {  	[sflag:s8] =	ssyncset.done $0x0  }
0x4b: {  	s22 =	simm.s32 $0x800;
	s21 =	sadd.s32 $0x61A8, s19;
	[sflag:s8] =	ssyncadd.s32 $0xFFFFFC00  }
0x4c: {  	[tilespmem:s22], [sflag:$0x2] =	stream.linear.gather [hbm4b:s21+s1], $0x400, $0x38;
	[tilespmem:$0x10000] =	vst v63  }
0x4d: {  	_ =	swait.ge [sflag:s8], $0x400  }
0x4e: {  	[sflag:s8] =	ssyncset.done $0x0  }
0x4f: {  	s24 =	simm.s32 $0xC00;
	s23 =	sadd.s32 $0x927C, s19;
	[sflag:s8] =	ssyncadd.s32 $0xFFFFFC00  }
0x50: {  	[tilespmem:s24], [sflag:$0x2] =	stream.linear.gather [hbm4b:s23+s1], $0x400, $0x38;
	[tilespmem:$0x10000] =	vst v63  }
0x51: {  	_ =	swait.ge [sflag:s8], $0x400  }
0x52: {  	[sflag:s8] =	ssyncset.done $0x0  }
0x53: {  	s21 =	sadd.s32 $0xC350, s19;
	s22 =	simm.s32 $0x1000;
	[sflag:s8] =	ssyncadd.s32 $0xFFFFFC00  }
0x54: {  	[tilespmem:s22], [sflag:$0x2] =	stream.linear.gather [hbm4b:s21+s1], $0x400, $0x38;
	[tilespmem:$0x10000] =	vst v63  }
0x55: {  	_ =	swait.ge [sflag:s8], $0x400  }
0x56: {  	[sflag:s8] =	ssyncset.done $0x0  }
0x57: {  	s23 =	sadd.s32 $0xF424, s19;
	s24 =	simm.s32 $0x1400;
	[sflag:s8] =	ssyncadd.s32 $0xFFFFFC00  }
0x58: {  	[tilespmem:s24], [sflag:$0x2] =	stream.linear.gather [hbm4b:s23+s1], $0x400, $0x38;
	[tilespmem:$0x10000] =	vst v63  }
0x59: {  	_ =	swait.ge [sflag:s8], $0x400  }
0x5a: {  	[sflag:s8] =	ssyncset.done $0x0  }
0x5b: {  	s21 =	sadd.s32 $0x124F8, s19;
	s22 =	simm.s32 $0x1800;
	[sflag:s8] =	ssyncadd.s32 $0xFFFFFC00  }
0x5c: {  	[tilespmem:s22], [sflag:$0x2] =	stream.linear.gather [hbm4b:s21+s1], $0x400, $0x38;
	[tilespmem:$0x10000] =	vst v63  }
0x5d: {  	_ =	swait.ge [sflag:s8], $0x400  }
0x5e: {  	[sflag:s8] =	ssyncset.done $0x0  }
0x5f: {  	s23 =	sadd.s32 $0x155CC, s19;
	s24 =	simm.s32 $0x1C00;
	[sflag:s8] =	ssyncadd.s32 $0xFFFFFC00  }
0x60: {  	[tilespmem:s24], [sflag:$0x2] =	stream.linear.gather [hbm4b:s23+s1], $0x400, $0x38;
	[tilespmem:$0x10000] =	vst v63  }
0x61: {  	_ =	swait.ge [sflag:s8], $0x400  }
0x62: {  	[sflag:s8] =	ssyncset.done $0x0  }
0x63: {  	s21 =	sadd.s32 $0x186A0, s19;
	s22 =	simm.s32 $0x2000;
	[sflag:s8] =	ssyncadd.s32 $0xFFFFFC00  }
0x64: {  	[tilespmem:s22], [sflag:$0x2] =	stream.linear.gather [hbm4b:s21+s1], $0x400, $0x38;
	[tilespmem:$0x10000] =	vst v63  }
0x65: {  	_ =	swait.ge [sflag:s8], $0x400  }
0x66: {  	[sflag:s8] =	ssyncset.done $0x0  }
0x67: {  	s23 =	sadd.s32 $0x1B774, s19;
	s24 =	simm.s32 $0x2400;
	[sflag:s8] =	ssyncadd.s32 $0xFFFFFC00  }
0x68: {  	[tilespmem:s24], [sflag:$0x2] =	stream.linear.gather [hbm4b:s23+s1], $0x400, $0x38;
	[tilespmem:$0x10000] =	vst v63  }
0x69: {  	_ =	swait.ge [sflag:s8], $0x400  }
0x6a: {  	[sflag:s8] =	ssyncset.done $0x0  }
0x6b: {  	s21 =	sadd.s32 $0x1E848, s19;
	s22 =	simm.s32 $0x2800;
	[sflag:s8] =	ssyncadd.s32 $0xFFFFFC00  }
0x6c: {  	[tilespmem:s22], [sflag:$0x2] =	stream.linear.gather [hbm4b:s21+s1], $0x400, $0x38;
	[tilespmem:$0x10000] =	vst v63  }
0x6d: {  	_ =	swait.ge [sflag:s8], $0x400  }
0x6e: {  	[sflag:s8] =	ssyncset.done $0x0  }
0x6f: {  	s23 =	sadd.s32 $0x2191C, s19;
	s24 =	simm.s32 $0x2C00;
	[sflag:s8] =	ssyncadd.s32 $0xFFFFFC00  }
0x70: {  	[tilespmem:s24], [sflag:$0x2] =	stream.linear.gather [hbm4b:s23+s1], $0x400, $0x38;
	[tilespmem:$0x10000] =	vst v63  }
0x71: {  	_ =	swait.ge [sflag:s8], $0x400  }
0x72: {  	[sflag:s8] =	ssyncset.done $0x0  }
0x73: {  	s21 =	sadd.s32 $0x249F0, s19;
	s22 =	simm.s32 $0x3000;
	[sflag:s8] =	ssyncadd.s32 $0xFFFFFC00  }
0x74: {  	[tilespmem:s22], [sflag:$0x2] =	stream.linear.gather [hbm4b:s21+s1], $0x400, $0x38;
	[tilespmem:$0x10000] =	vst v63  }
0x75: {  	_ =	swait.ge [sflag:s8], $0x400  }
0x76: {  	[sflag:s8] =	ssyncset.done $0x0  }
0x77: {  	s23 =	sadd.s32 $0x27AC4, s19;
	s24 =	simm.s32 $0x3400;
	[sflag:s8] =	ssyncadd.s32 $0xFFFFFC00  }
0x78: {  	[tilespmem:s24], [sflag:$0x2] =	stream.linear.gather [hbm4b:s23+s1], $0x400, $0x38;
	[tilespmem:$0x10000] =	vst v63  }
0x79: {  	_ =	swait.ge [sflag:s8], $0x400  }
0x7a: {  	[sflag:s8] =	ssyncset.done $0x0  }
0x7b: {  	s21 =	sadd.s32 $0x2AB98, s19;
	s22 =	simm.s32 $0x3800;
	[sflag:s8] =	ssyncadd.s32 $0xFFFFFC00  }
0x7c: {  	[tilespmem:s22], [sflag:$0x2] =	stream.linear.gather [hbm4b:s21+s1], $0x400, $0x38;
	[tilespmem:$0x10000] =	vst v63  }
0x7d: {  	_ =	swait.ge [sflag:s8], $0x400  }
0x7e: {  	[sflag:s8] =	ssyncset.done $0x0  }
0x7f: {  	s23 =	sadd.s32 $0x2DC6C, s19;
	s24 =	simm.s32 $0x3C00;
	[sflag:s8] =	ssyncadd.s32 $0xFFFFFC00  }
0x80: {  	[tilespmem:s24], [sflag:$0x2] =	stream.linear.gather [hbm4b:s23+s1], $0x400, $0x38;
	[tilespmem:$0x10000] =	vst v63  }
0x81: {  	_ =	swait.ge [sflag:s8], $0x400  }
0x82: {  	[sflag:s8] =	ssyncset.done $0x0  }
0x83: {  	s21 =	sadd.s32 $0x30D40, s19;
	s22 =	simm.s32 $0x4000;
	[sflag:s8] =	ssyncadd.s32 $0xFFFFFC00  }
0x84: {  	[tilespmem:s22], [sflag:$0x2] =	stream.linear.gather [hbm4b:s21+s1], $0x400, $0x38;
	[tilespmem:$0x10000] =	vst v63  }
0x85: {  	_ =	swait.ge [sflag:s8], $0x400  }
0x86: {  	[sflag:s8] =	ssyncset.done $0x0  }
0x87: {  	s23 =	sadd.s32 $0x33E14, s19;
	[sflag:s8] =	ssyncadd.s32 $0xFFFFFC00  }
0x88: {  	[tilespmem:s25], [sflag:$0x2] =	stream.linear.gather [hbm4b:s23+s1], $0x400, $0x38;
	[tilespmem:$0x10000] =	vst v63  }
0x89: {  	_ =	swait.ge [sflag:s8], $0x400  }
0x8a: {  	[sflag:s8] =	ssyncset.done $0x0  }
0x8b: {  	s24 =	sadd.s32 $0x36EE8, s19;
	[sflag:s8] =	ssyncadd.s32 $0xFFFFFC00  }
0x8c: {  	[tilespmem:s26], [sflag:$0x2] =	stream.linear.gather [hbm4b:s24+s1], $0x400, $0x38;
	[tilespmem:$0x10000] =	vst v63  }
0x8d: {  	_ =	swait.ge [sflag:s8], $0x400  }
0x8e: {  	[sflag:s8] =	ssyncset.done $0x0  }
0x8f: {  	s21 =	sadd.s32 $0x39FBC, s19;
	[sflag:s8] =	ssyncadd.s32 $0xFFFFFC00  }
0x90: {  	[tilespmem:s28], [sflag:$0x2] =	stream.linear.gather [hbm4b:s21+s1], $0x400, $0x38;
	[tilespmem:$0x10000] =	vst v63  }
0x91: {  	_ =	swait.ge [sflag:s8], $0x400  }
0x92: {  	[sflag:s8] =	ssyncset.done $0x0  }
0x93: {  	s22 =	sadd.s32 $0x3D090, s19;
	[sflag:s8] =	ssyncadd.s32 $0xFFFFFC00  }
0x94: {  	[tilespmem:s29], [sflag:$0x2] =	stream.linear.gather [hbm4b:s22+s1], $0x400, $0x38;
	[tilespmem:$0x10000] =	vst v63  }
0x95: {  	_ =	swait.ge [sflag:s8], $0x400  }
0x96: {  	[sflag:s8] =	ssyncset.done $0x0  }
0x97: {  	s23 =	sadd.s32 $0x40164, s19;
	[sflag:s8] =	ssyncadd.s32 $0xFFFFFC00  }
0x98: {  	[tilespmem:s30], [sflag:$0x2] =	stream.linear.gather [hbm4b:s23+s1], $0x400, $0x38;
	[tilespmem:$0x10000] =	vst v63  }
0x99: {  	_ =	swait.ge [sflag:s8], $0x400  }
0x9a: {  	[sflag:s8] =	ssyncset.done $0x0  }
0x9b: {  	s24 =	sadd.s32 $0x43238, s19;
	[sflag:s8] =	ssyncadd.s32 $0xFFFFFC00  }
0x9c: {  	[tilespmem:s31], [sflag:$0x2] =	stream.linear.gather [hbm4b:s24+s1], $0x400, $0x38;
	[tilespmem:$0x10000] =	vst v63  }
0x9d: {  	_ =	swait.ge [sflag:s8], $0x400  }
0x9e: {  	[sflag:s8] =	ssyncset.done $0x0  }
0x9f: {  	s21 =	sadd.s32 $0x4630C, s19;
	[sflag:s8] =	ssyncadd.s32 $0xFFFFFC00  }
0xa0: {  	[tilespmem:s0], [sflag:$0x2] =	stream.linear.gather [hbm4b:s21+s1], $0x400, $0x38;
	[tilespmem:$0x10000] =	vst v63  }
0xa1: {  	_ =	swait.ge [sflag:s8], $0x400  }
0xa2: {  	[sflag:s8] =	ssyncset.done $0x0  }
0xa3: {  	s22 =	sadd.s32 $0x493E0, s19;
	[sflag:s8] =	ssyncadd.s32 $0xFFFFFC00  }
0xa4: {  	[tilespmem:s3], [sflag:$0x2] =	stream.linear.gather [hbm4b:s22+s1], $0x400, $0x38;
	[tilespmem:$0x10000] =	vst v63  }
0xa5: {  	_ =	swait.ge [sflag:s8], $0x400  }
0xa6: {  	[sflag:s8] =	ssyncset.done $0x0  }
0xa7: {  	s23 =	sadd.s32 $0x4C4B4, s19;
	[sflag:s8] =	ssyncadd.s32 $0xFFFFFC00  }
0xa8: {  	[tilespmem:s7], [sflag:$0x2] =	stream.linear.gather [hbm4b:s23+s1], $0x400, $0x38;
	[tilespmem:$0x10000] =	vst v63  }
0xa9: {  	_ =	swait.ge [sflag:s8], $0x400  }
0xaa: {  	[sflag:s8] =	ssyncset.done $0x0  }
0xab: {  	s24 =	sadd.s32 $0x4F588, s19;
	[sflag:s8] =	ssyncadd.s32 $0xFFFFFC00  }
0xac: {  	[tilespmem:s9], [sflag:$0x2] =	stream.linear.gather [hbm4b:s24+s1], $0x400, $0x38;
	[tilespmem:$0x10000] =	vst v63  }
0xad: {  	_ =	swait.ge [sflag:s8], $0x400  }
0xae: {  	[sflag:s8] =	ssyncset.done $0x0  }
0xaf: {  	s21 =	sadd.s32 $0x5265C, s19;
	[sflag:s8] =	ssyncadd.s32 $0xFFFFFC00  }
0xb0: {  	[tilespmem:s10], [sflag:$0x2] =	stream.linear.gather [hbm4b:s21+s1], $0x400, $0x38;
	[tilespmem:$0x10000] =	vst v63  }
0xb1: {  	_ =	swait.ge [sflag:s8], $0x400  }
0xb2: {  	[sflag:s8] =	ssyncset.done $0x0  }
0xb3: {  	s22 =	sadd.s32 $0x55730, s19;
	[sflag:s8] =	ssyncadd.s32 $0xFFFFFC00  }
0xb4: {  	[tilespmem:s11], [sflag:$0x2] =	stream.linear.gather [hbm4b:s22+s1], $0x400, $0x38;
	[tilespmem:$0x10000] =	vst v63  }
0xb5: {  	_ =	swait.ge [sflag:s8], $0x400  }
0xb6: {  	[sflag:s8] =	ssyncset.done $0x0  }
0xb7: {  	s23 =	sadd.s32 $0x58804, s19;
	[sflag:s8] =	ssyncadd.s32 $0xFFFFFC00  }
0xb8: {  	[tilespmem:s12], [sflag:$0x2] =	stream.linear.gather [hbm4b:s23+s1], $0x400, $0x38;
	[tilespmem:$0x10000] =	vst v63  }
0xb9: {  	_ =	swait.ge [sflag:s8], $0x400  }
0xba: {  	[sflag:s8] =	ssyncset.done $0x0  }
0xbb: {  	s24 =	sadd.s32 $0x5B8D8, s19;
	[sflag:s8] =	ssyncadd.s32 $0xFFFFFC00  }
0xbc: {  	[tilespmem:s13], [sflag:$0x2] =	stream.linear.gather [hbm4b:s24+s1], $0x400, $0x38;
	[tilespmem:$0x10000] =	vst v63  }
0xbd: {  	_ =	swait.ge [sflag:s8], $0x400  }
0xbe: {  	[sflag:s8] =	ssyncset.done $0x0  }
.Ltmp6:
0xbf: {  	s19 =	sadd.s32 $0x5E9AC, s19;
	[sflag:s8] =	ssyncadd.s32 $0xFFFFFC00;
	(pc) =	sbr.rel .LBB2_6-.Ltmp6, $4  }
0xc0: {  	[tilespmem:s14], [sflag:$0x2] =	stream.linear.gather [hbm4b:s19+s1], $0x400, $0x38;
	[tilespmem:$0x10000] =	vst v63  }
0xc1: {  	_ =	swait.ge [sflag:s8], $0x400  }
0xc2: {  	[sflag:s8] =	ssyncset.done $0x0  }
0xc3: {  	[sflag:s8] =	ssyncadd.s32 $0xFFFFFC00  }
.LBB2_5:
0xc4: {  	_ = 	snop  }
0xc5: {  	s19 =	sshrl.u32 s19, $0x3  }
0xc6: {  	s19 =	sadd.s32 s4, s19  }
0xc7: {  	s20 =	sadd.s32 $0x3080, s19  }
0xc8: {  	[tilespmem:s1], [sflag:$0x2] =	stream.linear.gather [hbm4b:s20+s1], $0x2A0, $0x38;
	[tilespmem:$0x10000] =	vst v63  }
0xc9: {  	_ =	swait.ge [sflag:s8], $0x2A0  }
0xca: {  	[sflag:s8] =	ssyncset.done $0x0  }
0xcb: {  	s21 =	simm.s32 $0x400;
	s24 =	sadd.s32 $0x6154, s19;
	[sflag:s8] =	ssyncadd.s32 $0xFFFFFD60  }
0xcc: {  	[tilespmem:s21], [sflag:$0x2] =	stream.linear.gather [hbm4b:s24+s1], $0x2A0, $0x38;
	[tilespmem:$0x10000] =	vst v63  }
0xcd: {  	_ =	swait.ge [sflag:s8], $0x2A0  }
0xce: {  	[sflag:s8] =	ssyncset.done $0x0  }
0xcf: {  	s22 =	simm.s32 $0x800;
	s21 =	sadd.s32 $0x9228, s19;
	[sflag:s8] =	ssyncadd.s32 $0xFFFFFD60  }
0xd0: {  	[tilespmem:s22], [sflag:$0x2] =	stream.linear.gather [hbm4b:s21+s1], $0x2A0, $0x38;
	[tilespmem:$0x10000] =	vst v63  }
0xd1: {  	_ =	swait.ge [sflag:s8], $0x2A0  }
0xd2: {  	[sflag:s8] =	ssyncset.done $0x0  }
0xd3: {  	s23 =	sadd.s32 $0xC2FC, s19;
	s24 =	simm.s32 $0xC00;
	[sflag:s8] =	ssyncadd.s32 $0xFFFFFD60  }
0xd4: {  	[tilespmem:s24], [sflag:$0x2] =	stream.linear.gather [hbm4b:s23+s1], $0x2A0, $0x38;
	[tilespmem:$0x10000] =	vst v63  }
0xd5: {  	_ =	swait.ge [sflag:s8], $0x2A0  }
0xd6: {  	[sflag:s8] =	ssyncset.done $0x0  }
0xd7: {  	s21 =	sadd.s32 $0xF3D0, s19;
	s22 =	simm.s32 $0x1000;
	[sflag:s8] =	ssyncadd.s32 $0xFFFFFD60  }
0xd8: {  	[tilespmem:s22], [sflag:$0x2] =	stream.linear.gather [hbm4b:s21+s1], $0x2A0, $0x38;
	[tilespmem:$0x10000] =	vst v63  }
0xd9: {  	_ =	swait.ge [sflag:s8], $0x2A0  }
0xda: {  	[sflag:s8] =	ssyncset.done $0x0  }
0xdb: {  	s23 =	sadd.s32 $0x124A4, s19;
	s24 =	simm.s32 $0x1400;
	[sflag:s8] =	ssyncadd.s32 $0xFFFFFD60  }
0xdc: {  	[tilespmem:s24], [sflag:$0x2] =	stream.linear.gather [hbm4b:s23+s1], $0x2A0, $0x38;
	[tilespmem:$0x10000] =	vst v63  }
0xdd: {  	_ =	swait.ge [sflag:s8], $0x2A0  }
0xde: {  	[sflag:s8] =	ssyncset.done $0x0  }
0xdf: {  	s21 =	sadd.s32 $0x15578, s19;
	s22 =	simm.s32 $0x1800;
	[sflag:s8] =	ssyncadd.s32 $0xFFFFFD60  }
0xe0: {  	[tilespmem:s22], [sflag:$0x2] =	stream.linear.gather [hbm4b:s21+s1], $0x2A0, $0x38;
	[tilespmem:$0x10000] =	vst v63  }
0xe1: {  	_ =	swait.ge [sflag:s8], $0x2A0  }
0xe2: {  	[sflag:s8] =	ssyncset.done $0x0  }
0xe3: {  	s23 =	sadd.s32 $0x1864C, s19;
	s24 =	simm.s32 $0x1C00;
	[sflag:s8] =	ssyncadd.s32 $0xFFFFFD60  }
0xe4: {  	[tilespmem:s24], [sflag:$0x2] =	stream.linear.gather [hbm4b:s23+s1], $0x2A0, $0x38;
	[tilespmem:$0x10000] =	vst v63  }
0xe5: {  	_ =	swait.ge [sflag:s8], $0x2A0  }
0xe6: {  	[sflag:s8] =	ssyncset.done $0x0  }
0xe7: {  	s21 =	sadd.s32 $0x1B720, s19;
	s22 =	simm.s32 $0x2000;
	[sflag:s8] =	ssyncadd.s32 $0xFFFFFD60  }
0xe8: {  	[tilespmem:s22], [sflag:$0x2] =	stream.linear.gather [hbm4b:s21+s1], $0x2A0, $0x38;
	[tilespmem:$0x10000] =	vst v63  }
0xe9: {  	_ =	swait.ge [sflag:s8], $0x2A0  }
0xea: {  	[sflag:s8] =	ssyncset.done $0x0  }
0xeb: {  	s23 =	sadd.s32 $0x1E7F4, s19;
	s24 =	simm.s32 $0x2400;
	[sflag:s8] =	ssyncadd.s32 $0xFFFFFD60  }
0xec: {  	[tilespmem:s24], [sflag:$0x2] =	stream.linear.gather [hbm4b:s23+s1], $0x2A0, $0x38;
	[tilespmem:$0x10000] =	vst v63  }
0xed: {  	_ =	swait.ge [sflag:s8], $0x2A0  }
0xee: {  	[sflag:s8] =	ssyncset.done $0x0  }
0xef: {  	s21 =	sadd.s32 $0x218C8, s19;
	s22 =	simm.s32 $0x2800;
	[sflag:s8] =	ssyncadd.s32 $0xFFFFFD60  }
0xf0: {  	[tilespmem:s22], [sflag:$0x2] =	stream.linear.gather [hbm4b:s21+s1], $0x2A0, $0x38;
	[tilespmem:$0x10000] =	vst v63  }
0xf1: {  	_ =	swait.ge [sflag:s8], $0x2A0  }
0xf2: {  	[sflag:s8] =	ssyncset.done $0x0  }
0xf3: {  	s23 =	sadd.s32 $0x2499C, s19;
	s24 =	simm.s32 $0x2C00;
	[sflag:s8] =	ssyncadd.s32 $0xFFFFFD60  }
0xf4: {  	[tilespmem:s24], [sflag:$0x2] =	stream.linear.gather [hbm4b:s23+s1], $0x2A0, $0x38;
	[tilespmem:$0x10000] =	vst v63  }
0xf5: {  	_ =	swait.ge [sflag:s8], $0x2A0  }
0xf6: {  	[sflag:s8] =	ssyncset.done $0x0  }
0xf7: {  	s21 =	sadd.s32 $0x27A70, s19;
	s22 =	simm.s32 $0x3000;
	[sflag:s8] =	ssyncadd.s32 $0xFFFFFD60  }
0xf8: {  	[tilespmem:s22], [sflag:$0x2] =	stream.linear.gather [hbm4b:s21+s1], $0x2A0, $0x38;
	[tilespmem:$0x10000] =	vst v63  }
0xf9: {  	_ =	swait.ge [sflag:s8], $0x2A0  }
0xfa: {  	[sflag:s8] =	ssyncset.done $0x0  }
0xfb: {  	s23 =	sadd.s32 $0x2AB44, s19;
	s24 =	simm.s32 $0x3400;
	[sflag:s8] =	ssyncadd.s32 $0xFFFFFD60  }
0xfc: {  	[tilespmem:s24], [sflag:$0x2] =	stream.linear.gather [hbm4b:s23+s1], $0x2A0, $0x38;
	[tilespmem:$0x10000] =	vst v63  }
0xfd: {  	_ =	swait.ge [sflag:s8], $0x2A0  }
0xfe: {  	[sflag:s8] =	ssyncset.done $0x0  }
0xff: {  	s21 =	sadd.s32 $0x2DC18, s19;
	s22 =	simm.s32 $0x3800;
	[sflag:s8] =	ssyncadd.s32 $0xFFFFFD60  }
0x100: {  	[tilespmem:s22], [sflag:$0x2] =	stream.linear.gather [hbm4b:s21+s1], $0x2A0, $0x38;
	[tilespmem:$0x10000] =	vst v63  }
0x101: {  	_ =	swait.ge [sflag:s8], $0x2A0  }
0x102: {  	[sflag:s8] =	ssyncset.done $0x0  }
0x103: {  	s23 =	sadd.s32 $0x30CEC, s19;
	s24 =	simm.s32 $0x3C00;
	[sflag:s8] =	ssyncadd.s32 $0xFFFFFD60  }
0x104: {  	[tilespmem:s24], [sflag:$0x2] =	stream.linear.gather [hbm4b:s23+s1], $0x2A0, $0x38;
	[tilespmem:$0x10000] =	vst v63  }
0x105: {  	_ =	swait.ge [sflag:s8], $0x2A0  }
0x106: {  	[sflag:s8] =	ssyncset.done $0x0  }
0x107: {  	s21 =	sadd.s32 $0x33DC0, s19;
	s22 =	simm.s32 $0x4000;
	[sflag:s8] =	ssyncadd.s32 $0xFFFFFD60  }
0x108: {  	[tilespmem:s22], [sflag:$0x2] =	stream.linear.gather [hbm4b:s21+s1], $0x2A0, $0x38;
	[tilespmem:$0x10000] =	vst v63  }
0x109: {  	_ =	swait.ge [sflag:s8], $0x2A0  }
0x10a: {  	[sflag:s8] =	ssyncset.done $0x0  }
0x10b: {  	s23 =	sadd.s32 $0x36E94, s19;
	[sflag:s8] =	ssyncadd.s32 $0xFFFFFD60  }
0x10c: {  	[tilespmem:s25], [sflag:$0x2] =	stream.linear.gather [hbm4b:s23+s1], $0x2A0, $0x38;
	[tilespmem:$0x10000] =	vst v63  }
0x10d: {  	_ =	swait.ge [sflag:s8], $0x2A0  }
0x10e: {  	[sflag:s8] =	ssyncset.done $0x0  }
0x10f: {  	s24 =	sadd.s32 $0x39F68, s19;
	[sflag:s8] =	ssyncadd.s32 $0xFFFFFD60  }
0x110: {  	[tilespmem:s26], [sflag:$0x2] =	stream.linear.gather [hbm4b:s24+s1], $0x2A0, $0x38;
	[tilespmem:$0x10000] =	vst v63  }
0x111: {  	_ =	swait.ge [sflag:s8], $0x2A0  }
0x112: {  	[sflag:s8] =	ssyncset.done $0x0  }
0x113: {  	s21 =	sadd.s32 $0x3D03C, s19;
	[sflag:s8] =	ssyncadd.s32 $0xFFFFFD60  }
0x114: {  	[tilespmem:s28], [sflag:$0x2] =	stream.linear.gather [hbm4b:s21+s1], $0x2A0, $0x38;
	[tilespmem:$0x10000] =	vst v63  }
0x115: {  	_ =	swait.ge [sflag:s8], $0x2A0  }
0x116: {  	[sflag:s8] =	ssyncset.done $0x0  }
0x117: {  	s22 =	sadd.s32 $0x40110, s19;
	[sflag:s8] =	ssyncadd.s32 $0xFFFFFD60  }
0x118: {  	[tilespmem:s29], [sflag:$0x2] =	stream.linear.gather [hbm4b:s22+s1], $0x2A0, $0x38;
	[tilespmem:$0x10000] =	vst v63  }
0x119: {  	_ =	swait.ge [sflag:s8], $0x2A0  }
0x11a: {  	[sflag:s8] =	ssyncset.done $0x0  }
0x11b: {  	s23 =	sadd.s32 $0x431E4, s19;
	[sflag:s8] =	ssyncadd.s32 $0xFFFFFD60  }
0x11c: {  	[tilespmem:s30], [sflag:$0x2] =	stream.linear.gather [hbm4b:s23+s1], $0x2A0, $0x38;
	[tilespmem:$0x10000] =	vst v63  }
0x11d: {  	_ =	swait.ge [sflag:s8], $0x2A0  }
0x11e: {  	[sflag:s8] =	ssyncset.done $0x0  }
0x11f: {  	s24 =	sadd.s32 $0x462B8, s19;
	[sflag:s8] =	ssyncadd.s32 $0xFFFFFD60  }
0x120: {  	[tilespmem:s31], [sflag:$0x2] =	stream.linear.gather [hbm4b:s24+s1], $0x2A0, $0x38;
	[tilespmem:$0x10000] =	vst v63  }
0x121: {  	_ =	swait.ge [sflag:s8], $0x2A0  }
0x122: {  	[sflag:s8] =	ssyncset.done $0x0  }
0x123: {  	s21 =	sadd.s32 $0x4938C, s19;
	[sflag:s8] =	ssyncadd.s32 $0xFFFFFD60  }
0x124: {  	[tilespmem:s0], [sflag:$0x2] =	stream.linear.gather [hbm4b:s21+s1], $0x2A0, $0x38;
	[tilespmem:$0x10000] =	vst v63  }
0x125: {  	_ =	swait.ge [sflag:s8], $0x2A0  }
0x126: {  	[sflag:s8] =	ssyncset.done $0x0  }
0x127: {  	s22 =	sadd.s32 $0x4C460, s19;
	[sflag:s8] =	ssyncadd.s32 $0xFFFFFD60  }
0x128: {  	[tilespmem:s3], [sflag:$0x2] =	stream.linear.gather [hbm4b:s22+s1], $0x2A0, $0x38;
	[tilespmem:$0x10000] =	vst v63  }
0x129: {  	_ =	swait.ge [sflag:s8], $0x2A0  }
0x12a: {  	[sflag:s8] =	ssyncset.done $0x0  }
0x12b: {  	s23 =	sadd.s32 $0x4F534, s19;
	[sflag:s8] =	ssyncadd.s32 $0xFFFFFD60  }
0x12c: {  	[tilespmem:s7], [sflag:$0x2] =	stream.linear.gather [hbm4b:s23+s1], $0x2A0, $0x38;
	[tilespmem:$0x10000] =	vst v63  }
0x12d: {  	_ =	swait.ge [sflag:s8], $0x2A0  }
0x12e: {  	[sflag:s8] =	ssyncset.done $0x0  }
0x12f: {  	s24 =	sadd.s32 $0x52608, s19;
	[sflag:s8] =	ssyncadd.s32 $0xFFFFFD60  }
0x130: {  	[tilespmem:s9], [sflag:$0x2] =	stream.linear.gather [hbm4b:s24+s1], $0x2A0, $0x38;
	[tilespmem:$0x10000] =	vst v63  }
0x131: {  	_ =	swait.ge [sflag:s8], $0x2A0  }
0x132: {  	[sflag:s8] =	ssyncset.done $0x0  }
0x133: {  	s21 =	sadd.s32 $0x556DC, s19;
	[sflag:s8] =	ssyncadd.s32 $0xFFFFFD60  }
0x134: {  	[tilespmem:s10], [sflag:$0x2] =	stream.linear.gather [hbm4b:s21+s1], $0x2A0, $0x38;
	[tilespmem:$0x10000] =	vst v63  }
0x135: {  	_ =	swait.ge [sflag:s8], $0x2A0  }
0x136: {  	[sflag:s8] =	ssyncset.done $0x0  }
0x137: {  	s22 =	sadd.s32 $0x587B0, s19;
	[sflag:s8] =	ssyncadd.s32 $0xFFFFFD60  }
0x138: {  	[tilespmem:s11], [sflag:$0x2] =	stream.linear.gather [hbm4b:s22+s1], $0x2A0, $0x38;
	[tilespmem:$0x10000] =	vst v63  }
0x139: {  	_ =	swait.ge [sflag:s8], $0x2A0  }
0x13a: {  	[sflag:s8] =	ssyncset.done $0x0  }
0x13b: {  	s23 =	sadd.s32 $0x5B884, s19;
	[sflag:s8] =	ssyncadd.s32 $0xFFFFFD60  }
0x13c: {  	[tilespmem:s12], [sflag:$0x2] =	stream.linear.gather [hbm4b:s23+s1], $0x2A0, $0x38;
	[tilespmem:$0x10000] =	vst v63  }
0x13d: {  	_ =	swait.ge [sflag:s8], $0x2A0  }
0x13e: {  	[sflag:s8] =	ssyncset.done $0x0  }
0x13f: {  	s24 =	sadd.s32 $0x5E958, s19;
	[sflag:s8] =	ssyncadd.s32 $0xFFFFFD60  }
0x140: {  	[tilespmem:s13], [sflag:$0x2] =	stream.linear.gather [hbm4b:s24+s1], $0x2A0, $0x38;
	[tilespmem:$0x10000] =	vst v63  }
0x141: {  	_ =	swait.ge [sflag:s8], $0x2A0  }
0x142: {  	[sflag:s8] =	ssyncset.done $0x0  }
0x143: {  	s19 =	sadd.s32 $0x61A2C, s19;
	[sflag:s8] =	ssyncadd.s32 $0xFFFFFD60  }
0x144: {  	[tilespmem:s14], [sflag:$0x2] =	stream.linear.gather [hbm4b:s19+s1], $0x2A0, $0x38;
	[tilespmem:$0x10000] =	vst v63  }
0x145: {  	_ =	swait.ge [sflag:s8], $0x2A0  }
0x146: {  	[sflag:s8] =	ssyncset.done $0x0  }
0x147: {  	[sflag:s8] =	ssyncadd.s32 $0xFFFFFD60  }
.LBB2_6:
0x148: {  	s22 =	simm.s32 $0x1  }
0x149: {  	s23 =	simm.s32 $0x7;
	v2 =	vadd.s32 s22, v0  }
0x14a: {  	v3 =	vadd.s32 s23, v1  }
0x14b: {  	s24 =	simm.s32 $0x2;
	v4 =	vadd.s32 s22, v1  }
0x14c: {  	v5 =	vadd.s32 s24, v0  }
0x14d: {  	v7 =	vadd.s32 s24, v1;
	s24 =	simm.s32 $0x3  }
0x14e: {  	v8 =	vld.idx.msk [tilespmem:v2+s1+$0x0], $0xffff;
	v2 =	vadd.s32 s24, v0  }
0x14f: {  	v10 =	vadd.s32 s23, v0;
	v9 =	vld.idx.msk [tilespmem:v3+s1+$0x0], $0xffff  }
0x150: {  	p0 =	seq.s32 s16, $0x61;
	s20 =	simm.s32 $0x2A0;
	v11 =	vadd.s32 s24, v1;
	v14 =	vld.idx.msk [tilespmem:v4+s1+$0x0], $0xffff;
	s24 =	simm.s32 $0x4  }
0x151: {  	s20 =	simm.s32 @!p0 $0x400;
	v6 =	vld.idx.msk [tilespmem:v5+s1+$0x0], $0xffff;
	v12 =	vadd.s32 s24, v0  }
0x152: {  	s23 =	simm.s32 $0x5;
	p0 =	sgt.u32 s20, $0x8;
	v5 =	vld.idx.msk [tilespmem:v7+s1+$0x0], $0xffff;
	v15 =	vadd.s32 s24, v1  }
.Ltmp7:
0x153: {  	s19 =	simm.s32 $0x8080;
	v13 =	vadd.s32 s23, v0;
	v3 =	vld.idx.msk [tilespmem:v2+s1+$0x0], $0xffff;
	(pc) =	sbr.rel @!p0 .LBB2_8-.Ltmp7, $4  }
0x154: {  	s24 =	simm.s32 $0x6;
	v2 =	vld.idx.msk [tilespmem:v10+s1+$0x0], $0xffff;
	[tilespmem:s19+$0x70] =	vst v9;
	v9 =	vadd.s32 s23, v1  }
0x155: {  	v4 =	vld.idx.msk [tilespmem:v11+s1+$0x0], $0xffff;
	v11 =	vadd.s32 s24, v0  }
0x156: {  	s21 =	simm.s32 $0x0;
	[tilespmem:s19+$0xFFFFFFA0] =	vst v8;
	v7 =	vld.idx.msk [tilespmem:v12+s1+$0x0], $0xffff;
	v12 =	vadd.s32 s24, v1  }
0x157: {  	s22 =	simm.s32 $0x8;
	v10 =	vadd.s32 s21, v0;
	[tilespmem:s19+$0xFFFFFFB0] =	vst v14;
	v8 =	vld.idx.msk [tilespmem:v15+s1+$0x0], $0xffff  }
.LBB2_7:
0x158: {  	s23 =	sadd.s32 $0x1, s22;
	v14 =	vadd.s32 s21, v1;
	[tilespmem:s19+$0xFFFFFFC0] =	vst v6;
	v6 =	vld.idx.msk [tilespmem:v13+s1+$0x0], $0xffff;
	s21 =	smov.u32 s22  }
0x159: {  	s22 =	sadd.s32 $0x8, s22;
	v13 =	vadd.s32 s23, v0;
	s24 =	sadd.s32 $0x7, s21;
	[tilespmem:s19+$0xFFFFFFD0] =	vst v5;
	v5 =	vld.idx.msk [tilespmem:v9+s1+$0x0], $0xffff  }
0x15a: {  	p0 =	slt.u32 s22, s20;
	v9 =	vadd.s32 s24, v1;
	[tilespmem:s19+$0xFFFFFFE0] =	vst v3;
	v3 =	vld.idx.msk [tilespmem:v11+s1+$0x0], $0xffff  }
0x15b: {  	v11 =	vadd.s32 s23, v1;
	s23 =	sadd.s32 $0x2, s21;
	[tilespmem:s19+$0xFFFFFFF0] =	vst v4;
	v4 =	vld.idx.msk [tilespmem:v12+s1+$0x0], $0xffff  }
0x15c: {  	v12 =	vadd.s32 s23, v0;
	v10 =	vld.idx.msk [tilespmem:v10+s1+$0x0], $0xffff;
	[tilespmem:s19+$0x0] =	vst v7  }
0x15d: {  	v7 =	vadd.s32 s23, v1;
	s23 =	sadd.s32 $0x3, s21;
	v14 =	vld.idx.msk [tilespmem:v14+s1+$0x0], $0xffff;
	[tilespmem:s19+$0x10] =	vst v8  }
0x15e: {  	v8 =	vld.idx.msk [tilespmem:v13+s1+$0x0], $0xffff;
	v13 =	vadd.s32 s23, v0;
	[tilespmem:s19+$0x20] =	vst v6  }
0x15f: {  	v15 =	vadd.s32 s23, v1;
	v16 =	vld.idx.msk [tilespmem:v9+s1+$0x0], $0xffff;
	[tilespmem:s19+$0x30] =	vst v5  }
0x160: {  	v18 =	vadd.s32 s24, v0;
	s23 =	sadd.s32 $0x4, s21;
	v17 =	vld.idx.msk [tilespmem:v11+s1+$0x0], $0xffff;
	[tilespmem:s19+$0x40] =	vst v3  }
0x161: {  	v6 =	vld.idx.msk [tilespmem:v12+s1+$0x0], $0xffff;
	v12 =	vadd.s32 s23, v0;
	[tilespmem:s19+$0x50] =	vst v4  }
0x162: {  	v19 =	vadd.s32 s23, v1;
	s23 =	sadd.s32 $0x5, s21;
	v5 =	vld.idx.msk [tilespmem:v7+s1+$0x0], $0xffff;
	[tilespmem:s19+$0x60] =	vst v2  }
.Ltmp8:
0x163: {  	v3 =	vld.idx.msk [tilespmem:v13+s1+$0x0], $0xffff;
	v13 =	vadd.s32 s23, v0;
	[tilespmem:s19+$0xFFFFFF80] =	vst v10;
	(pc) =	sbr.rel @p0 .LBB2_7-.Ltmp8, $4  }
0x164: {  	v9 =	vadd.s32 s23, v1;
	s23 =	sadd.s32 $0x6, s21;
	v4 =	vld.idx.msk [tilespmem:v15+s1+$0x0], $0xffff;
	[tilespmem:s19+$0xFFFFFF90] =	vst v14;
	s19 =	sadd.s32 $0x100, s19  }
0x165: {  	v11 =	vadd.s32 s23, v0;
	v2 =	vld.idx.msk [tilespmem:v18+s1+$0x0], $0xffff;
	[tilespmem:s19+$0x70] =	vst v16  }
0x166: {  	[tilespmem:s19+$0xFFFFFFA0] =	vst v8;
	v7 =	vld.idx.msk [tilespmem:v12+s1+$0x0], $0xffff;
	v12 =	vadd.s32 s23, v1  }
0x167: {  	v10 =	vadd.s32 s21, v0;
	[tilespmem:s19+$0xFFFFFFB0] =	vst v17;
	v8 =	vld.idx.msk [tilespmem:v19+s1+$0x0], $0xffff  }
.Ltmp9:
0x168: {  	_ = 	snop;
	(pc) =	sbr.rel .LBB2_8-.Ltmp9, $1  }
0x169: {  	_ =	sdelay $0x3  }
.LBB2_11:
0x16a: {  	_ =	sfence.sel $0x180000  }
0x16b: {  	[bflag:$0x0] =	sbarrier.arrive $0xFFFF  }
0x16c: {  	_ =	strace $0x90000047  }
0x16d: {  	s0 =	stileid.u32;
	[bflag:$0x2] =	sbarrier.arrive $0xFFFF  }
0x16e: {  	p0 =	sne.s32 s0, $0x0;
	s0 =	rddreg [dreg:$0x1]  }
0x16f: {  	s0 =	sadd.s32 @!p0 $0x100000, s0  }
0x170: {  	[sflag:s0] =	ssyncadd.tile.s32 @!p0 $0x1;
	_ =	shalt  }
.Lfunc_end2:
_tile_overlayer_lowered:
.L_overlay_start_2:
0x171: {  	(tag) =	ssettag $0x2  }
0x172: {  	s0 =	rddreg [dreg:$0x0];
	s2 =	stileid.u32  }
0x173: {  	s1 =	rddreg [dreg:$0x1];
	p0 =	sne.s32 s2, $0x0  }
0x174: {  	s3 =	rddreg [dreg:$0x2];
	[bflag:$0x3] =	sbarrier.arrive $0xFFFF;
	s2 =	simm.s32 @!p0 $0x1C01  }
0x175: {  	[timem:s3], [sflag:s2] =	dma.local @!p0 [hbm:s0], s1  }
0x176: {  	s0 =	simm.s32 @!p0 $0x1  }
0x177: {  	_ =	swait.ge @!p0 [sflag:s0], s1  }
0x178: {  	s1 =	ssub.s32 @!p0 $0x0, s1;
	[sflag:s0] =	ssyncset.done @!p0 $0x0  }
0x179: {  	[sflag:s0] =	ssyncadd.s32 @!p0 s1  }
0x17a: {  	[bflag:$0x3] =	sbarrier.arrive $0xFFFF  }
0x17b: {  	_ =	shalt  }

// kernel: kernel.8.cloned.1.call-start
scs
__scs_entry_jumppad:
0x0: {  	(pc) =	sbr.rel $0x88, $3  }
0x1: {  	(tag) =	ssettag $0x0;
	lr =	simm.s32 $0x1  }
0x2: {  	[smem:$0x3F9B] =	sst lr;
	_ =	strace $0xD0000000  }
0x3: {  	_ = 	snop  }
0x4: {  	_ = 	snop  }
0x5: {  	_ = 	snop  }
0x6: {  	_ = 	snop  }
0x7: {  	_ = 	snop  }
__scs_overlays_trampoline_lowered:
0x8: {  	[smem:$0x3FAA] =	sst s0  }
0x9: {  	[smem:$0x3FAB] =	sst s1  }
0xa: {  	[smem:$0x3FAC] =	sst s2  }
0xb: {  	[smem:$0x3FAD] =	sst s3  }
0xc: {  	[smem:$0x3FAE] =	sst s4  }
0xd: {  	[smem:$0x3FAF] =	sst s5  }
0xe: {  	[smem:$0x3FB0] =	sst s6  }
0xf: {  	[smem:$0x3FB1] =	sst s7  }
0x10: {  	[smem:$0x3FB2] =	sst s8  }
0x11: {  	[smem:$0x3FB3] =	sst s9;
	s0 =	simm.s32 @!p0 $0x0  }
0x12: {  	s1 =	sld [smem:$0x3F99];
	s0 =	simm.s32 @p0 $0x1  }
0x13: {  	[smem:$0x3FB4] =	sst s0;
	s0 =	simm.s32 @!p1 $0x0  }
0x14: {  	s2 =	sld [smem:$0x3F98];
	s0 =	simm.s32 @p1 $0x1  }
0x15: {  	[smem:$0x3FB5] =	sst s0;
	s0 =	simm.s32 @!p2 $0x0  }
0x16: {  	s3 =	sld [smem:$0x3FDB];
	s0 =	simm.s32 @p2 $0x1  }
0x17: {  	s4 =	simm.s32 $0x1BF5;
	[smem:$0x3FB7] =	sst s0  }
0x18: {  	s0 =	sld [smem:$0x3F9A];
	_ =	swait.ge [sflag:s4], $0x0  }
0x19: {  	s7 =	sld [smem:$0x3F9B]  }
0x1a: {  	s8 =	sadd.s32 $0xFFFFE003, lr  }
0x1b: {  	s9 =	sadd.s32 $0xFFFFFEF7, lr;
	s5 =	simm.s32 $0xFFFFFFFF;
	p2 =	slt.u32 s8, $0xFFFFF086  }
0x1c: {  	p1 =	slt.u32 s9, $0xF7A;
	s5 =	simm.s32 @!p2 $0x0  }
0x1d: {  	s5 =	simm.s32 @p1 $0x1;
	p0 =	seq.s32 s7, s2  }
0x1e: {  	s7 =	smul.u32 @!p0 $0xF7A, s2;
	p2 =	seq.s32 @!p0 s5, $0x0  }
0x1f: {  	s9 =	smul.u32 $0xF7A, s1;
	s8 =	simm.s32 @!p0 $0x1BF5;
	p2 =	por !p2, p0  }
0x20: {  	[sflag:s8] =	ssyncset.s32 @!p0 $0xFFFFF086;
	s6 =	sadd.s32 @!p0 s3, s7;
	s7 =	simm.s32 @!p0 $0x108  }
0x21: {  	s3 =	sadd.s32 s3, s9;
	s6 =	sadd.s32 @!p0 $0x88, s6;
	s7 =	simm.s32 @p2 $0x1082  }
0x22: {  	[simem:s7], [sflag:s8] =	dma.local @!p0 [hbm:s6], $0xF7A  }
0x23: {  	s9 =	sor.u32 $0xD0000000, s2;
	s6 =	simm.s32 $0x108;
	_ =	swait.ge @!p0 [sflag:s8], $0x0  }
0x24: {  	s3 =	sadd.s32 $0x88, s3;
	s6 =	simm.s32 @!p1 $0x1082;
	[sflag:s4] =	ssyncset.s32 $0xFFFFF086  }
0x25: {  	[simem:s6], [sflag:s4] =	dma.local [hbm:s3], $0xF7A  }
0x26: {  	[smem:$0x3F9B] =	sst s1;
	(tag) =	ssettag s2;
	_ =	strace s9  }
0x27: {  	s1 =	sld [smem:$0x3FAB]  }
0x28: {  	s2 =	sld [smem:$0x3FAC]  }
0x29: {  	s4 =	sld [smem:$0x3FAE]  }
0x2a: {  	p0 =	seq.s32 s5, $0x0;
	s5 =	sld [smem:$0x3FAF]  }
0x2b: {  	s6 =	sld [smem:$0x3FB0]  }
0x2c: {  	s7 =	sld [smem:$0x3FB1]  }
0x2d: {  	s3 =	simm.s32 $0x108;
	s8 =	sld [smem:$0x3FB2]  }
0x2e: {  	s3 =	simm.s32 @!p0 $0x1082;
	s9 =	sld [smem:$0x3FB3]  }
0x2f: {  	lr =	sadd.s32 s0, s3;
	s0 =	sld [smem:$0x3FAA]  }
0x30: {  	s3 =	sld [smem:$0x3FAD]  }
0x31: {  	[smem:$0x3FB6] =	sst s10  }
0x32: {  	s10 =	sld [smem:$0x3FB4];
	_ =	sdelay $0x3  }
0x33: {  	p0 =	seq.s32 s10, $0x1;
	s10 =	sld [smem:$0x3FB6];
	_ =	sdelay $0x3  }
0x34: {  	[smem:$0x3FB6] =	sst s10  }
0x35: {  	s10 =	sld [smem:$0x3FB5];
	_ =	sdelay $0x3  }
0x36: {  	p1 =	seq.s32 s10, $0x1;
	s10 =	sld [smem:$0x3FB6];
	_ =	sdelay $0x3  }
0x37: {  	[smem:$0x3FB6] =	sst s10  }
0x38: {  	s10 =	sld [smem:$0x3FB7]  }
0x39: {  	_ = 	snop;
	(pc) =	sbr.ind lr, $3  }
0x3a: {  	_ = 	snop  }
0x3b: {  	_ = 	snop  }
0x3c: {  	p2 =	seq.s32 s10, $0x1;
	s10 =	sld [smem:$0x3FB6]  }
0x3d: {  	_ =	shalt  }
0x3e: {  	_ =	shalt  }
0x3f: {  	_ =	shalt  }
0x40: {  	_ =	shalt  }
0x41: {  	_ =	shalt  }
0x42: {  	_ =	shalt  }
0x43: {  	_ =	shalt  }
0x44: {  	_ =	shalt  }
0x45: {  	_ =	shalt  }
0x46: {  	_ =	shalt  }
0x47: {  	_ =	shalt  }
0x48: {  	_ =	shalt  }
0x49: {  	_ =	shalt  }
0x4a: {  	_ =	shalt  }
0x4b: {  	_ =	shalt  }
0x4c: {  	_ =	shalt  }
0x4d: {  	_ =	shalt  }
0x4e: {  	_ =	shalt  }
0x4f: {  	_ =	shalt  }
0x50: {  	_ =	shalt  }
0x51: {  	_ =	shalt  }
0x52: {  	_ =	shalt  }
0x53: {  	_ =	shalt  }
0x54: {  	_ =	shalt  }
0x55: {  	_ =	shalt  }
0x56: {  	_ =	shalt  }
0x57: {  	_ =	shalt  }
0x58: {  	_ =	shalt  }
0x59: {  	_ =	shalt  }
0x5a: {  	_ =	shalt  }
0x5b: {  	_ =	shalt  }
0x5c: {  	_ =	shalt  }
0x5d: {  	_ =	shalt  }
0x5e: {  	_ =	shalt  }
0x5f: {  	_ =	shalt  }
0x60: {  	_ =	shalt  }
0x61: {  	_ =	shalt  }
0x62: {  	_ =	shalt  }
0x63: {  	_ =	shalt  }
0x64: {  	_ =	shalt  }
0x65: {  	_ =	shalt  }
0x66: {  	_ =	shalt  }
0x67: {  	_ =	shalt  }
0x68: {  	_ =	shalt  }
0x69: {  	_ =	shalt  }
0x6a: {  	_ =	shalt  }
0x6b: {  	_ =	shalt  }
0x6c: {  	_ =	shalt  }
0x6d: {  	_ =	shalt  }
0x6e: {  	_ =	shalt  }
0x6f: {  	_ =	shalt  }
0x70: {  	_ =	shalt  }
0x71: {  	_ =	shalt  }
0x72: {  	_ =	shalt  }
0x73: {  	_ =	shalt  }
0x74: {  	_ =	shalt  }
0x75: {  	_ =	shalt  }
0x76: {  	_ =	shalt  }
0x77: {  	_ =	shalt  }
0x78: {  	_ =	shalt  }
0x79: {  	_ =	shalt  }
0x7a: {  	_ =	shalt  }
0x7b: {  	_ =	shalt  }
0x7c: {  	_ =	shalt  }
0x7d: {  	_ =	shalt  }
0x7e: {  	_ =	shalt  }
0x7f: {  	_ =	shalt  }
0x80: {  	_ =	shalt  }
0x81: {  	_ =	shalt  }
0x82: {  	_ =	shalt  }
0x83: {  	_ =	shalt  }
0x84: {  	_ =	shalt  }
0x85: {  	_ =	shalt  }
0x86: {  	_ =	shalt  }
0x87: {  	_ =	shalt  }
.Lfunc_end0:
.L_simem_size_0:
called_computation.1_lowered:
.L_overlay_start_0:
0x88: {  	s2 =	sld [smem:$0x3FD9]  }
0x89: {  	s3 =	sld [smem:$0x3FFE];
	_ =	sdelay $0x1  }
0x8a: {  	s1 =	srdreg.scid  }
0x8b: {  	s0 =	sand.u32 $0x1, s1  }
0x8c: {  	s17 =	sshll.u32 s0, $0xA;
	s2 =	sadd.s32 s3, s2  }
0x8d: {  	s2 =	sadd.s32 s2, s17  }
0x8e: {  	[smem:$0x3FC2] =	sst s2  }
0x8f: {  	_ = 	snop  }
0x90: {  	s2 =	sld [smem:$0x3FD0];
	(tm) =	ssettm $0x1  }
0x91: {  	s18 =	sld [smem:$0x3FFB];
	_ =	sdelay $0x3  }
0x92: {  	_ =	strace s18  }
0x93: {  	s3 =	sld [smem:$0x3FFC];
	_ =	sdelay $0x3  }
0x94: {  	_ =	strace s3  }
0x95: {  	s3 =	sld [smem:$0x3FFD];
	_ =	sdelay $0x3  }
0x96: {  	_ =	strace s3  }
0x97: {  	_ =	strace $0x8FFFFFFF  }
0x98: {  	s19 =	sld [smem:$0x3FDB];
	_ =	sdelay $0x1  }
0x99: {  	s4 =	simm.s32 $_scs_section_size  }
0x9a: {  	s5 =	simm.s32 $_size__tile_overlayer_lowered;
	s6 =	simm.s32 $_tile_overlayer_lowered  }
0x9b: {  	s22 =	simm.s32 $0x1BFF;
	s21 =	sshll.u32 s6, $0x1;
	s3 =	sadd.s32 s4, s19  }
0x9c: {  	s7 =	simm.s32 $0x0;
	s20 =	sshll.u32 s5, $0x1;
	s5 =	sadd.s32 s21, s3  }
0x9d: {  	[timem:s7], [sflag:s22] =	dma.local [hbm:s5], s20  }
0x9e: {  	_ =	swait.ge [sflag:s22], s20  }
0x9f: {  	s4 =	ssub.s32 $0x0, s20;
	[sflag:s22] =	ssyncset.done $0x0  }
0xa0: {  	[sflag:s22] =	ssyncadd.s32 s4;
	_ =	sdelay $0x1  }
0xa1: {  	s23 =	simm.s32 $0x1B8B  }
0xa2: {  	_ =	swait.ge [sflag:s23], $0x1  }
0xa3: {  	[sflag:s23] =	ssyncset.done $0x0  }
0xa4: {  	s25 =	simm.s32 $0x1B8E;
	s24 =	sld [smem:$0x3FFE];
	[sflag:s23] =	ssyncadd.s32 $0xFFFFFFFF  }
0xa5: {  	s26 =	simm.s32 $execute0_lowered;
	[smem:$0x3FD2] =	sst s25  }
0xa6: {  	s5 =	sshll.u32 s26, $0x1;
	_ =	strace $0x80000049;
	[dreg:$0x1] =	wrdreg $0xFFFFFFFF  }
0xa7: {  	s28 =	simm.s32 $_size_execute0_lowered;
	s3 =	sadd.s32 s3, s5;
	[dreg:$0x0] =	wrdreg $0x0  }
0xa8: {  	s5 =	sshll.u32 s28, $0x1;
	[dreg:$0x2] =	wrdreg s3  }
0xa9: {  	[dreg:$0x3] =	wrdreg s5  }
0xaa: {  	[dreg:$0x4] =	wrdreg $0xC0  }
0xab: {  	_ =	task [dreg:s7], $0x5FFFF  }
0xac: {  	[dreg:$0x1] =	wrdreg $0xFFFFFFFF  }
0xad: {  	[dreg:$0x0] =	wrdreg $0x60  }
0xae: {  	[dreg:$0x2] =	wrdreg s24  }
0xaf: {  	[dreg:$0x3] =	wrdreg s2  }
0xb0: {  	[dreg:$0x4] =	wrdreg $0x9  }
0xb1: {  	_ =	task.clear_ibuf [dreg:s7], $0x5FFFF;
	_ =	strace $0x90000049  }
0xb2: {  	s29 =	simm.s32 $0x9;
	_ =	strace $0x8000004B  }
0xb3: {  	_ =	swait.ge [sflag:s29], $0x1  }
0xb4: {  	[sflag:s29] =	ssyncadd.s32 $0xFFFFFFFF  }
0xb5: {  	_ =	strace $0x9000004B  }
0xb6: {  	_ =	sfence  }
0xb7: {  	s30 =	sld [smem:$0x0];
	_ =	sdelay $0x2  }
0xb8: {  	s31 =	sshll.u32 s1, $0xD;
	s1 =	sshrl.u32 s1, $0x2  }
0xb9: {  	s3 =	sand.u32 $0x4000, s31;
	s1 =	sadd.s32 s1, s30  }
0xba: {  	s0 =	sor.u32 s3, s0;
	s1 =	sshll.u32 s1, $0x11  }
0xbb: {  	s0 =	sor.u32 s1, s0  }
0xbc: {  	s0 =	sadd.s32 $0x8F2B, s0  }
0xbd: {  	[sflag:s0] =	ssyncadd.remote.s32 $0x1  }
0xbe: {  	_ =	sfence.sel $0xFFFF  }
0xbf: {  	[dreg:$0x0] =	wrdreg $0xFFFFFFFF;
	(pc) =	sbr.abs _section_cstart, $3  }
0xc0: {  	[dreg:$0x1] =	wrdreg $0xFFFFFFFF  }
0xc1: {  	_ =	task.clear_ibuf [dreg:s7], $0x2FFFF;
	_ =	strace $0x9FFFFFFF  }
0xc2: {  	(tm) =	ssettm $0x7FFFFFFF  }
0xc3: {  	_ =	shalt  }
tec
execute0_lowered:
.L_overlay_start_1:
0x0: {  	(tag) =	ssettag $0x1  }
0x1: {  	s4 =	rddreg [dreg:$0x0]  }
0x2: {  	s6 =	rddreg [dreg:$0x1]  }
0x3: {  	s0 =	rddreg [dreg:$0x2]  }
0x4: {  	s1 =	stileid.u32;
	s2 =	simm.s32 $0x0;
	s3 =	srdreg.scid  }
0x5: {  	s11 =	simm.s32 $0x100;
	s12 =	simm.s32 $0x2400;
	s13 =	simm.s32 $0x180  }
0x6: {  	s14 =	simm.s32 $0x3400;
	s15 =	simm.s32 $0x200;
	s16 =	simm.s32 $0x4400  }
0x7: {  	s17 =	simm.s32 $0x280;
	s18 =	simm.s32 $0x5400;
	s19 =	simm.s32 $0x300  }
0x8: {  	s20 =	simm.s32 $0x6400;
	s21 =	simm.s32 $0x380;
	s22 =	simm.s32 $0x7400  }
0x9: {  	s23 =	simm.s32 $0x1;
	s24 =	simm.s32 $0x0;
	s5 =	smul.u32 $0x1A000, s1  }
0xa: {  	[smem:$0x7FF] =	sst s2;
	s7 =	sand.u32 $0x1, s3;
	s8 =	smul.u32 $0x6800, s1  }
0xb: {  	s3 =	sadd.s32 $0x9EC400, s4;
	s9 =	smul.u32 $0x3400, s7;
	s10 =	ssub.s32 $0x2, s7  }
0xc: {  	_ =	strace $0x8000004A;
	s7 =	smul.u32 $0xD000, s7;
	s31 =	sshrl.u32 s10, $0x1  }
0xd: {  	s4 =	sadd.s32 s5, s4;
	s8 =	sadd.s32 s9, s8;
	s5 =	ssub.s32 s10, s31  }
0xe: {  	s7 =	sadd.s32 s7, s4;
	s9 =	simm.s32 $0x400;
	s10 =	simm.s32 $0x1400  }
0xf: {  	s8 =	sshrl.u32 s8, $0x3;
	s4 =	smax.u32 s5, $0x1;
	s5 =	sadd.s32 $0x1200, s7  }
0x10: {  	s7 =	simm.s32 $0x2;
	s6 =	sadd.s32 s8, s6;
	s8 =	simm.s32 $0x80  }
.LBB2_1:
0x11: {  	s25 =	sadd.s32 $0x0, s6  }
0x12: {  	[tilespmem:s2], [sflag:$0x2] =	stream.linear.gather [hbm4b:s25+s2], $0x400, $0x38;
	[tilespmem:$0x8400] =	vst v63  }
0x13: {  	_ =	swait.ge [sflag:s7], $0x400  }
0x14: {  	[sflag:s7] =	ssyncset.done $0x0  }
0x15: {  	[sflag:s7] =	ssyncadd.s32 $0xFFFFFC00  }
0x16: {  	[tilespmem:s9], [sflag:$0x1] =	stream.indirect.gather [hbm4b:s3+s8], $0x20, s2, s8, $0xb8;
	[tilespmem:$0x8400] =	vst v63  }
0x17: {  	_ = 	snop  }
0x18: {  	[tilespmem:s10], [sflag:$0x1] =	stream.indirect.gather [hbm4b:s3+s8], $0x20, s8, s8, $0xb8;
	[tilespmem:$0x8400] =	vst v63  }
0x19: {  	_ = 	snop  }
0x1a: {  	[tilespmem:s12], [sflag:$0x1] =	stream.indirect.gather [hbm4b:s3+s8], $0x20, s11, s8, $0xb8;
	[tilespmem:$0x8400] =	vst v63  }
0x1b: {  	_ = 	snop  }
0x1c: {  	[tilespmem:s14], [sflag:$0x1] =	stream.indirect.gather [hbm4b:s3+s8], $0x20, s13, s8, $0xb8;
	[tilespmem:$0x8400] =	vst v63  }
0x1d: {  	_ = 	snop  }
0x1e: {  	[tilespmem:s16], [sflag:$0x1] =	stream.indirect.gather [hbm4b:s3+s8], $0x20, s15, s8, $0xb8;
	[tilespmem:$0x8400] =	vst v63  }
0x1f: {  	_ = 	snop  }
0x20: {  	[tilespmem:s18], [sflag:$0x1] =	stream.indirect.gather [hbm4b:s3+s8], $0x20, s17, s8, $0xb8;
	[tilespmem:$0x8400] =	vst v63  }
0x21: {  	_ = 	snop  }
0x22: {  	[tilespmem:s20], [sflag:$0x1] =	stream.indirect.gather [hbm4b:s3+s8], $0x20, s19, s8, $0xb8;
	[tilespmem:$0x8400] =	vst v63  }
0x23: {  	_ = 	snop  }
0x24: {  	[tilespmem:s22], [sflag:$0x1] =	stream.indirect.gather [hbm4b:s3+s8], $0x20, s21, s8, $0xb8;
	[tilespmem:$0x8400] =	vst v63  }
0x25: {  	_ =	swait.ge [sflag:s23], $0x1000  }
0x26: {  	[sflag:s23] =	ssyncset.done $0x0  }
0x27: {  	[sflag:s23] =	ssyncadd.s32 $0xFFFFF000  }
0x28: {  	_ =	swait.ge [sflag:s23], $0x1000  }
0x29: {  	[sflag:s23] =	ssyncset.done $0x0  }
0x2a: {  	[sflag:s23] =	ssyncadd.s32 $0xFFFFF000  }
0x2b: {  	_ =	swait.ge [sflag:s23], $0x1000  }
0x2c: {  	[sflag:s23] =	ssyncset.done $0x0  }
0x2d: {  	[sflag:s23] =	ssyncadd.s32 $0xFFFFF000  }
0x2e: {  	_ =	swait.ge [sflag:s23], $0x1000  }
0x2f: {  	[sflag:s23] =	ssyncset.done $0x0  }
0x30: {  	[sflag:s23] =	ssyncadd.s32 $0xFFFFF000  }
0x31: {  	_ =	swait.ge [sflag:s23], $0x1000  }
0x32: {  	[sflag:s23] =	ssyncset.done $0x0  }
0x33: {  	[sflag:s23] =	ssyncadd.s32 $0xFFFFF000  }
0x34: {  	_ =	swait.ge [sflag:s23], $0x1000  }
0x35: {  	[sflag:s23] =	ssyncset.done $0x0  }
0x36: {  	[sflag:s23] =	ssyncadd.s32 $0xFFFFF000  }
0x37: {  	_ =	swait.ge [sflag:s23], $0x1000  }
0x38: {  	[sflag:s23] =	ssyncset.done $0x0  }
0x39: {  	[sflag:s23] =	ssyncadd.s32 $0xFFFFF000  }
0x3a: {  	_ =	swait.ge [sflag:s23], $0x1000  }
0x3b: {  	[sflag:s23] =	ssyncset.done $0x0  }
0x3c: {  	[sflag:s23] =	ssyncadd.s32 $0xFFFFF000  }
0x3d: {  	[hbm4b:s5+s2] =	stream.linear.scatter [tilespmem:s9], [sflag:$0x2], $0x8000, $0x38;
	[tilespmem:$0x8400] =	vst v63  }
0x3e: {  	s26 =	simm.s32 $0x80;
	_ =	swait.ge [sflag:s7], $0x8000  }
0x3f: {  	s29 =	simm.s32 $0x100;
	s25 =	sadd.s32 $0x1000, s5;
	[sflag:s7] =	ssyncset.done $0x0  }
.LBB2_2:
0x40: {  	s30 =	sadd.s32 s26, s6  }
0x41: {  	[sflag:s7] =	ssyncadd.s32 $0xFFFF8000;
	s26 =	smov.u32 s29;
	s28 =	sadd.s32 $0x80, s29  }
0x42: {  	[tilespmem:s2], [sflag:$0x2] =	stream.linear.gather [hbm4b:s30+s2], $0x400, $0x38;
	[tilespmem:$0x8400] =	vst v63  }
0x43: {  	p0 =	sne.s32 s29, $0x600;
	_ =	swait.ge [sflag:s7], $0x400  }
0x44: {  	[sflag:s7] =	ssyncset.done $0x0  }
0x45: {  	[sflag:s7] =	ssyncadd.s32 $0xFFFFFC00  }
0x46: {  	[tilespmem:s9], [sflag:$0x1] =	stream.indirect.gather [hbm4b:s3+s8], $0x20, s2, s8, $0xb8;
	[tilespmem:$0x8400] =	vst v63  }
0x47: {  	_ = 	snop  }
0x48: {  	[tilespmem:s10], [sflag:$0x1] =	stream.indirect.gather [hbm4b:s3+s8], $0x20, s8, s8, $0xb8;
	[tilespmem:$0x8400] =	vst v63  }
0x49: {  	_ = 	snop  }
0x4a: {  	[tilespmem:s12], [sflag:$0x1] =	stream.indirect.gather [hbm4b:s3+s8], $0x20, s11, s8, $0xb8;
	[tilespmem:$0x8400] =	vst v63  }
0x4b: {  	_ = 	snop  }
0x4c: {  	[tilespmem:s14], [sflag:$0x1] =	stream.indirect.gather [hbm4b:s3+s8], $0x20, s13, s8, $0xb8;
	[tilespmem:$0x8400] =	vst v63  }
0x4d: {  	_ = 	snop  }
0x4e: {  	[tilespmem:s16], [sflag:$0x1] =	stream.indirect.gather [hbm4b:s3+s8], $0x20, s15, s8, $0xb8;
	[tilespmem:$0x8400] =	vst v63  }
0x4f: {  	_ = 	snop  }
0x50: {  	[tilespmem:s18], [sflag:$0x1] =	stream.indirect.gather [hbm4b:s3+s8], $0x20, s17, s8, $0xb8;
	[tilespmem:$0x8400] =	vst v63  }
0x51: {  	_ = 	snop  }
0x52: {  	[tilespmem:s20], [sflag:$0x1] =	stream.indirect.gather [hbm4b:s3+s8], $0x20, s19, s8, $0xb8;
	[tilespmem:$0x8400] =	vst v63  }
0x53: {  	_ = 	snop  }
0x54: {  	[tilespmem:s22], [sflag:$0x1] =	stream.indirect.gather [hbm4b:s3+s8], $0x20, s21, s8, $0xb8;
	[tilespmem:$0x8400] =	vst v63  }
0x55: {  	_ =	swait.ge [sflag:s23], $0x1000  }
0x56: {  	[sflag:s23] =	ssyncset.done $0x0  }
0x57: {  	[sflag:s23] =	ssyncadd.s32 $0xFFFFF000  }
0x58: {  	_ =	swait.ge [sflag:s23], $0x1000  }
0x59: {  	[sflag:s23] =	ssyncset.done $0x0  }
0x5a: {  	[sflag:s23] =	ssyncadd.s32 $0xFFFFF000  }
0x5b: {  	_ =	swait.ge [sflag:s23], $0x1000  }
0x5c: {  	[sflag:s23] =	ssyncset.done $0x0  }
0x5d: {  	[sflag:s23] =	ssyncadd.s32 $0xFFFFF000  }
0x5e: {  	_ =	swait.ge [sflag:s23], $0x1000  }
0x5f: {  	[sflag:s23] =	ssyncset.done $0x0  }
0x60: {  	[sflag:s23] =	ssyncadd.s32 $0xFFFFF000  }
0x61: {  	_ =	swait.ge [sflag:s23], $0x1000  }
0x62: {  	[sflag:s23] =	ssyncset.done $0x0  }
0x63: {  	[sflag:s23] =	ssyncadd.s32 $0xFFFFF000  }
0x64: {  	_ =	swait.ge [sflag:s23], $0x1000  }
0x65: {  	[sflag:s23] =	ssyncset.done $0x0  }
0x66: {  	[sflag:s23] =	ssyncadd.s32 $0xFFFFF000  }
0x67: {  	_ =	swait.ge [sflag:s23], $0x1000  }
0x68: {  	[sflag:s23] =	ssyncset.done $0x0  }
0x69: {  	[sflag:s23] =	ssyncadd.s32 $0xFFFFF000  }
0x6a: {  	_ =	swait.ge [sflag:s23], $0x1000  }
.Ltmp0:
0x6b: {  	[sflag:s23] =	ssyncset.done $0x0;
	(pc) =	sbr.rel @p0 .LBB2_2-.Ltmp0, $4  }
0x6c: {  	[sflag:s23] =	ssyncadd.s32 $0xFFFFF000  }
0x6d: {  	[hbm4b:s25+s2] =	stream.linear.scatter [tilespmem:s9], [sflag:$0x2], $0x8000, $0x38;
	[tilespmem:$0x8400] =	vst v63  }
0x6e: {  	_ =	swait.ge [sflag:s7], $0x8000  }
0x6f: {  	s29 =	smov.u32 s28;
	s25 =	sadd.s32 $0x1000, s25;
	[sflag:s7] =	ssyncset.done $0x0  }
0x70: {  	s26 =	sadd.s32 s26, s6;
	[sflag:s7] =	ssyncadd.s32 $0xFFFF8000  }
0x71: {  	[tilespmem:s2], [sflag:$0x2] =	stream.linear.gather [hbm4b:s26+s2], $0x400, $0x38;
	[tilespmem:$0x8400] =	vst v63  }
0x72: {  	_ =	swait.ge [sflag:s7], $0x400  }
0x73: {  	[sflag:s7] =	ssyncset.done $0x0  }
0x74: {  	[sflag:s7] =	ssyncadd.s32 $0xFFFFFC00  }
0x75: {  	[tilespmem:s9], [sflag:$0x1] =	stream.indirect.gather [hbm4b:s3+s8], $0x20, s2, s8, $0xb8;
	[tilespmem:$0x8400] =	vst v63  }
0x76: {  	_ = 	snop  }
0x77: {  	[tilespmem:s10], [sflag:$0x1] =	stream.indirect.gather [hbm4b:s3+s8], $0x20, s8, s8, $0xb8;
	[tilespmem:$0x8400] =	vst v63  }
0x78: {  	_ = 	snop  }
0x79: {  	[tilespmem:s12], [sflag:$0x1] =	stream.indirect.gather [hbm4b:s3+s8], $0x20, s11, s8, $0xb8;
	[tilespmem:$0x8400] =	vst v63  }
0x7a: {  	_ = 	snop  }
0x7b: {  	[tilespmem:s14], [sflag:$0x1] =	stream.indirect.gather [hbm4b:s3+s8], $0x20, s13, s8, $0xb8;
	[tilespmem:$0x8400] =	vst v63  }
0x7c: {  	_ = 	snop  }
0x7d: {  	[tilespmem:s16], [sflag:$0x1] =	stream.indirect.gather [hbm4b:s3+s8], $0x20, s15, s8, $0xb8;
	[tilespmem:$0x8400] =	vst v63  }
0x7e: {  	_ = 	snop  }
0x7f: {  	[tilespmem:s18], [sflag:$0x1] =	stream.indirect.gather [hbm4b:s3+s8], $0x20, s17, s8, $0xb8;
	[tilespmem:$0x8400] =	vst v63  }
0x80: {  	_ = 	snop  }
0x81: {  	[tilespmem:s20], [sflag:$0x1] =	stream.indirect.gather [hbm4b:s3+s8], $0x20, s19, s8, $0xb8;
	[tilespmem:$0x8400] =	vst v63  }
0x82: {  	_ = 	snop  }
0x83: {  	[tilespmem:s22], [sflag:$0x1] =	stream.indirect.gather [hbm4b:s3+s8], $0x20, s21, s8, $0xb8;
	[tilespmem:$0x8400] =	vst v63  }
0x84: {  	_ =	swait.ge [sflag:s23], $0x1000  }
0x85: {  	[sflag:s23] =	ssyncset.done $0x0  }
0x86: {  	[sflag:s23] =	ssyncadd.s32 $0xFFFFF000  }
0x87: {  	_ =	swait.ge [sflag:s23], $0x1000  }
0x88: {  	[sflag:s23] =	ssyncset.done $0x0  }
0x89: {  	[sflag:s23] =	ssyncadd.s32 $0xFFFFF000  }
0x8a: {  	_ =	swait.ge [sflag:s23], $0x1000  }
0x8b: {  	[sflag:s23] =	ssyncset.done $0x0  }
0x8c: {  	[sflag:s23] =	ssyncadd.s32 $0xFFFFF000  }
0x8d: {  	_ =	swait.ge [sflag:s23], $0x1000  }
0x8e: {  	[sflag:s23] =	ssyncset.done $0x0  }
0x8f: {  	[sflag:s23] =	ssyncadd.s32 $0xFFFFF000  }
0x90: {  	_ =	swait.ge [sflag:s23], $0x1000  }
0x91: {  	[sflag:s23] =	ssyncset.done $0x0  }
0x92: {  	[sflag:s23] =	ssyncadd.s32 $0xFFFFF000  }
0x93: {  	_ =	swait.ge [sflag:s23], $0x1000  }
0x94: {  	[sflag:s23] =	ssyncset.done $0x0  }
0x95: {  	[sflag:s23] =	ssyncadd.s32 $0xFFFFF000  }
0x96: {  	_ =	swait.ge [sflag:s23], $0x1000  }
0x97: {  	[sflag:s23] =	ssyncset.done $0x0  }
0x98: {  	[sflag:s23] =	ssyncadd.s32 $0xFFFFF000  }
0x99: {  	s24 =	sadd.s32 $0x1, s24;
	_ =	swait.ge [sflag:s23], $0x1000  }
0x9a: {  	p0 =	sne.s32 s24, s4;
	[sflag:s23] =	ssyncset.done $0x0  }
.Ltmp1:
0x9b: {  	[sflag:s23] =	ssyncadd.s32 $0xFFFFF000;
	(pc) =	sbr.rel @p0 .LBB2_1-.Ltmp1, $4  }
0x9c: {  	[hbm4b:s25+s2] =	stream.linear.scatter [tilespmem:s9], [sflag:$0x2], $0x8000, $0x38;
	[tilespmem:$0x8400] =	vst v63  }
0x9d: {  	_ =	swait.ge [sflag:s7], $0x8000  }
0x9e: {  	[sflag:s7] =	ssyncset.done $0x0  }
0x9f: {  	[sflag:s7] =	ssyncadd.s32 $0xFFFF8000  }
0xa0: {  	_ =	sfence.sel $0x180000  }
0xa1: {  	[bflag:$0x0] =	sbarrier.arrive $0xFFFF  }
0xa2: {  	p0 =	sne.s32 s1, $0x0;
	_ =	strace $0x9000004A  }
0xa3: {  	s0 =	sadd.s32 @!p0 $0x100000, s0;
	[bflag:$0x2] =	sbarrier.arrive $0xFFFF  }
0xa4: {  	[sflag:s0] =	ssyncadd.tile.s32 @!p0 $0x1;
	_ =	shalt  }
.Lfunc_end2:
_tile_overlayer_lowered:
.L_overlay_start_2:
0xa5: {  	(tag) =	ssettag $0x2  }
0xa6: {  	s0 =	rddreg [dreg:$0x0];
	s2 =	stileid.u32  }
0xa7: {  	s1 =	rddreg [dreg:$0x1];
	p0 =	sne.s32 s2, $0x0  }
0xa8: {  	s3 =	rddreg [dreg:$0x2];
	[bflag:$0x3] =	sbarrier.arrive $0xFFFF;
	s2 =	simm.s32 @!p0 $0x1C02  }
0xa9: {  	[timem:s3], [sflag:s2] =	dma.local @!p0 [hbm:s0], s1  }
0xaa: {  	s0 =	simm.s32 @!p0 $0x2  }
0xab: {  	_ =	swait.ge @!p0 [sflag:s0], s1  }
0xac: {  	s1 =	ssub.s32 @!p0 $0x0, s1;
	[sflag:s0] =	ssyncset.done @!p0 $0x0  }
0xad: {  	[sflag:s0] =	ssyncadd.s32 @!p0 s1  }
0xae: {  	[bflag:$0x3] =	sbarrier.arrive $0xFFFF  }
0xaf: {  	_ =	shalt  }

</sc_bundles>
